<compile_context>
chip_gen: v7x
topology: tpu7x:2x2x1
jax: 0.10.2.dev20260603
libtpu: 0.0.44.dev20260713+nightly
codegen_flags: <defaults>
</compile_context>

<pallas_src>
import functools

import jax
import jax.numpy as jnp
from jax import lax
from jax.experimental import pallas as pl
from jax.experimental.pallas import tpu as pltpu
from jax.experimental.pallas import tpu_sc as plsc

N = 10000
E = 320000
D = 128
DH = 64
NC = 2
NS = 16
EPT = E // NS
G = 80
NCH = EPT // G
RPS = N // NS
ZB = 125
ND = 10240
DPS = ND // NS
DROWS = NCH // NC
NBUF = 4

BLK = 2000


def _sc_segment_sum(p_split, src_t, dst_t, compute_deg):
    mesh = plsc.VectorSubcoreMesh(core_axis_name="c", subcore_axis_name="s")

    out_type = [jax.ShapeDtypeStruct((N, D), jnp.float32)]
    scratch = [
        pltpu.VMEM((NCH, G), jnp.int32),
        pltpu.VMEM((NCH, G), jnp.int32),
    ] + [pltpu.VMEM((G, DH), jnp.float32) for _ in range(NBUF)] + [
        pltpu.VMEM((ZB, DH), jnp.float32),
        pltpu.VMEM_SHARED((N, DH), jnp.float32),
    ] + [pltpu.SemaphoreType.DMA for _ in range(NBUF)]
    if compute_deg:
        out_type.append(jax.ShapeDtypeStruct((NC, ND), jnp.float32))
        scratch += [
            pltpu.VMEM((ND,), jnp.float32),
            pltpu.VMEM((DPS,), jnp.float32),
            pltpu.VMEM_SHARED((NS, ND), jnp.float32),
        ]

    @functools.partial(
        pl.kernel,
        mesh=mesh,
        compiler_params=pltpu.CompilerParams(
            use_tc_tiling_on_sc=False, needs_layout_passes=False),
        out_type=tuple(out_type),
        scratch_types=scratch,
    )
    def k(p_hbm, src_hbm, dst_hbm, *refs):
        if compute_deg:
            acc_hbm, deg_hbm = refs[0], refs[1]
            rest = refs[2:]
        else:
            acc_hbm = refs[0]
            rest = refs[1:]
        src_v, dst_v = rest[0], rest[1]
        bufs = rest[2:2 + NBUF]
        buf_v, acc_sh = rest[2 + NBUF], rest[3 + NBUF]
        sems = rest[4 + NBUF:4 + 2 * NBUF]
        if compute_deg:
            degv, dsum, dstage = rest[4 + 2 * NBUF:]

        c = lax.axis_index("c")
        s = lax.axis_index("s")

        pltpu.sync_copy(src_hbm.at[c, s], src_v)
        pltpu.sync_copy(dst_hbm.at[s], dst_v)

        zeros16 = jnp.zeros((16,), jnp.float32)

        def zrow(i, carry):
            for j in range(DH // 16):
                buf_v[i, pl.ds(j * 16, 16)] = zeros16
            return carry

        lax.fori_loop(0, ZB, zrow, 0)

        def zslab(i, carry):
            pltpu.sync_copy(buf_v, acc_sh.at[pl.ds(s * RPS + i * ZB, ZB)])
            return carry

        lax.fori_loop(0, RPS // ZB, zslab, 0)

        if compute_deg:
            def zdeg(i, carry):
                degv[pl.ds(i * 16, 16)] = zeros16
                return carry

            lax.fori_loop(0, ND // 16, zdeg, 0)

        plsc.subcore_barrier()

        def start_g(j, buf, sem):
            pltpu.async_copy(p_hbm.at[src_v.at[j]], buf, sem)

        def wait_g(j, buf, sem):
            pltpu.make_async_copy(p_hbm.at[src_v.at[j]], buf, sem).wait()

        def start_s(j, buf, sem):
            pltpu.async_copy(buf, acc_sh.at[dst_v.at[j]], sem, add=True)

        def wait_s(j, buf, sem):
            pltpu.make_async_copy(buf, acc_sh.at[dst_v.at[j]], sem).wait()

        ones16 = jnp.ones((16,), jnp.float32)

        def deg_row(t):
            row = c * DROWS + t
            for j in range(G // 16):
                idx = dst_v[row, pl.ds(j * 16, 16)]
                plsc.addupdate_scatter(degv, [idx], ones16)

        for k in range(NBUF):
            start_g(k, bufs[k], sems[k])

        QT = (NCH - 2 * NBUF) // NBUF + 1
        JE = QT * NBUF

        def quad(t, carry):
            for k in range(NBUF):
                j = NBUF * t + k
                wait_g(j, bufs[k], sems[k])
                start_s(j, bufs[k], sems[k])
                if compute_deg and k in (0, 2):
                    deg_row(2 * t + k // 2)
                wait_s(j, bufs[k], sems[k])
                start_g(j + NBUF, bufs[k], sems[k])
            return carry

        lax.fori_loop(0, QT, quad, 0)

        for j in range(JE, NCH):
            k = j % NBUF
            wait_g(j, bufs[k], sems[k])
            start_s(j, bufs[k], sems[k])
            wait_s(j, bufs[k], sems[k])
            if j + NBUF < NCH:
                start_g(j + NBUF, bufs[k], sems[k])
        if compute_deg:
            for r in range(2 * QT, DROWS):
                deg_row(r)
        plsc.subcore_barrier()

        def wslab(i, carry):
            rows = pl.ds(s * RPS + i * ZB, ZB)
            pltpu.sync_copy(acc_sh.at[rows], buf_v)
            pltpu.sync_copy(buf_v, acc_hbm.at[rows, pl.ds(c * DH, DH)])
            return carry

        lax.fori_loop(0, RPS // ZB, wslab, 0)

        if compute_deg:
            pltpu.sync_copy(degv, dstage.at[s])
            plsc.subcore_barrier()

            def dzero(i, carry):
                dsum[pl.ds(i * 16, 16)] = zeros16
                return carry

            lax.fori_loop(0, DPS // 16, dzero, 0)

            def dred(r, carry):
                pltpu.sync_copy(dstage.at[r, pl.ds(s * DPS, DPS)], degv.at[pl.ds(0, DPS)])
                for i in range(DPS // 16):
                    sl = pl.ds(i * 16, 16)
                    dsum[sl] = dsum[sl] + degv[sl]
                return carry

            lax.fori_loop(0, NS, dred, 0)
            pltpu.sync_copy(dsum, deg_hbm.at[c, pl.ds(s * DPS, DPS)])

    return k(p_split, src_t, dst_t)


EROWS = E // 128


def _tc_idx_prep(srcf):

    def body(s_ref, o_ref):
        s2 = s_ref[...] * 2
        o_ref[0] = s2
        o_ref[1] = s2 + 1

    return pl.pallas_call(
        body,
        in_specs=[pl.BlockSpec((EROWS, 128), lambda: (0, 0))],
        out_specs=pl.BlockSpec((NC, EROWS, 128), lambda: (0, 0, 0)),
        out_shape=jax.ShapeDtypeStruct((NC, EROWS, 128), jnp.int32),
    )(srcf)


def _tc_project(x, Wl):

    def body(x_ref, wl_ref, out_ref):
        out_ref[...] = jnp.dot(x_ref[...], wl_ref[...],
                               preferred_element_type=jnp.float32)

    return pl.pallas_call(
        body,
        grid=(N // BLK,),
        in_specs=[
            pl.BlockSpec((BLK, D), lambda i: (i, 0)),
            pl.BlockSpec((D, D), lambda i: (0, 0)),
        ],
        out_specs=pl.BlockSpec((BLK, D), lambda i: (i, 0)),
        out_shape=jax.ShapeDtypeStruct((N, D), jnp.float32),
    )(x, Wl)


def _agg_from_acc(acc_ref, deg_ref):
    return acc_ref[...] / jnp.clip(deg_ref[...], 1.0, None)


def _tc_mid(acc, deg, x, Wr1, b1, Wl2, Wr2, b2):

    def body(acc_ref, deg_ref, x_ref, wr1_ref, b1_ref, wl2_ref,
             wr2_ref, b2_ref, p2_ref, r2_ref):
        agg = _agg_from_acc(acc_ref, deg_ref)
        h = jnp.maximum(
            agg + jnp.dot(x_ref[...], wr1_ref[...],
                          preferred_element_type=jnp.float32) + b1_ref[...],
            0.0)
        p2_ref[...] = jnp.dot(h, wl2_ref[...],
                              preferred_element_type=jnp.float32)
        r2_ref[...] = jnp.dot(h, wr2_ref[...],
                              preferred_element_type=jnp.float32) + b2_ref[...]

    return pl.pallas_call(
        body,
        grid=(N // BLK,),
        in_specs=[
            pl.BlockSpec((BLK, D), lambda i: (i, 0)),
            pl.BlockSpec((BLK, 1), lambda i: (i, 0)),
            pl.BlockSpec((BLK, D), lambda i: (i, 0)),
            pl.BlockSpec((D, D), lambda i: (0, 0)),
            pl.BlockSpec((1, D), lambda i: (0, 0)),
            pl.BlockSpec((D, D), lambda i: (0, 0)),
            pl.BlockSpec((D, D), lambda i: (0, 0)),
            pl.BlockSpec((1, D), lambda i: (0, 0)),
        ],
        out_specs=[
            pl.BlockSpec((BLK, D), lambda i: (i, 0)),
            pl.BlockSpec((BLK, D), lambda i: (i, 0)),
        ],
        out_shape=[
            jax.ShapeDtypeStruct((N, D), jnp.float32),
            jax.ShapeDtypeStruct((N, D), jnp.float32),
        ],
    )(acc, deg, x, Wr1, b1, Wl2, Wr2, b2)


def _tc_final(acc, deg, r2):

    def body(acc_ref, deg_ref, r2_ref, out_ref):
        t = _agg_from_acc(acc_ref, deg_ref) + r2_ref[...]
        m = jnp.max(t, axis=-1, keepdims=True)
        lse = m + jnp.log(jnp.sum(jnp.exp(t - m), axis=-1, keepdims=True))
        out_ref[...] = t - lse

    return pl.pallas_call(
        body,
        grid=(N // BLK,),
        in_specs=[
            pl.BlockSpec((BLK, D), lambda i: (i, 0)),
            pl.BlockSpec((BLK, 1), lambda i: (i, 0)),
            pl.BlockSpec((BLK, D), lambda i: (i, 0)),
        ],
        out_specs=pl.BlockSpec((BLK, D), lambda i: (i, 0)),
        out_shape=jax.ShapeDtypeStruct((N, D), jnp.float32),
    )(acc, deg, r2)


def kernel(x, edge_index, Wl1, Wr1, b1, Wl2, Wr2, b2):
    srcf = edge_index[0].astype(jnp.int32).reshape(EROWS, 128)
    src = _tc_idx_prep(srcf).reshape(NC, NS, NCH, G)
    dst = edge_index[1].astype(jnp.int32).reshape(NS, NCH, G)
    b1r = b1.reshape(1, D)
    b2r = b2.reshape(1, D)

    p1 = _tc_project(x, Wl1).reshape(2 * N, DH)
    acc1, deg = _sc_segment_sum(p1, src, dst, compute_deg=True)
    deg = (deg[0, :N] + deg[1, :N]).reshape(N, 1)
    p2, r2 = _tc_mid(acc1, deg, x, Wr1, b1r, Wl2, Wr2, b2r)
    (acc2,) = _sc_segment_sum(p2.reshape(2 * N, DH), src, dst,
                              compute_deg=False)
    return _tc_final(acc2, deg, r2)

# --- scband reference (transcript-rebuilt; emitter-appended) ---
"""Pipeline reference for scband-sage-87084756893761 (READ-ONLY COPY).

The authoritative reference and input builder live on the scoring server;
editing this copy changes nothing except your own understanding.
"""

import jax, jax.numpy as jnp
import numpy as np

N_NODES = 10000
N_EDGES = 320000
D_IN = 128
D_HID = 128
D_OUT = 128

def setup_inputs(seed: int = 0) -> dict:
    key = jax.random.key(seed)
    ks = jax.random.split(key, 8)
    x = jax.random.normal(ks[0], (N_NODES, D_IN), dtype=jnp.float32)
    edge_index = jax.random.randint(ks[1], (2, N_EDGES), 0, N_NODES, dtype=jnp.int64)
    Wl1 = jax.random.normal(ks[2], (D_IN, D_HID), dtype=jnp.float32) * 0.05
    Wr1 = jax.random.normal(ks[3], (D_IN, D_HID), dtype=jnp.float32) * 0.05
    b1 = jnp.zeros((D_HID,), dtype=jnp.float32)
    Wl2 = jax.random.normal(ks[4], (D_HID, D_OUT), dtype=jnp.float32) * 0.05
    Wr2 = jax.random.normal(ks[5], (D_HID, D_OUT), dtype=jnp.float32) * 0.05
    b2 = jnp.zeros((D_OUT,), dtype=jnp.float32)
    return {"x": x, "edge_index": edge_index, "Wl1": Wl1, "Wr1": Wr1, "b1": b1, "Wl2": Wl2, "Wr2": Wr2, "b2": b2}

def _sage_conv(x, src, dst, Wl, Wr, b, num_nodes):
    # PyG SAGEConv (mean aggr): out = lin_l(mean_{j in N(i)} x_j) + lin_r(x_i) + b
    msg = jnp.take(x, src, axis=0)                                   # gather source features
    agg = jax.ops.segment_sum(msg, dst, num_segments=num_nodes)      # scatter-add by dst
    deg = jax.ops.segment_sum(jnp.ones((src.shape[0], 1), dtype=x.dtype), dst, num_segments=num_nodes)
    agg = agg / jnp.clip(deg, 1.0, None)                             # mean aggregation
    return agg @ Wl + x @ Wr + b

def reference(x, edge_index, Wl1, Wr1, b1, Wl2, Wr2, b2):
    src = edge_index[0]
    dst = edge_index[1]
    n = x.shape[0]
    # layer 1 (dropout p=0.0 is identity)
    h = _sage_conv(x, src, dst, Wl1, Wr1, b1, n)
    h = jax.nn.relu(h)
    # layer 2 + log_softmax
    h = _sage_conv(h, src, dst, Wl2, Wr2, b2, n)
    out = h - jax.nn.logsumexp(h, axis=-1, keepdims=True)
    return out

if __name__ == "__main__":
    import jax
    _d = setup_inputs()
    print(jax.jit(kernel)(*tuple(_d.values())))

</pallas_src>

<mosaic_0001>
#map = affine_map<(d0, d1) -> (0, 0)>
#map1 = affine_map<(d0, d1) -> (0, 0, 0, 0)>
#map2 = affine_map<(d0, d1) -> (0, 0, 0)>
module attributes {stable_mosaic.version = 14 : i64} {
  func.func @k(%arg0: i32, %arg1: i32, %arg2: memref<20000x64xf32, #tpu.memory_space<hbm>>, %arg3: memref<2x16x250x80xi32, #tpu.memory_space<hbm>>, %arg4: memref<16x250x80xi32, #tpu.memory_space<hbm>>, %arg5: memref<10000x128xf32, #tpu.memory_space<hbm>>, %arg6: memref<2x10240xf32, #tpu.memory_space<hbm>>, %arg7: memref<250x80xi32, #tpu.memory_space<vmem>>, %arg8: memref<250x80xi32, #tpu.memory_space<vmem>>, %arg9: memref<80x64xf32, #tpu.memory_space<vmem>>, %arg10: memref<80x64xf32, #tpu.memory_space<vmem>>, %arg11: memref<80x64xf32, #tpu.memory_space<vmem>>, %arg12: memref<80x64xf32, #tpu.memory_space<vmem>>, %arg13: memref<125x64xf32, #tpu.memory_space<vmem>>, %arg14: memref<10000x64xf32, #tpu.memory_space<vmem_shared>>, %arg15: memref<!tpu.dma_semaphore, #tpu.memory_space<semaphore_mem>>, %arg16: memref<!tpu.dma_semaphore, #tpu.memory_space<semaphore_mem>>, %arg17: memref<!tpu.dma_semaphore, #tpu.memory_space<semaphore_mem>>, %arg18: memref<!tpu.dma_semaphore, #tpu.memory_space<semaphore_mem>>, %arg19: memref<10240xf32, #tpu.memory_space<vmem>>, %arg20: memref<640xf32, #tpu.memory_space<vmem>>, %arg21: memref<16x10240xf32, #tpu.memory_space<vmem_shared>>) attributes {dimension_semantics = [#tpu.dimension_semantics<core_parallel>, #tpu.dimension_semantics<subcore_parallel>], iteration_bounds = array<i64: 2, 16>, scalar_prefetch = 0 : i64, scratch_operands = 15 : i64, tpu.core_type = #tpu.core_type<sc_vector_subcore>, window_params = [{transform_indices = #map}, {transform_indices = #map1}, {transform_indices = #map2}, {transform_indices = #map}, {transform_indices = #map}]} {
    "tpu.region"() ({
      %run_scoped3A = tpu.sem_alloc : memref<!tpu.dma_semaphore, #tpu.memory_space<semaphore_mem>>
      %dma_start3A_268 = arith.constant 0 : i32
      %dma_start3A_269 = arith.constant 0 : i32
      %dma_start3A_270 = tpu.memref_slice %arg3[%arg0, %arg1, %dma_start3A_268, %dma_start3A_269] : memref<2x16x250x80xi32, #tpu.memory_space<hbm>> -> memref<1x1x250x80xi32, #tpu.memory_space<hbm>>
      %dma_start3A_271 = tpu.memref_squeeze %dma_start3A_270 : memref<1x1x250x80xi32, #tpu.memory_space<hbm>> -> memref<250x80xi32, #tpu.memory_space<hbm>>
      %dma_start3A_272 = arith.constant 0 : i32
      %dma_start3A_273 = arith.constant 0 : i32
      %dma_start3A_274 = tpu.memref_slice %arg3[%arg0, %arg1, %dma_start3A_272, %dma_start3A_273] : memref<2x16x250x80xi32, #tpu.memory_space<hbm>> -> memref<1x1x250x80xi32, #tpu.memory_space<hbm>>
      %dma_start3A_275 = tpu.memref_squeeze %dma_start3A_274 : memref<1x1x250x80xi32, #tpu.memory_space<hbm>> -> memref<250x80xi32, #tpu.memory_space<hbm>>
      tpu.enqueue_dma source(%dma_start3A_275 : memref<250x80xi32, #tpu.memory_space<hbm>>) target(%arg7 : memref<250x80xi32, #tpu.memory_space<vmem>>) target_semaphore(%run_scoped3A : memref<!tpu.dma_semaphore, #tpu.memory_space<semaphore_mem>>)
      %dma_wait3A_276 = arith.constant 0 : i32
      %dma_wait3A_277 = arith.constant 0 : i32
      %dma_wait3A_278 = tpu.memref_slice %arg3[%arg0, %arg1, %dma_wait3A_276, %dma_wait3A_277] : memref<2x16x250x80xi32, #tpu.memory_space<hbm>> -> memref<1x1x250x80xi32, #tpu.memory_space<hbm>>
      %dma_wait3A_279 = tpu.memref_squeeze %dma_wait3A_278 : memref<1x1x250x80xi32, #tpu.memory_space<hbm>> -> memref<250x80xi32, #tpu.memory_space<hbm>>
      %dma_wait3A_280 = arith.constant 0 : i32
      %dma_wait3A_281 = arith.constant 0 : i32
      %dma_wait3A_282 = tpu.memref_slice %arg3[%arg0, %arg1, %dma_wait3A_280, %dma_wait3A_281] : memref<2x16x250x80xi32, #tpu.memory_space<hbm>> -> memref<1x1x250x80xi32, #tpu.memory_space<hbm>>
      %dma_wait3A_283 = tpu.memref_squeeze %dma_wait3A_282 : memref<1x1x250x80xi32, #tpu.memory_space<hbm>> -> memref<250x80xi32, #tpu.memory_space<hbm>>
      tpu.wait_dma2 semaphore(%run_scoped3A : memref<!tpu.dma_semaphore, #tpu.memory_space<semaphore_mem>>) src(%dma_wait3A_283 : memref<250x80xi32, #tpu.memory_space<hbm>>) dst(%arg7 : memref<250x80xi32, #tpu.memory_space<vmem>>)
      tpu.yield
    }) : () -> ()
    "tpu.region"() ({
      %run_scoped3A = tpu.sem_alloc : memref<!tpu.dma_semaphore, #tpu.memory_space<semaphore_mem>>
      %dma_start3A_268 = arith.constant 0 : i32
      %dma_start3A_269 = arith.constant 0 : i32
      %dma_start3A_270 = tpu.memref_slice %arg4[%arg1, %dma_start3A_268, %dma_start3A_269] : memref<16x250x80xi32, #tpu.memory_space<hbm>> -> memref<1x250x80xi32, #tpu.memory_space<hbm>>
      %dma_start3A_271 = tpu.memref_squeeze %dma_start3A_270 : memref<1x250x80xi32, #tpu.memory_space<hbm>> -> memref<250x80xi32, #tpu.memory_space<hbm>>
      %dma_start3A_272 = arith.constant 0 : i32
      %dma_start3A_273 = arith.constant 0 : i32
      %dma_start3A_274 = tpu.memref_slice %arg4[%arg1, %dma_start3A_272, %dma_start3A_273] : memref<16x250x80xi32, #tpu.memory_space<hbm>> -> memref<1x250x80xi32, #tpu.memory_space<hbm>>
      %dma_start3A_275 = tpu.memref_squeeze %dma_start3A_274 : memref<1x250x80xi32, #tpu.memory_space<hbm>> -> memref<250x80xi32, #tpu.memory_space<hbm>>
      tpu.enqueue_dma source(%dma_start3A_275 : memref<250x80xi32, #tpu.memory_space<hbm>>) target(%arg8 : memref<250x80xi32, #tpu.memory_space<vmem>>) target_semaphore(%run_scoped3A : memref<!tpu.dma_semaphore, #tpu.memory_space<semaphore_mem>>)
      %dma_wait3A_276 = arith.constant 0 : i32
      %dma_wait3A_277 = arith.constant 0 : i32
      %dma_wait3A_278 = tpu.memref_slice %arg4[%arg1, %dma_wait3A_276, %dma_wait3A_277] : memref<16x250x80xi32, #tpu.memory_space<hbm>> -> memref<1x250x80xi32, #tpu.memory_space<hbm>>
      %dma_wait3A_279 = tpu.memref_squeeze %dma_wait3A_278 : memref<1x250x80xi32, #tpu.memory_space<hbm>> -> memref<250x80xi32, #tpu.memory_space<hbm>>
      %dma_wait3A_280 = arith.constant 0 : i32
      %dma_wait3A_281 = arith.constant 0 : i32
      %dma_wait3A_282 = tpu.memref_slice %arg4[%arg1, %dma_wait3A_280, %dma_wait3A_281] : memref<16x250x80xi32, #tpu.memory_space<hbm>> -> memref<1x250x80xi32, #tpu.memory_space<hbm>>
      %dma_wait3A_283 = tpu.memref_squeeze %dma_wait3A_282 : memref<1x250x80xi32, #tpu.memory_space<hbm>> -> memref<250x80xi32, #tpu.memory_space<hbm>>
      tpu.wait_dma2 semaphore(%run_scoped3A : memref<!tpu.dma_semaphore, #tpu.memory_space<semaphore_mem>>) src(%dma_wait3A_283 : memref<250x80xi32, #tpu.memory_space<hbm>>) dst(%arg8 : memref<250x80xi32, #tpu.memory_space<vmem>>)
      tpu.yield
    }) : () -> ()
    %broadcast_in_dim3A = arith.constant 0.000000e+00 : f32
    %broadcast_in_dim3A_0 = vector.broadcast %broadcast_in_dim3A : f32 to vector<16xf32>
    %scan3A = arith.constant 0 : i32
    %scan3A_1 = arith.constant 0 : i32
    %scan3A_2 = arith.constant 125 : i32
    %scan3A_3 = arith.addi %scan3A_1, %scan3A_2 : i32
    %scan3A_4 = arith.constant 1 : i32
    scf.for %scan3A_268 = %scan3A_1 to %scan3A_3 step %scan3A_4  : i32 {
      %swap3A = arith.index_cast %scan3A_268 : i32 to index
      %swap3A_269 = arith.constant 0 : index
      %swap3A_270 = tpu.vector_load %arg13[%swap3A, %swap3A_269] {strides = array<i32>} : memref<125x64xf32, #tpu.memory_space<vmem>>, vector<16xf32>,
      tpu.vector_store %arg13[%swap3A, %swap3A_269], %broadcast_in_dim3A_0 {strides = array<i32>} : memref<125x64xf32, #tpu.memory_space<vmem>>, vector<16xf32>,
      %swap3A_271 = arith.index_cast %scan3A_268 : i32 to index
      %swap3A_272 = arith.constant 16 : index
      %swap3A_273 = tpu.vector_load %arg13[%swap3A_271, %swap3A_272] {strides = array<i32>} : memref<125x64xf32, #tpu.memory_space<vmem>>, vector<16xf32>,
      tpu.vector_store %arg13[%swap3A_271, %swap3A_272], %broadcast_in_dim3A_0 {strides = array<i32>} : memref<125x64xf32, #tpu.memory_space<vmem>>, vector<16xf32>,
      %swap3A_274 = arith.index_cast %scan3A_268 : i32 to index
      %swap3A_275 = arith.constant 32 : index
      %swap3A_276 = tpu.vector_load %arg13[%swap3A_274, %swap3A_275] {strides = array<i32>} : memref<125x64xf32, #tpu.memory_space<vmem>>, vector<16xf32>,
      tpu.vector_store %arg13[%swap3A_274, %swap3A_275], %broadcast_in_dim3A_0 {strides = array<i32>} : memref<125x64xf32, #tpu.memory_space<vmem>>, vector<16xf32>,
      %swap3A_277 = arith.index_cast %scan3A_268 : i32 to index
      %swap3A_278 = arith.constant 48 : index
      %swap3A_279 = tpu.vector_load %arg13[%swap3A_277, %swap3A_278] {strides = array<i32>} : memref<125x64xf32, #tpu.memory_space<vmem>>, vector<16xf32>,
      tpu.vector_store %arg13[%swap3A_277, %swap3A_278], %broadcast_in_dim3A_0 {strides = array<i32>} : memref<125x64xf32, #tpu.memory_space<vmem>>, vector<16xf32>,
    }
    %scan3A_5 = arith.constant 125 : i32
    %scan3A_6 = arith.constant 0 : i32
    %scan3A_7 = arith.constant 0 : i32
    %scan3A_8 = arith.constant 5 : i32
    %scan3A_9 = arith.addi %scan3A_7, %scan3A_8 : i32
    %scan3A_10 = arith.constant 1 : i32
    scf.for %scan3A_268 = %scan3A_7 to %scan3A_9 step %scan3A_10  : i32 {
      %mul3A_269 = arith.constant 625 : i32
      %mul3A_270 = arith.muli %arg1, %mul3A_269 : i32
      %mul3A_271 = arith.constant 125 : i32
      %mul3A_272 = arith.muli %scan3A_268, %mul3A_271 : i32
      %add3A_273 = arith.addi %mul3A_270, %mul3A_272 : i32
      "tpu.region"() ({
        %run_scoped3A = tpu.sem_alloc : memref<!tpu.dma_semaphore, #tpu.memory_space<semaphore_mem>>
        %dma_start3A_274 = arith.constant 0 : i32
        %dma_start3A_275 = tpu.memref_slice %arg14[%add3A_273, %dma_start3A_274] : memref<10000x64xf32, #tpu.memory_space<vmem_shared>> -> memref<125x64xf32, #tpu.memory_space<vmem_shared>>
        %dma_start3A_276 = arith.constant 0 : i32
        %dma_start3A_277 = tpu.memref_slice %arg14[%add3A_273, %dma_start3A_276] : memref<10000x64xf32, #tpu.memory_space<vmem_shared>> -> memref<125x64xf32, #tpu.memory_space<vmem_shared>>
        tpu.enqueue_dma source(%arg13 : memref<125x64xf32, #tpu.memory_space<vmem>>) target(%dma_start3A_277 : memref<125x64xf32, #tpu.memory_space<vmem_shared>>) target_semaphore(%run_scoped3A : memref<!tpu.dma_semaphore, #tpu.memory_space<semaphore_mem>>)
        %dma_wait3A_278 = arith.constant 0 : i32
        %dma_wait3A_279 = tpu.memref_slice %arg14[%add3A_273, %dma_wait3A_278] : memref<10000x64xf32, #tpu.memory_space<vmem_shared>> -> memref<125x64xf32, #tpu.memory_space<vmem_shared>>
        %dma_wait3A_280 = arith.constant 0 : i32
        %dma_wait3A_281 = tpu.memref_slice %arg14[%add3A_273, %dma_wait3A_280] : memref<10000x64xf32, #tpu.memory_space<vmem_shared>> -> memref<125x64xf32, #tpu.memory_space<vmem_shared>>
        tpu.wait_dma2 semaphore(%run_scoped3A : memref<!tpu.dma_semaphore, #tpu.memory_space<semaphore_mem>>) src(%arg13 : memref<125x64xf32, #tpu.memory_space<vmem>>) dst(%dma_wait3A_281 : memref<125x64xf32, #tpu.memory_space<vmem_shared>>)
        tpu.yield
      }) : () -> ()
    }
    %scan3A_11 = arith.constant 5 : i32
    %scan3A_12 = arith.constant 0 : i32
    %scan3A_13 = arith.constant 0 : i32
    %scan3A_14 = arith.constant 640 : i32
    %scan3A_15 = arith.addi %scan3A_13, %scan3A_14 : i32
    %scan3A_16 = arith.constant 1 : i32
    scf.for %scan3A_268 = %scan3A_13 to %scan3A_15 step %scan3A_16  : i32 {
      %mul3A_269 = arith.constant 16 : i32
      %mul3A_270 = arith.muli %scan3A_268, %mul3A_269 : i32
      %swap3A = arith.index_cast %mul3A_270 : i32 to index
      %swap3A_271 = tpu.vector_load %arg19[%swap3A] {strides = array<i32>} : memref<10240xf32, #tpu.memory_space<vmem>>, vector<16xf32>,
      tpu.vector_store %arg19[%swap3A], %broadcast_in_dim3A_0 {strides = array<i32>} : memref<10240xf32, #tpu.memory_space<vmem>>, vector<16xf32>,
    }
    %scan3A_17 = arith.constant 640 : i32
    %barrier3A = arith.constant 0 : index
    tpu.barrier barrier_id(%barrier3A)
    %broadcast_in_dim3A_18 = arith.constant 1.000000e+00 : f32
    %broadcast_in_dim3A_19 = vector.broadcast %broadcast_in_dim3A_18 : f32 to vector<16xf32>
    %dma_start3A = arith.constant 0 : i32
    %dma_start3A_20 = arith.constant 0 : i32
    %dma_start3A_21 = tpu.memref_slice %arg7[%dma_start3A, %dma_start3A_20] : memref<250x80xi32, #tpu.memory_space<vmem>> -> memref<1x80xi32, #tpu.memory_space<vmem>>
    %dma_start3A_22 = tpu.memref_squeeze %dma_start3A_21 : memref<1x80xi32, #tpu.memory_space<vmem>> -> memref<80xi32, #tpu.memory_space<vmem>>
    %dma_start3A_23 = arith.constant 0 : i32
    %dma_start3A_24 = arith.constant 0 : i32
    %dma_start3A_25 = tpu.memref_slice %arg2[%dma_start3A_23, %dma_start3A_24] : memref<20000x64xf32, #tpu.memory_space<hbm>> -> memref<20000x64xf32, #tpu.memory_space<hbm>>
    tpu.enqueue_indirect_dma source(%dma_start3A_25 : memref<20000x64xf32, #tpu.memory_space<hbm>>) target(%arg9 : memref<80x64xf32, #tpu.memory_space<vmem>>) offsets(%dma_start3A_22 : memref<80xi32, #tpu.memory_space<vmem>>) semaphore(%arg15 : memref<!tpu.dma_semaphore, #tpu.memory_space<semaphore_mem>>)
    %dma_start3A_26 = arith.constant 1 : i32
    %dma_start3A_27 = arith.constant 0 : i32
    %dma_start3A_28 = tpu.memref_slice %arg7[%dma_start3A_26, %dma_start3A_27] : memref<250x80xi32, #tpu.memory_space<vmem>> -> memref<1x80xi32, #tpu.memory_space<vmem>>
    %dma_start3A_29 = tpu.memref_squeeze %dma_start3A_28 : memref<1x80xi32, #tpu.memory_space<vmem>> -> memref<80xi32, #tpu.memory_space<vmem>>
    %dma_start3A_30 = arith.constant 0 : i32
    %dma_start3A_31 = arith.constant 0 : i32
    %dma_start3A_32 = tpu.memref_slice %arg2[%dma_start3A_30, %dma_start3A_31] : memref<20000x64xf32, #tpu.memory_space<hbm>> -> memref<20000x64xf32, #tpu.memory_space<hbm>>
    tpu.enqueue_indirect_dma source(%dma_start3A_32 : memref<20000x64xf32, #tpu.memory_space<hbm>>) target(%arg10 : memref<80x64xf32, #tpu.memory_space<vmem>>) offsets(%dma_start3A_29 : memref<80xi32, #tpu.memory_space<vmem>>) semaphore(%arg16 : memref<!tpu.dma_semaphore, #tpu.memory_space<semaphore_mem>>)
    %dma_start3A_33 = arith.constant 2 : i32
    %dma_start3A_34 = arith.constant 0 : i32
    %dma_start3A_35 = tpu.memref_slice %arg7[%dma_start3A_33, %dma_start3A_34] : memref<250x80xi32, #tpu.memory_space<vmem>> -> memref<1x80xi32, #tpu.memory_space<vmem>>
    %dma_start3A_36 = tpu.memref_squeeze %dma_start3A_35 : memref<1x80xi32, #tpu.memory_space<vmem>> -> memref<80xi32, #tpu.memory_space<vmem>>
    %dma_start3A_37 = arith.constant 0 : i32
    %dma_start3A_38 = arith.constant 0 : i32
    %dma_start3A_39 = tpu.memref_slice %arg2[%dma_start3A_37, %dma_start3A_38] : memref<20000x64xf32, #tpu.memory_space<hbm>> -> memref<20000x64xf32, #tpu.memory_space<hbm>>
    tpu.enqueue_indirect_dma source(%dma_start3A_39 : memref<20000x64xf32, #tpu.memory_space<hbm>>) target(%arg11 : memref<80x64xf32, #tpu.memory_space<vmem>>) offsets(%dma_start3A_36 : memref<80xi32, #tpu.memory_space<vmem>>) semaphore(%arg17 : memref<!tpu.dma_semaphore, #tpu.memory_space<semaphore_mem>>)
    %dma_start3A_40 = arith.constant 3 : i32
    %dma_start3A_41 = arith.constant 0 : i32
    %dma_start3A_42 = tpu.memref_slice %arg7[%dma_start3A_40, %dma_start3A_41] : memref<250x80xi32, #tpu.memory_space<vmem>> -> memref<1x80xi32, #tpu.memory_space<vmem>>
    %dma_start3A_43 = tpu.memref_squeeze %dma_start3A_42 : memref<1x80xi32, #tpu.memory_space<vmem>> -> memref<80xi32, #tpu.memory_space<vmem>>
    %dma_start3A_44 = arith.constant 0 : i32
    %dma_start3A_45 = arith.constant 0 : i32
    %dma_start3A_46 = tpu.memref_slice %arg2[%dma_start3A_44, %dma_start3A_45] : memref<20000x64xf32, #tpu.memory_space<hbm>> -> memref<20000x64xf32, #tpu.memory_space<hbm>>
    tpu.enqueue_indirect_dma source(%dma_start3A_46 : memref<20000x64xf32, #tpu.memory_space<hbm>>) target(%arg12 : memref<80x64xf32, #tpu.memory_space<vmem>>) offsets(%dma_start3A_43 : memref<80xi32, #tpu.memory_space<vmem>>) semaphore(%arg18 : memref<!tpu.dma_semaphore, #tpu.memory_space<semaphore_mem>>)
    %scan3A_47 = arith.constant 0 : i32
    %scan3A_48 = arith.constant 0 : i32
    %scan3A_49 = arith.constant 61 : i32
    %scan3A_50 = arith.addi %scan3A_48, %scan3A_49 : i32
    %scan3A_51 = arith.constant 1 : i32
    scf.for %scan3A_268 = %scan3A_48 to %scan3A_50 step %scan3A_51  : i32 {
      %mul3A_269 = arith.constant 4 : i32
      %mul3A_270 = arith.muli %mul3A_269, %scan3A_268 : i32
      %add3A_271 = arith.constant 0 : i32
      %add3A_272 = arith.addi %mul3A_270, %add3A_271 : i32
      %dma_wait3A_273 = arith.constant 0 : i32
      %dma_wait3A_274 = tpu.memref_slice %arg7[%add3A_272, %dma_wait3A_273] : memref<250x80xi32, #tpu.memory_space<vmem>> -> memref<1x80xi32, #tpu.memory_space<vmem>>
      %dma_wait3A_275 = tpu.memref_squeeze %dma_wait3A_274 : memref<1x80xi32, #tpu.memory_space<vmem>> -> memref<80xi32, #tpu.memory_space<vmem>>
      %dma_wait3A_276 = arith.constant 0 : i32
      %dma_wait3A_277 = arith.constant 0 : i32
      %dma_wait3A_278 = tpu.memref_slice %arg2[%dma_wait3A_276, %dma_wait3A_277] : memref<20000x64xf32, #tpu.memory_space<hbm>> -> memref<20000x64xf32, #tpu.memory_space<hbm>>
      tpu.wait_indirect_dma semaphore(%arg15 : memref<!tpu.dma_semaphore, #tpu.memory_space<semaphore_mem>>) src(%dma_wait3A_278 : memref<20000x64xf32, #tpu.memory_space<hbm>>) dst(%arg9 : memref<80x64xf32, #tpu.memory_space<vmem>>)
      %dma_start3A_279 = arith.constant 0 : i32
      %dma_start3A_280 = tpu.memref_slice %arg8[%add3A_272, %dma_start3A_279] : memref<250x80xi32, #tpu.memory_space<vmem>> -> memref<1x80xi32, #tpu.memory_space<vmem>>
      %dma_start3A_281 = tpu.memref_squeeze %dma_start3A_280 : memref<1x80xi32, #tpu.memory_space<vmem>> -> memref<80xi32, #tpu.memory_space<vmem>>
      %dma_start3A_282 = arith.constant 0 : i32
      %dma_start3A_283 = arith.constant 0 : i32
      %dma_start3A_284 = tpu.memref_slice %arg14[%dma_start3A_282, %dma_start3A_283] : memref<10000x64xf32, #tpu.memory_space<vmem_shared>> -> memref<10000x64xf32, #tpu.memory_space<vmem_shared>>
      tpu.enqueue_indirect_dma source(%arg9 : memref<80x64xf32, #tpu.memory_space<vmem>>) target(%dma_start3A_284 : memref<10000x64xf32, #tpu.memory_space<vmem_shared>>) offsets(%dma_start3A_281 : memref<80xi32, #tpu.memory_space<vmem>>) semaphore(%arg15 : memref<!tpu.dma_semaphore, #tpu.memory_space<semaphore_mem>>) {add = true}
      %mul3A_285 = arith.constant 2 : i32
      %mul3A_286 = arith.muli %mul3A_285, %scan3A_268 : i32
      %add3A_287 = arith.constant 0 : i32
      %add3A_288 = arith.addi %mul3A_286, %add3A_287 : i32
      %mul3A_289 = arith.constant 125 : i32
      %mul3A_290 = arith.muli %arg0, %mul3A_289 : i32
      %add3A_291 = arith.addi %mul3A_290, %add3A_288 : i32
      %get3A_292 = arith.index_cast %add3A_291 : i32 to index
      %get3A_293 = arith.constant 0 : index
      %get3A_294 = tpu.vector_load %arg8[%get3A_292, %get3A_293] {strides = array<i32>} : memref<250x80xi32, #tpu.memory_space<vmem>>, vector<16xi32>,
      tpu.vector_store_idx %arg19[%get3A_294], %broadcast_in_dim3A_19 {add = true} : memref<10240xf32, #tpu.memory_space<vmem>>[vector<16xi32>], vector<16xf32>,
      %get3A_295 = arith.index_cast %add3A_291 : i32 to index
      %get3A_296 = arith.constant 16 : index
      %get3A_297 = tpu.vector_load %arg8[%get3A_295, %get3A_296] {strides = array<i32>} : memref<250x80xi32, #tpu.memory_space<vmem>>, vector<16xi32>,
      tpu.vector_store_idx %arg19[%get3A_297], %broadcast_in_dim3A_19 {add = true} : memref<10240xf32, #tpu.memory_space<vmem>>[vector<16xi32>], vector<16xf32>,
      %get3A_298 = arith.index_cast %add3A_291 : i32 to index
      %get3A_299 = arith.constant 32 : index
      %get3A_300 = tpu.vector_load %arg8[%get3A_298, %get3A_299] {strides = array<i32>} : memref<250x80xi32, #tpu.memory_space<vmem>>, vector<16xi32>,
      tpu.vector_store_idx %arg19[%get3A_300], %broadcast_in_dim3A_19 {add = true} : memref<10240xf32, #tpu.memory_space<vmem>>[vector<16xi32>], vector<16xf32>,
      %get3A_301 = arith.index_cast %add3A_291 : i32 to index
      %get3A_302 = arith.constant 48 : index
      %get3A_303 = tpu.vector_load %arg8[%get3A_301, %get3A_302] {strides = array<i32>} : memref<250x80xi32, #tpu.memory_space<vmem>>, vector<16xi32>,
      tpu.vector_store_idx %arg19[%get3A_303], %broadcast_in_dim3A_19 {add = true} : memref<10240xf32, #tpu.memory_space<vmem>>[vector<16xi32>], vector<16xf32>,
      %get3A_304 = arith.index_cast %add3A_291 : i32 to index
      %get3A_305 = arith.constant 64 : index
      %get3A_306 = tpu.vector_load %arg8[%get3A_304, %get3A_305] {strides = array<i32>} : memref<250x80xi32, #tpu.memory_space<vmem>>, vector<16xi32>,
      tpu.vector_store_idx %arg19[%get3A_306], %broadcast_in_dim3A_19 {add = true} : memref<10240xf32, #tpu.memory_space<vmem>>[vector<16xi32>], vector<16xf32>,
      %dma_wait3A_307 = arith.constant 0 : i32
      %dma_wait3A_308 = tpu.memref_slice %arg8[%add3A_272, %dma_wait3A_307] : memref<250x80xi32, #tpu.memory_space<vmem>> -> memref<1x80xi32, #tpu.memory_space<vmem>>
      %dma_wait3A_309 = tpu.memref_squeeze %dma_wait3A_308 : memref<1x80xi32, #tpu.memory_space<vmem>> -> memref<80xi32, #tpu.memory_space<vmem>>
      %dma_wait3A_310 = arith.constant 0 : i32
      %dma_wait3A_311 = arith.constant 0 : i32
      %dma_wait3A_312 = tpu.memref_slice %arg14[%dma_wait3A_310, %dma_wait3A_311] : memref<10000x64xf32, #tpu.memory_space<vmem_shared>> -> memref<10000x64xf32, #tpu.memory_space<vmem_shared>>
      tpu.wait_indirect_dma semaphore(%arg15 : memref<!tpu.dma_semaphore, #tpu.memory_space<semaphore_mem>>) src(%arg9 : memref<80x64xf32, #tpu.memory_space<vmem>>) dst(%dma_wait3A_312 : memref<10000x64xf32, #tpu.memory_space<vmem_shared>>)
      %add3A_313 = arith.constant 4 : i32
      %add3A_314 = arith.addi %add3A_272, %add3A_313 : i32
      %dma_start3A_315 = arith.constant 0 : i32
      %dma_start3A_316 = tpu.memref_slice %arg7[%add3A_314, %dma_start3A_315] : memref<250x80xi32, #tpu.memory_space<vmem>> -> memref<1x80xi32, #tpu.memory_space<vmem>>
      %dma_start3A_317 = tpu.memref_squeeze %dma_start3A_316 : memref<1x80xi32, #tpu.memory_space<vmem>> -> memref<80xi32, #tpu.memory_space<vmem>>
      %dma_start3A_318 = arith.constant 0 : i32
      %dma_start3A_319 = arith.constant 0 : i32
      %dma_start3A_320 = tpu.memref_slice %arg2[%dma_start3A_318, %dma_start3A_319] : memref<20000x64xf32, #tpu.memory_space<hbm>> -> memref<20000x64xf32, #tpu.memory_space<hbm>>
      tpu.enqueue_indirect_dma source(%dma_start3A_320 : memref<20000x64xf32, #tpu.memory_space<hbm>>) target(%arg9 : memref<80x64xf32, #tpu.memory_space<vmem>>) offsets(%dma_start3A_317 : memref<80xi32, #tpu.memory_space<vmem>>) semaphore(%arg15 : memref<!tpu.dma_semaphore, #tpu.memory_space<semaphore_mem>>)
      %mul3A_321 = arith.constant 4 : i32
      %mul3A_322 = arith.muli %mul3A_321, %scan3A_268 : i32
      %add3A_323 = arith.constant 1 : i32
      %add3A_324 = arith.addi %mul3A_322, %add3A_323 : i32
      %dma_wait3A_325 = arith.constant 0 : i32
      %dma_wait3A_326 = tpu.memref_slice %arg7[%add3A_324, %dma_wait3A_325] : memref<250x80xi32, #tpu.memory_space<vmem>> -> memref<1x80xi32, #tpu.memory_space<vmem>>
      %dma_wait3A_327 = tpu.memref_squeeze %dma_wait3A_326 : memref<1x80xi32, #tpu.memory_space<vmem>> -> memref<80xi32, #tpu.memory_space<vmem>>
      %dma_wait3A_328 = arith.constant 0 : i32
      %dma_wait3A_329 = arith.constant 0 : i32
      %dma_wait3A_330 = tpu.memref_slice %arg2[%dma_wait3A_328, %dma_wait3A_329] : memref<20000x64xf32, #tpu.memory_space<hbm>> -> memref<20000x64xf32, #tpu.memory_space<hbm>>
      tpu.wait_indirect_dma semaphore(%arg16 : memref<!tpu.dma_semaphore, #tpu.memory_space<semaphore_mem>>) src(%dma_wait3A_330 : memref<20000x64xf32, #tpu.memory_space<hbm>>) dst(%arg10 : memref<80x64xf32, #tpu.memory_space<vmem>>)
      %dma_start3A_331 = arith.constant 0 : i32
      %dma_start3A_332 = tpu.memref_slice %arg8[%add3A_324, %dma_start3A_331] : memref<250x80xi32, #tpu.memory_space<vmem>> -> memref<1x80xi32, #tpu.memory_space<vmem>>
      %dma_start3A_333 = tpu.memref_squeeze %dma_start3A_332 : memref<1x80xi32, #tpu.memory_space<vmem>> -> memref<80xi32, #tpu.memory_space<vmem>>
      %dma_start3A_334 = arith.constant 0 : i32
      %dma_start3A_335 = arith.constant 0 : i32
      %dma_start3A_336 = tpu.memref_slice %arg14[%dma_start3A_334, %dma_start3A_335] : memref<10000x64xf32, #tpu.memory_space<vmem_shared>> -> memref<10000x64xf32, #tpu.memory_space<vmem_shared>>
      tpu.enqueue_indirect_dma source(%arg10 : memref<80x64xf32, #tpu.memory_space<vmem>>) target(%dma_start3A_336 : memref<10000x64xf32, #tpu.memory_space<vmem_shared>>) offsets(%dma_start3A_333 : memref<80xi32, #tpu.memory_space<vmem>>) semaphore(%arg16 : memref<!tpu.dma_semaphore, #tpu.memory_space<semaphore_mem>>) {add = true}
      %dma_wait3A_337 = arith.constant 0 : i32
      %dma_wait3A_338 = tpu.memref_slice %arg8[%add3A_324, %dma_wait3A_337] : memref<250x80xi32, #tpu.memory_space<vmem>> -> memref<1x80xi32, #tpu.memory_space<vmem>>
      %dma_wait3A_339 = tpu.memref_squeeze %dma_wait3A_338 : memref<1x80xi32, #tpu.memory_space<vmem>> -> memref<80xi32, #tpu.memory_space<vmem>>
      %dma_wait3A_340 = arith.constant 0 : i32
      %dma_wait3A_341 = arith.constant 0 : i32
      %dma_wait3A_342 = tpu.memref_slice %arg14[%dma_wait3A_340, %dma_wait3A_341] : memref<10000x64xf32, #tpu.memory_space<vmem_shared>> -> memref<10000x64xf32, #tpu.memory_space<vmem_shared>>
      tpu.wait_indirect_dma semaphore(%arg16 : memref<!tpu.dma_semaphore, #tpu.memory_space<semaphore_mem>>) src(%arg10 : memref<80x64xf32, #tpu.memory_space<vmem>>) dst(%dma_wait3A_342 : memref<10000x64xf32, #tpu.memory_space<vmem_shared>>)
      %add3A_343 = arith.constant 4 : i32
      %add3A_344 = arith.addi %add3A_324, %add3A_343 : i32
      %dma_start3A_345 = arith.constant 0 : i32
      %dma_start3A_346 = tpu.memref_slice %arg7[%add3A_344, %dma_start3A_345] : memref<250x80xi32, #tpu.memory_space<vmem>> -> memref<1x80xi32, #tpu.memory_space<vmem>>
      %dma_start3A_347 = tpu.memref_squeeze %dma_start3A_346 : memref<1x80xi32, #tpu.memory_space<vmem>> -> memref<80xi32, #tpu.memory_space<vmem>>
      %dma_start3A_348 = arith.constant 0 : i32
      %dma_start3A_349 = arith.constant 0 : i32
      %dma_start3A_350 = tpu.memref_slice %arg2[%dma_start3A_348, %dma_start3A_349] : memref<20000x64xf32, #tpu.memory_space<hbm>> -> memref<20000x64xf32, #tpu.memory_space<hbm>>
      tpu.enqueue_indirect_dma source(%dma_start3A_350 : memref<20000x64xf32, #tpu.memory_space<hbm>>) target(%arg10 : memref<80x64xf32, #tpu.memory_space<vmem>>) offsets(%dma_start3A_347 : memref<80xi32, #tpu.memory_space<vmem>>) semaphore(%arg16 : memref<!tpu.dma_semaphore, #tpu.memory_space<semaphore_mem>>)
      %mul3A_351 = arith.constant 4 : i32
      %mul3A_352 = arith.muli %mul3A_351, %scan3A_268 : i32
      %add3A_353 = arith.constant 2 : i32
      %add3A_354 = arith.addi %mul3A_352, %add3A_353 : i32
      %dma_wait3A_355 = arith.constant 0 : i32
      %dma_wait3A_356 = tpu.memref_slice %arg7[%add3A_354, %dma_wait3A_355] : memref<250x80xi32, #tpu.memory_space<vmem>> -> memref<1x80xi32, #tpu.memory_space<vmem>>
      %dma_wait3A_357 = tpu.memref_squeeze %dma_wait3A_356 : memref<1x80xi32, #tpu.memory_space<vmem>> -> memref<80xi32, #tpu.memory_space<vmem>>
      %dma_wait3A_358 = arith.constant 0 : i32
      %dma_wait3A_359 = arith.constant 0 : i32
      %dma_wait3A_360 = tpu.memref_slice %arg2[%dma_wait3A_358, %dma_wait3A_359] : memref<20000x64xf32, #tpu.memory_space<hbm>> -> memref<20000x64xf32, #tpu.memory_space<hbm>>
      tpu.wait_indirect_dma semaphore(%arg17 : memref<!tpu.dma_semaphore, #tpu.memory_space<semaphore_mem>>) src(%dma_wait3A_360 : memref<20000x64xf32, #tpu.memory_space<hbm>>) dst(%arg11 : memref<80x64xf32, #tpu.memory_space<vmem>>)
      %dma_start3A_361 = arith.constant 0 : i32
      %dma_start3A_362 = tpu.memref_slice %arg8[%add3A_354, %dma_start3A_361] : memref<250x80xi32, #tpu.memory_space<vmem>> -> memref<1x80xi32, #tpu.memory_space<vmem>>
      %dma_start3A_363 = tpu.memref_squeeze %dma_start3A_362 : memref<1x80xi32, #tpu.memory_space<vmem>> -> memref<80xi32, #tpu.memory_space<vmem>>
      %dma_start3A_364 = arith.constant 0 : i32
      %dma_start3A_365 = arith.constant 0 : i32
      %dma_start3A_366 = tpu.memref_slice %arg14[%dma_start3A_364, %dma_start3A_365] : memref<10000x64xf32, #tpu.memory_space<vmem_shared>> -> memref<10000x64xf32, #tpu.memory_space<vmem_shared>>
      tpu.enqueue_indirect_dma source(%arg11 : memref<80x64xf32, #tpu.memory_space<vmem>>) target(%dma_start3A_366 : memref<10000x64xf32, #tpu.memory_space<vmem_shared>>) offsets(%dma_start3A_363 : memref<80xi32, #tpu.memory_space<vmem>>) semaphore(%arg17 : memref<!tpu.dma_semaphore, #tpu.memory_space<semaphore_mem>>) {add = true}
      %mul3A_367 = arith.constant 2 : i32
      %mul3A_368 = arith.muli %mul3A_367, %scan3A_268 : i32
      %add3A_369 = arith.constant 1 : i32
      %add3A_370 = arith.addi %mul3A_368, %add3A_369 : i32
      %mul3A_371 = arith.constant 125 : i32
      %mul3A_372 = arith.muli %arg0, %mul3A_371 : i32
      %add3A_373 = arith.addi %mul3A_372, %add3A_370 : i32
      %get3A_374 = arith.index_cast %add3A_373 : i32 to index
      %get3A_375 = arith.constant 0 : index
      %get3A_376 = tpu.vector_load %arg8[%get3A_374, %get3A_375] {strides = array<i32>} : memref<250x80xi32, #tpu.memory_space<vmem>>, vector<16xi32>,
      tpu.vector_store_idx %arg19[%get3A_376], %broadcast_in_dim3A_19 {add = true} : memref<10240xf32, #tpu.memory_space<vmem>>[vector<16xi32>], vector<16xf32>,
      %get3A_377 = arith.index_cast %add3A_373 : i32 to index
      %get3A_378 = arith.constant 16 : index
      %get3A_379 = tpu.vector_load %arg8[%get3A_377, %get3A_378] {strides = array<i32>} : memref<250x80xi32, #tpu.memory_space<vmem>>, vector<16xi32>,
      tpu.vector_store_idx %arg19[%get3A_379], %broadcast_in_dim3A_19 {add = true} : memref<10240xf32, #tpu.memory_space<vmem>>[vector<16xi32>], vector<16xf32>,
      %get3A_380 = arith.index_cast %add3A_373 : i32 to index
      %get3A_381 = arith.constant 32 : index
      %get3A_382 = tpu.vector_load %arg8[%get3A_380, %get3A_381] {strides = array<i32>} : memref<250x80xi32, #tpu.memory_space<vmem>>, vector<16xi32>,
      tpu.vector_store_idx %arg19[%get3A_382], %broadcast_in_dim3A_19 {add = true} : memref<10240xf32, #tpu.memory_space<vmem>>[vector<16xi32>], vector<16xf32>,
      %get3A_383 = arith.index_cast %add3A_373 : i32 to index
      %get3A_384 = arith.constant 48 : index
      %get3A_385 = tpu.vector_load %arg8[%get3A_383, %get3A_384] {strides = array<i32>} : memref<250x80xi32, #tpu.memory_space<vmem>>, vector<16xi32>,
      tpu.vector_store_idx %arg19[%get3A_385], %broadcast_in_dim3A_19 {add = true} : memref<10240xf32, #tpu.memory_space<vmem>>[vector<16xi32>], vector<16xf32>,
      %get3A_386 = arith.index_cast %add3A_373 : i32 to index
      %get3A_387 = arith.constant 64 : index
      %get3A_388 = tpu.vector_load %arg8[%get3A_386, %get3A_387] {strides = array<i32>} : memref<250x80xi32, #tpu.memory_space<vmem>>, vector<16xi32>,
      tpu.vector_store_idx %arg19[%get3A_388], %broadcast_in_dim3A_19 {add = true} : memref<10240xf32, #tpu.memory_space<vmem>>[vector<16xi32>], vector<16xf32>,
      %dma_wait3A_389 = arith.constant 0 : i32
      %dma_wait3A_390 = tpu.memref_slice %arg8[%add3A_354, %dma_wait3A_389] : memref<250x80xi32, #tpu.memory_space<vmem>> -> memref<1x80xi32, #tpu.memory_space<vmem>>
      %dma_wait3A_391 = tpu.memref_squeeze %dma_wait3A_390 : memref<1x80xi32, #tpu.memory_space<vmem>> -> memref<80xi32, #tpu.memory_space<vmem>>
      %dma_wait3A_392 = arith.constant 0 : i32
      %dma_wait3A_393 = arith.constant 0 : i32
      %dma_wait3A_394 = tpu.memref_slice %arg14[%dma_wait3A_392, %dma_wait3A_393] : memref<10000x64xf32, #tpu.memory_space<vmem_shared>> -> memref<10000x64xf32, #tpu.memory_space<vmem_shared>>
      tpu.wait_indirect_dma semaphore(%arg17 : memref<!tpu.dma_semaphore, #tpu.memory_space<semaphore_mem>>) src(%arg11 : memref<80x64xf32, #tpu.memory_space<vmem>>) dst(%dma_wait3A_394 : memref<10000x64xf32, #tpu.memory_space<vmem_shared>>)
      %add3A_395 = arith.constant 4 : i32
      %add3A_396 = arith.addi %add3A_354, %add3A_395 : i32
      %dma_start3A_397 = arith.constant 0 : i32
      %dma_start3A_398 = tpu.memref_slice %arg7[%add3A_396, %dma_start3A_397] : memref<250x80xi32, #tpu.memory_space<vmem>> -> memref<1x80xi32, #tpu.memory_space<vmem>>
      %dma_start3A_399 = tpu.memref_squeeze %dma_start3A_398 : memref<1x80xi32, #tpu.memory_space<vmem>> -> memref<80xi32, #tpu.memory_space<vmem>>
      %dma_start3A_400 = arith.constant 0 : i32
      %dma_start3A_401 = arith.constant 0 : i32
      %dma_start3A_402 = tpu.memref_slice %arg2[%dma_start3A_400, %dma_start3A_401] : memref<20000x64xf32, #tpu.memory_space<hbm>> -> memref<20000x64xf32, #tpu.memory_space<hbm>>
      tpu.enqueue_indirect_dma source(%dma_start3A_402 : memref<20000x64xf32, #tpu.memory_space<hbm>>) target(%arg11 : memref<80x64xf32, #tpu.memory_space<vmem>>) offsets(%dma_start3A_399 : memref<80xi32, #tpu.memory_space<vmem>>) semaphore(%arg17 : memref<!tpu.dma_semaphore, #tpu.memory_space<semaphore_mem>>)
      %mul3A_403 = arith.constant 4 : i32
      %mul3A_404 = arith.muli %mul3A_403, %scan3A_268 : i32
      %add3A_405 = arith.constant 3 : i32
      %add3A_406 = arith.addi %mul3A_404, %add3A_405 : i32
      %dma_wait3A_407 = arith.constant 0 : i32
      %dma_wait3A_408 = tpu.memref_slice %arg7[%add3A_406, %dma_wait3A_407] : memref<250x80xi32, #tpu.memory_space<vmem>> -> memref<1x80xi32, #tpu.memory_space<vmem>>
      %dma_wait3A_409 = tpu.memref_squeeze %dma_wait3A_408 : memref<1x80xi32, #tpu.memory_space<vmem>> -> memref<80xi32, #tpu.memory_space<vmem>>
      %dma_wait3A_410 = arith.constant 0 : i32
      %dma_wait3A_411 = arith.constant 0 : i32
      %dma_wait3A_412 = tpu.memref_slice %arg2[%dma_wait3A_410, %dma_wait3A_411] : memref<20000x64xf32, #tpu.memory_space<hbm>> -> memref<20000x64xf32, #tpu.memory_space<hbm>>
      tpu.wait_indirect_dma semaphore(%arg18 : memref<!tpu.dma_semaphore, #tpu.memory_space<semaphore_mem>>) src(%dma_wait3A_412 : memref<20000x64xf32, #tpu.memory_space<hbm>>) dst(%arg12 : memref<80x64xf32, #tpu.memory_space<vmem>>)
      %dma_start3A_413 = arith.constant 0 : i32
      %dma_start3A_414 = tpu.memref_slice %arg8[%add3A_406, %dma_start3A_413] : memref<250x80xi32, #tpu.memory_space<vmem>> -> memref<1x80xi32, #tpu.memory_space<vmem>>
      %dma_start3A_415 = tpu.memref_squeeze %dma_start3A_414 : memref<1x80xi32, #tpu.memory_space<vmem>> -> memref<80xi32, #tpu.memory_space<vmem>>
      %dma_start3A_416 = arith.constant 0 : i32
      %dma_start3A_417 = arith.constant 0 : i32
      %dma_start3A_418 = tpu.memref_slice %arg14[%dma_start3A_416, %dma_start3A_417] : memref<10000x64xf32, #tpu.memory_space<vmem_shared>> -> memref<10000x64xf32, #tpu.memory_space<vmem_shared>>
      tpu.enqueue_indirect_dma source(%arg12 : memref<80x64xf32, #tpu.memory_space<vmem>>) target(%dma_start3A_418 : memref<10000x64xf32, #tpu.memory_space<vmem_shared>>) offsets(%dma_start3A_415 : memref<80xi32, #tpu.memory_space<vmem>>) semaphore(%arg18 : memref<!tpu.dma_semaphore, #tpu.memory_space<semaphore_mem>>) {add = true}
      %dma_wait3A_419 = arith.constant 0 : i32
      %dma_wait3A_420 = tpu.memref_slice %arg8[%add3A_406, %dma_wait3A_419] : memref<250x80xi32, #tpu.memory_space<vmem>> -> memref<1x80xi32, #tpu.memory_space<vmem>>
      %dma_wait3A_421 = tpu.memref_squeeze %dma_wait3A_420 : memref<1x80xi32, #tpu.memory_space<vmem>> -> memref<80xi32, #tpu.memory_space<vmem>>
      %dma_wait3A_422 = arith.constant 0 : i32
      %dma_wait3A_423 = arith.constant 0 : i32
      %dma_wait3A_424 = tpu.memref_slice %arg14[%dma_wait3A_422, %dma_wait3A_423] : memref<10000x64xf32, #tpu.memory_space<vmem_shared>> -> memref<10000x64xf32, #tpu.memory_space<vmem_shared>>
      tpu.wait_indirect_dma semaphore(%arg18 : memref<!tpu.dma_semaphore, #tpu.memory_space<semaphore_mem>>) src(%arg12 : memref<80x64xf32, #tpu.memory_space<vmem>>) dst(%dma_wait3A_424 : memref<10000x64xf32, #tpu.memory_space<vmem_shared>>)
      %add3A_425 = arith.constant 4 : i32
      %add3A_426 = arith.addi %add3A_406, %add3A_425 : i32
      %dma_start3A_427 = arith.constant 0 : i32
      %dma_start3A_428 = tpu.memref_slice %arg7[%add3A_426, %dma_start3A_427] : memref<250x80xi32, #tpu.memory_space<vmem>> -> memref<1x80xi32, #tpu.memory_space<vmem>>
      %dma_start3A_429 = tpu.memref_squeeze %dma_start3A_428 : memref<1x80xi32, #tpu.memory_space<vmem>> -> memref<80xi32, #tpu.memory_space<vmem>>
      %dma_start3A_430 = arith.constant 0 : i32
      %dma_start3A_431 = arith.constant 0 : i32
      %dma_start3A_432 = tpu.memref_slice %arg2[%dma_start3A_430, %dma_start3A_431] : memref<20000x64xf32, #tpu.memory_space<hbm>> -> memref<20000x64xf32, #tpu.memory_space<hbm>>
      tpu.enqueue_indirect_dma source(%dma_start3A_432 : memref<20000x64xf32, #tpu.memory_space<hbm>>) target(%arg12 : memref<80x64xf32, #tpu.memory_space<vmem>>) offsets(%dma_start3A_429 : memref<80xi32, #tpu.memory_space<vmem>>) semaphore(%arg18 : memref<!tpu.dma_semaphore, #tpu.memory_space<semaphore_mem>>)
    }
    %scan3A_52 = arith.constant 61 : i32
    %dma_wait3A = arith.constant 244 : i32
    %dma_wait3A_53 = arith.constant 0 : i32
    %dma_wait3A_54 = tpu.memref_slice %arg7[%dma_wait3A, %dma_wait3A_53] : memref<250x80xi32, #tpu.memory_space<vmem>> -> memref<1x80xi32, #tpu.memory_space<vmem>>
    %dma_wait3A_55 = tpu.memref_squeeze %dma_wait3A_54 : memref<1x80xi32, #tpu.memory_space<vmem>> -> memref<80xi32, #tpu.memory_space<vmem>>
    %dma_wait3A_56 = arith.constant 0 : i32
    %dma_wait3A_57 = arith.constant 0 : i32
    %dma_wait3A_58 = tpu.memref_slice %arg2[%dma_wait3A_56, %dma_wait3A_57] : memref<20000x64xf32, #tpu.memory_space<hbm>> -> memref<20000x64xf32, #tpu.memory_space<hbm>>
    tpu.wait_indirect_dma semaphore(%arg15 : memref<!tpu.dma_semaphore, #tpu.memory_space<semaphore_mem>>) src(%dma_wait3A_58 : memref<20000x64xf32, #tpu.memory_space<hbm>>) dst(%arg9 : memref<80x64xf32, #tpu.memory_space<vmem>>)
    %dma_start3A_59 = arith.constant 244 : i32
    %dma_start3A_60 = arith.constant 0 : i32
    %dma_start3A_61 = tpu.memref_slice %arg8[%dma_start3A_59, %dma_start3A_60] : memref<250x80xi32, #tpu.memory_space<vmem>> -> memref<1x80xi32, #tpu.memory_space<vmem>>
    %dma_start3A_62 = tpu.memref_squeeze %dma_start3A_61 : memref<1x80xi32, #tpu.memory_space<vmem>> -> memref<80xi32, #tpu.memory_space<vmem>>
    %dma_start3A_63 = arith.constant 0 : i32
    %dma_start3A_64 = arith.constant 0 : i32
    %dma_start3A_65 = tpu.memref_slice %arg14[%dma_start3A_63, %dma_start3A_64] : memref<10000x64xf32, #tpu.memory_space<vmem_shared>> -> memref<10000x64xf32, #tpu.memory_space<vmem_shared>>
    tpu.enqueue_indirect_dma source(%arg9 : memref<80x64xf32, #tpu.memory_space<vmem>>) target(%dma_start3A_65 : memref<10000x64xf32, #tpu.memory_space<vmem_shared>>) offsets(%dma_start3A_62 : memref<80xi32, #tpu.memory_space<vmem>>) semaphore(%arg15 : memref<!tpu.dma_semaphore, #tpu.memory_space<semaphore_mem>>) {add = true}
    %dma_wait3A_66 = arith.constant 244 : i32
    %dma_wait3A_67 = arith.constant 0 : i32
    %dma_wait3A_68 = tpu.memref_slice %arg8[%dma_wait3A_66, %dma_wait3A_67] : memref<250x80xi32, #tpu.memory_space<vmem>> -> memref<1x80xi32, #tpu.memory_space<vmem>>
    %dma_wait3A_69 = tpu.memref_squeeze %dma_wait3A_68 : memref<1x80xi32, #tpu.memory_space<vmem>> -> memref<80xi32, #tpu.memory_space<vmem>>
    %dma_wait3A_70 = arith.constant 0 : i32
    %dma_wait3A_71 = arith.constant 0 : i32
    %dma_wait3A_72 = tpu.memref_slice %arg14[%dma_wait3A_70, %dma_wait3A_71] : memref<10000x64xf32, #tpu.memory_space<vmem_shared>> -> memref<10000x64xf32, #tpu.memory_space<vmem_shared>>
    tpu.wait_indirect_dma semaphore(%arg15 : memref<!tpu.dma_semaphore, #tpu.memory_space<semaphore_mem>>) src(%arg9 : memref<80x64xf32, #tpu.memory_space<vmem>>) dst(%dma_wait3A_72 : memref<10000x64xf32, #tpu.memory_space<vmem_shared>>)
    %dma_start3A_73 = arith.constant 248 : i32
    %dma_start3A_74 = arith.constant 0 : i32
    %dma_start3A_75 = tpu.memref_slice %arg7[%dma_start3A_73, %dma_start3A_74] : memref<250x80xi32, #tpu.memory_space<vmem>> -> memref<1x80xi32, #tpu.memory_space<vmem>>
    %dma_start3A_76 = tpu.memref_squeeze %dma_start3A_75 : memref<1x80xi32, #tpu.memory_space<vmem>> -> memref<80xi32, #tpu.memory_space<vmem>>
    %dma_start3A_77 = arith.constant 0 : i32
    %dma_start3A_78 = arith.constant 0 : i32
    %dma_start3A_79 = tpu.memref_slice %arg2[%dma_start3A_77, %dma_start3A_78] : memref<20000x64xf32, #tpu.memory_space<hbm>> -> memref<20000x64xf32, #tpu.memory_space<hbm>>
    tpu.enqueue_indirect_dma source(%dma_start3A_79 : memref<20000x64xf32, #tpu.memory_space<hbm>>) target(%arg9 : memref<80x64xf32, #tpu.memory_space<vmem>>) offsets(%dma_start3A_76 : memref<80xi32, #tpu.memory_space<vmem>>) semaphore(%arg15 : memref<!tpu.dma_semaphore, #tpu.memory_space<semaphore_mem>>)
    %dma_wait3A_80 = arith.constant 245 : i32
    %dma_wait3A_81 = arith.constant 0 : i32
    %dma_wait3A_82 = tpu.memref_slice %arg7[%dma_wait3A_80, %dma_wait3A_81] : memref<250x80xi32, #tpu.memory_space<vmem>> -> memref<1x80xi32, #tpu.memory_space<vmem>>
    %dma_wait3A_83 = tpu.memref_squeeze %dma_wait3A_82 : memref<1x80xi32, #tpu.memory_space<vmem>> -> memref<80xi32, #tpu.memory_space<vmem>>
    %dma_wait3A_84 = arith.constant 0 : i32
    %dma_wait3A_85 = arith.constant 0 : i32
    %dma_wait3A_86 = tpu.memref_slice %arg2[%dma_wait3A_84, %dma_wait3A_85] : memref<20000x64xf32, #tpu.memory_space<hbm>> -> memref<20000x64xf32, #tpu.memory_space<hbm>>
    tpu.wait_indirect_dma semaphore(%arg16 : memref<!tpu.dma_semaphore, #tpu.memory_space<semaphore_mem>>) src(%dma_wait3A_86 : memref<20000x64xf32, #tpu.memory_space<hbm>>) dst(%arg10 : memref<80x64xf32, #tpu.memory_space<vmem>>)
    %dma_start3A_87 = arith.constant 245 : i32
    %dma_start3A_88 = arith.constant 0 : i32
    %dma_start3A_89 = tpu.memref_slice %arg8[%dma_start3A_87, %dma_start3A_88] : memref<250x80xi32, #tpu.memory_space<vmem>> -> memref<1x80xi32, #tpu.memory_space<vmem>>
    %dma_start3A_90 = tpu.memref_squeeze %dma_start3A_89 : memref<1x80xi32, #tpu.memory_space<vmem>> -> memref<80xi32, #tpu.memory_space<vmem>>
    %dma_start3A_91 = arith.constant 0 : i32
    %dma_start3A_92 = arith.constant 0 : i32
    %dma_start3A_93 = tpu.memref_slice %arg14[%dma_start3A_91, %dma_start3A_92] : memref<10000x64xf32, #tpu.memory_space<vmem_shared>> -> memref<10000x64xf32, #tpu.memory_space<vmem_shared>>
    tpu.enqueue_indirect_dma source(%arg10 : memref<80x64xf32, #tpu.memory_space<vmem>>) target(%dma_start3A_93 : memref<10000x64xf32, #tpu.memory_space<vmem_shared>>) offsets(%dma_start3A_90 : memref<80xi32, #tpu.memory_space<vmem>>) semaphore(%arg16 : memref<!tpu.dma_semaphore, #tpu.memory_space<semaphore_mem>>) {add = true}
    %dma_wait3A_94 = arith.constant 245 : i32
    %dma_wait3A_95 = arith.constant 0 : i32
    %dma_wait3A_96 = tpu.memref_slice %arg8[%dma_wait3A_94, %dma_wait3A_95] : memref<250x80xi32, #tpu.memory_space<vmem>> -> memref<1x80xi32, #tpu.memory_space<vmem>>
    %dma_wait3A_97 = tpu.memref_squeeze %dma_wait3A_96 : memref<1x80xi32, #tpu.memory_space<vmem>> -> memref<80xi32, #tpu.memory_space<vmem>>
    %dma_wait3A_98 = arith.constant 0 : i32
    %dma_wait3A_99 = arith.constant 0 : i32
    %dma_wait3A_100 = tpu.memref_slice %arg14[%dma_wait3A_98, %dma_wait3A_99] : memref<10000x64xf32, #tpu.memory_space<vmem_shared>> -> memref<10000x64xf32, #tpu.memory_space<vmem_shared>>
    tpu.wait_indirect_dma semaphore(%arg16 : memref<!tpu.dma_semaphore, #tpu.memory_space<semaphore_mem>>) src(%arg10 : memref<80x64xf32, #tpu.memory_space<vmem>>) dst(%dma_wait3A_100 : memref<10000x64xf32, #tpu.memory_space<vmem_shared>>)
    %dma_start3A_101 = arith.constant 249 : i32
    %dma_start3A_102 = arith.constant 0 : i32
    %dma_start3A_103 = tpu.memref_slice %arg7[%dma_start3A_101, %dma_start3A_102] : memref<250x80xi32, #tpu.memory_space<vmem>> -> memref<1x80xi32, #tpu.memory_space<vmem>>
    %dma_start3A_104 = tpu.memref_squeeze %dma_start3A_103 : memref<1x80xi32, #tpu.memory_space<vmem>> -> memref<80xi32, #tpu.memory_space<vmem>>
    %dma_start3A_105 = arith.constant 0 : i32
    %dma_start3A_106 = arith.constant 0 : i32
    %dma_start3A_107 = tpu.memref_slice %arg2[%dma_start3A_105, %dma_start3A_106] : memref<20000x64xf32, #tpu.memory_space<hbm>> -> memref<20000x64xf32, #tpu.memory_space<hbm>>
    tpu.enqueue_indirect_dma source(%dma_start3A_107 : memref<20000x64xf32, #tpu.memory_space<hbm>>) target(%arg10 : memref<80x64xf32, #tpu.memory_space<vmem>>) offsets(%dma_start3A_104 : memref<80xi32, #tpu.memory_space<vmem>>) semaphore(%arg16 : memref<!tpu.dma_semaphore, #tpu.memory_space<semaphore_mem>>)
    %dma_wait3A_108 = arith.constant 246 : i32
    %dma_wait3A_109 = arith.constant 0 : i32
    %dma_wait3A_110 = tpu.memref_slice %arg7[%dma_wait3A_108, %dma_wait3A_109] : memref<250x80xi32, #tpu.memory_space<vmem>> -> memref<1x80xi32, #tpu.memory_space<vmem>>
    %dma_wait3A_111 = tpu.memref_squeeze %dma_wait3A_110 : memref<1x80xi32, #tpu.memory_space<vmem>> -> memref<80xi32, #tpu.memory_space<vmem>>
    %dma_wait3A_112 = arith.constant 0 : i32
    %dma_wait3A_113 = arith.constant 0 : i32
    %dma_wait3A_114 = tpu.memref_slice %arg2[%dma_wait3A_112, %dma_wait3A_113] : memref<20000x64xf32, #tpu.memory_space<hbm>> -> memref<20000x64xf32, #tpu.memory_space<hbm>>
    tpu.wait_indirect_dma semaphore(%arg17 : memref<!tpu.dma_semaphore, #tpu.memory_space<semaphore_mem>>) src(%dma_wait3A_114 : memref<20000x64xf32, #tpu.memory_space<hbm>>) dst(%arg11 : memref<80x64xf32, #tpu.memory_space<vmem>>)
    %dma_start3A_115 = arith.constant 246 : i32
    %dma_start3A_116 = arith.constant 0 : i32
    %dma_start3A_117 = tpu.memref_slice %arg8[%dma_start3A_115, %dma_start3A_116] : memref<250x80xi32, #tpu.memory_space<vmem>> -> memref<1x80xi32, #tpu.memory_space<vmem>>
    %dma_start3A_118 = tpu.memref_squeeze %dma_start3A_117 : memref<1x80xi32, #tpu.memory_space<vmem>> -> memref<80xi32, #tpu.memory_space<vmem>>
    %dma_start3A_119 = arith.constant 0 : i32
    %dma_start3A_120 = arith.constant 0 : i32
    %dma_start3A_121 = tpu.memref_slice %arg14[%dma_start3A_119, %dma_start3A_120] : memref<10000x64xf32, #tpu.memory_space<vmem_shared>> -> memref<10000x64xf32, #tpu.memory_space<vmem_shared>>
    tpu.enqueue_indirect_dma source(%arg11 : memref<80x64xf32, #tpu.memory_space<vmem>>) target(%dma_start3A_121 : memref<10000x64xf32, #tpu.memory_space<vmem_shared>>) offsets(%dma_start3A_118 : memref<80xi32, #tpu.memory_space<vmem>>) semaphore(%arg17 : memref<!tpu.dma_semaphore, #tpu.memory_space<semaphore_mem>>) {add = true}
    %dma_wait3A_122 = arith.constant 246 : i32
    %dma_wait3A_123 = arith.constant 0 : i32
    %dma_wait3A_124 = tpu.memref_slice %arg8[%dma_wait3A_122, %dma_wait3A_123] : memref<250x80xi32, #tpu.memory_space<vmem>> -> memref<1x80xi32, #tpu.memory_space<vmem>>
    %dma_wait3A_125 = tpu.memref_squeeze %dma_wait3A_124 : memref<1x80xi32, #tpu.memory_space<vmem>> -> memref<80xi32, #tpu.memory_space<vmem>>
    %dma_wait3A_126 = arith.constant 0 : i32
    %dma_wait3A_127 = arith.constant 0 : i32
    %dma_wait3A_128 = tpu.memref_slice %arg14[%dma_wait3A_126, %dma_wait3A_127] : memref<10000x64xf32, #tpu.memory_space<vmem_shared>> -> memref<10000x64xf32, #tpu.memory_space<vmem_shared>>
    tpu.wait_indirect_dma semaphore(%arg17 : memref<!tpu.dma_semaphore, #tpu.memory_space<semaphore_mem>>) src(%arg11 : memref<80x64xf32, #tpu.memory_space<vmem>>) dst(%dma_wait3A_128 : memref<10000x64xf32, #tpu.memory_space<vmem_shared>>)
    %dma_wait3A_129 = arith.constant 247 : i32
    %dma_wait3A_130 = arith.constant 0 : i32
    %dma_wait3A_131 = tpu.memref_slice %arg7[%dma_wait3A_129, %dma_wait3A_130] : memref<250x80xi32, #tpu.memory_space<vmem>> -> memref<1x80xi32, #tpu.memory_space<vmem>>
    %dma_wait3A_132 = tpu.memref_squeeze %dma_wait3A_131 : memref<1x80xi32, #tpu.memory_space<vmem>> -> memref<80xi32, #tpu.memory_space<vmem>>
    %dma_wait3A_133 = arith.constant 0 : i32
    %dma_wait3A_134 = arith.constant 0 : i32
    %dma_wait3A_135 = tpu.memref_slice %arg2[%dma_wait3A_133, %dma_wait3A_134] : memref<20000x64xf32, #tpu.memory_space<hbm>> -> memref<20000x64xf32, #tpu.memory_space<hbm>>
    tpu.wait_indirect_dma semaphore(%arg18 : memref<!tpu.dma_semaphore, #tpu.memory_space<semaphore_mem>>) src(%dma_wait3A_135 : memref<20000x64xf32, #tpu.memory_space<hbm>>) dst(%arg12 : memref<80x64xf32, #tpu.memory_space<vmem>>)
    %dma_start3A_136 = arith.constant 247 : i32
    %dma_start3A_137 = arith.constant 0 : i32
    %dma_start3A_138 = tpu.memref_slice %arg8[%dma_start3A_136, %dma_start3A_137] : memref<250x80xi32, #tpu.memory_space<vmem>> -> memref<1x80xi32, #tpu.memory_space<vmem>>
    %dma_start3A_139 = tpu.memref_squeeze %dma_start3A_138 : memref<1x80xi32, #tpu.memory_space<vmem>> -> memref<80xi32, #tpu.memory_space<vmem>>
    %dma_start3A_140 = arith.constant 0 : i32
    %dma_start3A_141 = arith.constant 0 : i32
    %dma_start3A_142 = tpu.memref_slice %arg14[%dma_start3A_140, %dma_start3A_141] : memref<10000x64xf32, #tpu.memory_space<vmem_shared>> -> memref<10000x64xf32, #tpu.memory_space<vmem_shared>>
    tpu.enqueue_indirect_dma source(%arg12 : memref<80x64xf32, #tpu.memory_space<vmem>>) target(%dma_start3A_142 : memref<10000x64xf32, #tpu.memory_space<vmem_shared>>) offsets(%dma_start3A_139 : memref<80xi32, #tpu.memory_space<vmem>>) semaphore(%arg18 : memref<!tpu.dma_semaphore, #tpu.memory_space<semaphore_mem>>) {add = true}
    %dma_wait3A_143 = arith.constant 247 : i32
    %dma_wait3A_144 = arith.constant 0 : i32
    %dma_wait3A_145 = tpu.memref_slice %arg8[%dma_wait3A_143, %dma_wait3A_144] : memref<250x80xi32, #tpu.memory_space<vmem>> -> memref<1x80xi32, #tpu.memory_space<vmem>>
    %dma_wait3A_146 = tpu.memref_squeeze %dma_wait3A_145 : memref<1x80xi32, #tpu.memory_space<vmem>> -> memref<80xi32, #tpu.memory_space<vmem>>
    %dma_wait3A_147 = arith.constant 0 : i32
    %dma_wait3A_148 = arith.constant 0 : i32
    %dma_wait3A_149 = tpu.memref_slice %arg14[%dma_wait3A_147, %dma_wait3A_148] : memref<10000x64xf32, #tpu.memory_space<vmem_shared>> -> memref<10000x64xf32, #tpu.memory_space<vmem_shared>>
    tpu.wait_indirect_dma semaphore(%arg18 : memref<!tpu.dma_semaphore, #tpu.memory_space<semaphore_mem>>) src(%arg12 : memref<80x64xf32, #tpu.memory_space<vmem>>) dst(%dma_wait3A_149 : memref<10000x64xf32, #tpu.memory_space<vmem_shared>>)
    %dma_wait3A_150 = arith.constant 248 : i32
    %dma_wait3A_151 = arith.constant 0 : i32
    %dma_wait3A_152 = tpu.memref_slice %arg7[%dma_wait3A_150, %dma_wait3A_151] : memref<250x80xi32, #tpu.memory_space<vmem>> -> memref<1x80xi32, #tpu.memory_space<vmem>>
    %dma_wait3A_153 = tpu.memref_squeeze %dma_wait3A_152 : memref<1x80xi32, #tpu.memory_space<vmem>> -> memref<80xi32, #tpu.memory_space<vmem>>
    %dma_wait3A_154 = arith.constant 0 : i32
    %dma_wait3A_155 = arith.constant 0 : i32
    %dma_wait3A_156 = tpu.memref_slice %arg2[%dma_wait3A_154, %dma_wait3A_155] : memref<20000x64xf32, #tpu.memory_space<hbm>> -> memref<20000x64xf32, #tpu.memory_space<hbm>>
    tpu.wait_indirect_dma semaphore(%arg15 : memref<!tpu.dma_semaphore, #tpu.memory_space<semaphore_mem>>) src(%dma_wait3A_156 : memref<20000x64xf32, #tpu.memory_space<hbm>>) dst(%arg9 : memref<80x64xf32, #tpu.memory_space<vmem>>)
    %dma_start3A_157 = arith.constant 248 : i32
    %dma_start3A_158 = arith.constant 0 : i32
    %dma_start3A_159 = tpu.memref_slice %arg8[%dma_start3A_157, %dma_start3A_158] : memref<250x80xi32, #tpu.memory_space<vmem>> -> memref<1x80xi32, #tpu.memory_space<vmem>>
    %dma_start3A_160 = tpu.memref_squeeze %dma_start3A_159 : memref<1x80xi32, #tpu.memory_space<vmem>> -> memref<80xi32, #tpu.memory_space<vmem>>
    %dma_start3A_161 = arith.constant 0 : i32
    %dma_start3A_162 = arith.constant 0 : i32
    %dma_start3A_163 = tpu.memref_slice %arg14[%dma_start3A_161, %dma_start3A_162] : memref<10000x64xf32, #tpu.memory_space<vmem_shared>> -> memref<10000x64xf32, #tpu.memory_space<vmem_shared>>
    tpu.enqueue_indirect_dma source(%arg9 : memref<80x64xf32, #tpu.memory_space<vmem>>) target(%dma_start3A_163 : memref<10000x64xf32, #tpu.memory_space<vmem_shared>>) offsets(%dma_start3A_160 : memref<80xi32, #tpu.memory_space<vmem>>) semaphore(%arg15 : memref<!tpu.dma_semaphore, #tpu.memory_space<semaphore_mem>>) {add = true}
    %dma_wait3A_164 = arith.constant 248 : i32
    %dma_wait3A_165 = arith.constant 0 : i32
    %dma_wait3A_166 = tpu.memref_slice %arg8[%dma_wait3A_164, %dma_wait3A_165] : memref<250x80xi32, #tpu.memory_space<vmem>> -> memref<1x80xi32, #tpu.memory_space<vmem>>
    %dma_wait3A_167 = tpu.memref_squeeze %dma_wait3A_166 : memref<1x80xi32, #tpu.memory_space<vmem>> -> memref<80xi32, #tpu.memory_space<vmem>>
    %dma_wait3A_168 = arith.constant 0 : i32
    %dma_wait3A_169 = arith.constant 0 : i32
    %dma_wait3A_170 = tpu.memref_slice %arg14[%dma_wait3A_168, %dma_wait3A_169] : memref<10000x64xf32, #tpu.memory_space<vmem_shared>> -> memref<10000x64xf32, #tpu.memory_space<vmem_shared>>
    tpu.wait_indirect_dma semaphore(%arg15 : memref<!tpu.dma_semaphore, #tpu.memory_space<semaphore_mem>>) src(%arg9 : memref<80x64xf32, #tpu.memory_space<vmem>>) dst(%dma_wait3A_170 : memref<10000x64xf32, #tpu.memory_space<vmem_shared>>)
    %dma_wait3A_171 = arith.constant 249 : i32
    %dma_wait3A_172 = arith.constant 0 : i32
    %dma_wait3A_173 = tpu.memref_slice %arg7[%dma_wait3A_171, %dma_wait3A_172] : memref<250x80xi32, #tpu.memory_space<vmem>> -> memref<1x80xi32, #tpu.memory_space<vmem>>
    %dma_wait3A_174 = tpu.memref_squeeze %dma_wait3A_173 : memref<1x80xi32, #tpu.memory_space<vmem>> -> memref<80xi32, #tpu.memory_space<vmem>>
    %dma_wait3A_175 = arith.constant 0 : i32
    %dma_wait3A_176 = arith.constant 0 : i32
    %dma_wait3A_177 = tpu.memref_slice %arg2[%dma_wait3A_175, %dma_wait3A_176] : memref<20000x64xf32, #tpu.memory_space<hbm>> -> memref<20000x64xf32, #tpu.memory_space<hbm>>
    tpu.wait_indirect_dma semaphore(%arg16 : memref<!tpu.dma_semaphore, #tpu.memory_space<semaphore_mem>>) src(%dma_wait3A_177 : memref<20000x64xf32, #tpu.memory_space<hbm>>) dst(%arg10 : memref<80x64xf32, #tpu.memory_space<vmem>>)
    %dma_start3A_178 = arith.constant 249 : i32
    %dma_start3A_179 = arith.constant 0 : i32
    %dma_start3A_180 = tpu.memref_slice %arg8[%dma_start3A_178, %dma_start3A_179] : memref<250x80xi32, #tpu.memory_space<vmem>> -> memref<1x80xi32, #tpu.memory_space<vmem>>
    %dma_start3A_181 = tpu.memref_squeeze %dma_start3A_180 : memref<1x80xi32, #tpu.memory_space<vmem>> -> memref<80xi32, #tpu.memory_space<vmem>>
    %dma_start3A_182 = arith.constant 0 : i32
    %dma_start3A_183 = arith.constant 0 : i32
    %dma_start3A_184 = tpu.memref_slice %arg14[%dma_start3A_182, %dma_start3A_183] : memref<10000x64xf32, #tpu.memory_space<vmem_shared>> -> memref<10000x64xf32, #tpu.memory_space<vmem_shared>>
    tpu.enqueue_indirect_dma source(%arg10 : memref<80x64xf32, #tpu.memory_space<vmem>>) target(%dma_start3A_184 : memref<10000x64xf32, #tpu.memory_space<vmem_shared>>) offsets(%dma_start3A_181 : memref<80xi32, #tpu.memory_space<vmem>>) semaphore(%arg16 : memref<!tpu.dma_semaphore, #tpu.memory_space<semaphore_mem>>) {add = true}
    %dma_wait3A_185 = arith.constant 249 : i32
    %dma_wait3A_186 = arith.constant 0 : i32
    %dma_wait3A_187 = tpu.memref_slice %arg8[%dma_wait3A_185, %dma_wait3A_186] : memref<250x80xi32, #tpu.memory_space<vmem>> -> memref<1x80xi32, #tpu.memory_space<vmem>>
    %dma_wait3A_188 = tpu.memref_squeeze %dma_wait3A_187 : memref<1x80xi32, #tpu.memory_space<vmem>> -> memref<80xi32, #tpu.memory_space<vmem>>
    %dma_wait3A_189 = arith.constant 0 : i32
    %dma_wait3A_190 = arith.constant 0 : i32
    %dma_wait3A_191 = tpu.memref_slice %arg14[%dma_wait3A_189, %dma_wait3A_190] : memref<10000x64xf32, #tpu.memory_space<vmem_shared>> -> memref<10000x64xf32, #tpu.memory_space<vmem_shared>>
    tpu.wait_indirect_dma semaphore(%arg16 : memref<!tpu.dma_semaphore, #tpu.memory_space<semaphore_mem>>) src(%arg10 : memref<80x64xf32, #tpu.memory_space<vmem>>) dst(%dma_wait3A_191 : memref<10000x64xf32, #tpu.memory_space<vmem_shared>>)
    %mul3A = arith.constant 125 : i32
    %mul3A_192 = arith.muli %arg0, %mul3A : i32
    %add3A = arith.constant 122 : i32
    %add3A_193 = arith.addi %mul3A_192, %add3A : i32
    %get3A = arith.index_cast %add3A_193 : i32 to index
    %get3A_194 = arith.constant 0 : index
    %get3A_195 = tpu.vector_load %arg8[%get3A, %get3A_194] {strides = array<i32>} : memref<250x80xi32, #tpu.memory_space<vmem>>, vector<16xi32>,
    tpu.vector_store_idx %arg19[%get3A_195], %broadcast_in_dim3A_19 {add = true} : memref<10240xf32, #tpu.memory_space<vmem>>[vector<16xi32>], vector<16xf32>,
    %get3A_196 = arith.index_cast %add3A_193 : i32 to index
    %get3A_197 = arith.constant 16 : index
    %get3A_198 = tpu.vector_load %arg8[%get3A_196, %get3A_197] {strides = array<i32>} : memref<250x80xi32, #tpu.memory_space<vmem>>, vector<16xi32>,
    tpu.vector_store_idx %arg19[%get3A_198], %broadcast_in_dim3A_19 {add = true} : memref<10240xf32, #tpu.memory_space<vmem>>[vector<16xi32>], vector<16xf32>,
    %get3A_199 = arith.index_cast %add3A_193 : i32 to index
    %get3A_200 = arith.constant 32 : index
    %get3A_201 = tpu.vector_load %arg8[%get3A_199, %get3A_200] {strides = array<i32>} : memref<250x80xi32, #tpu.memory_space<vmem>>, vector<16xi32>,
    tpu.vector_store_idx %arg19[%get3A_201], %broadcast_in_dim3A_19 {add = true} : memref<10240xf32, #tpu.memory_space<vmem>>[vector<16xi32>], vector<16xf32>,
    %get3A_202 = arith.index_cast %add3A_193 : i32 to index
    %get3A_203 = arith.constant 48 : index
    %get3A_204 = tpu.vector_load %arg8[%get3A_202, %get3A_203] {strides = array<i32>} : memref<250x80xi32, #tpu.memory_space<vmem>>, vector<16xi32>,
    tpu.vector_store_idx %arg19[%get3A_204], %broadcast_in_dim3A_19 {add = true} : memref<10240xf32, #tpu.memory_space<vmem>>[vector<16xi32>], vector<16xf32>,
    %get3A_205 = arith.index_cast %add3A_193 : i32 to index
    %get3A_206 = arith.constant 64 : index
    %get3A_207 = tpu.vector_load %arg8[%get3A_205, %get3A_206] {strides = array<i32>} : memref<250x80xi32, #tpu.memory_space<vmem>>, vector<16xi32>,
    tpu.vector_store_idx %arg19[%get3A_207], %broadcast_in_dim3A_19 {add = true} : memref<10240xf32, #tpu.memory_space<vmem>>[vector<16xi32>], vector<16xf32>,
    %mul3A_208 = arith.constant 125 : i32
    %mul3A_209 = arith.muli %arg0, %mul3A_208 : i32
    %add3A_210 = arith.constant 123 : i32
    %add3A_211 = arith.addi %mul3A_209, %add3A_210 : i32
    %get3A_212 = arith.index_cast %add3A_211 : i32 to index
    %get3A_213 = arith.constant 0 : index
    %get3A_214 = tpu.vector_load %arg8[%get3A_212, %get3A_213] {strides = array<i32>} : memref<250x80xi32, #tpu.memory_space<vmem>>, vector<16xi32>,
    tpu.vector_store_idx %arg19[%get3A_214], %broadcast_in_dim3A_19 {add = true} : memref<10240xf32, #tpu.memory_space<vmem>>[vector<16xi32>], vector<16xf32>,
    %get3A_215 = arith.index_cast %add3A_211 : i32 to index
    %get3A_216 = arith.constant 16 : index
    %get3A_217 = tpu.vector_load %arg8[%get3A_215, %get3A_216] {strides = array<i32>} : memref<250x80xi32, #tpu.memory_space<vmem>>, vector<16xi32>,
    tpu.vector_store_idx %arg19[%get3A_217], %broadcast_in_dim3A_19 {add = true} : memref<10240xf32, #tpu.memory_space<vmem>>[vector<16xi32>], vector<16xf32>,
    %get3A_218 = arith.index_cast %add3A_211 : i32 to index
    %get3A_219 = arith.constant 32 : index
    %get3A_220 = tpu.vector_load %arg8[%get3A_218, %get3A_219] {strides = array<i32>} : memref<250x80xi32, #tpu.memory_space<vmem>>, vector<16xi32>,
    tpu.vector_store_idx %arg19[%get3A_220], %broadcast_in_dim3A_19 {add = true} : memref<10240xf32, #tpu.memory_space<vmem>>[vector<16xi32>], vector<16xf32>,
    %get3A_221 = arith.index_cast %add3A_211 : i32 to index
    %get3A_222 = arith.constant 48 : index
    %get3A_223 = tpu.vector_load %arg8[%get3A_221, %get3A_222] {strides = array<i32>} : memref<250x80xi32, #tpu.memory_space<vmem>>, vector<16xi32>,
    tpu.vector_store_idx %arg19[%get3A_223], %broadcast_in_dim3A_19 {add = true} : memref<10240xf32, #tpu.memory_space<vmem>>[vector<16xi32>], vector<16xf32>,
    %get3A_224 = arith.index_cast %add3A_211 : i32 to index
    %get3A_225 = arith.constant 64 : index
    %get3A_226 = tpu.vector_load %arg8[%get3A_224, %get3A_225] {strides = array<i32>} : memref<250x80xi32, #tpu.memory_space<vmem>>, vector<16xi32>,
    tpu.vector_store_idx %arg19[%get3A_226], %broadcast_in_dim3A_19 {add = true} : memref<10240xf32, #tpu.memory_space<vmem>>[vector<16xi32>], vector<16xf32>,
    %mul3A_227 = arith.constant 125 : i32
    %mul3A_228 = arith.muli %arg0, %mul3A_227 : i32
    %add3A_229 = arith.constant 124 : i32
    %add3A_230 = arith.addi %mul3A_228, %add3A_229 : i32
    %get3A_231 = arith.index_cast %add3A_230 : i32 to index
    %get3A_232 = arith.constant 0 : index
    %get3A_233 = tpu.vector_load %arg8[%get3A_231, %get3A_232] {strides = array<i32>} : memref<250x80xi32, #tpu.memory_space<vmem>>, vector<16xi32>,
    tpu.vector_store_idx %arg19[%get3A_233], %broadcast_in_dim3A_19 {add = true} : memref<10240xf32, #tpu.memory_space<vmem>>[vector<16xi32>], vector<16xf32>,
    %get3A_234 = arith.index_cast %add3A_230 : i32 to index
    %get3A_235 = arith.constant 16 : index
    %get3A_236 = tpu.vector_load %arg8[%get3A_234, %get3A_235] {strides = array<i32>} : memref<250x80xi32, #tpu.memory_space<vmem>>, vector<16xi32>,
    tpu.vector_store_idx %arg19[%get3A_236], %broadcast_in_dim3A_19 {add = true} : memref<10240xf32, #tpu.memory_space<vmem>>[vector<16xi32>], vector<16xf32>,
    %get3A_237 = arith.index_cast %add3A_230 : i32 to index
    %get3A_238 = arith.constant 32 : index
    %get3A_239 = tpu.vector_load %arg8[%get3A_237, %get3A_238] {strides = array<i32>} : memref<250x80xi32, #tpu.memory_space<vmem>>, vector<16xi32>,
    tpu.vector_store_idx %arg19[%get3A_239], %broadcast_in_dim3A_19 {add = true} : memref<10240xf32, #tpu.memory_space<vmem>>[vector<16xi32>], vector<16xf32>,
    %get3A_240 = arith.index_cast %add3A_230 : i32 to index
    %get3A_241 = arith.constant 48 : index
    %get3A_242 = tpu.vector_load %arg8[%get3A_240, %get3A_241] {strides = array<i32>} : memref<250x80xi32, #tpu.memory_space<vmem>>, vector<16xi32>,
    tpu.vector_store_idx %arg19[%get3A_242], %broadcast_in_dim3A_19 {add = true} : memref<10240xf32, #tpu.memory_space<vmem>>[vector<16xi32>], vector<16xf32>,
    %get3A_243 = arith.index_cast %add3A_230 : i32 to index
    %get3A_244 = arith.constant 64 : index
    %get3A_245 = tpu.vector_load %arg8[%get3A_243, %get3A_244] {strides = array<i32>} : memref<250x80xi32, #tpu.memory_space<vmem>>, vector<16xi32>,
    tpu.vector_store_idx %arg19[%get3A_245], %broadcast_in_dim3A_19 {add = true} : memref<10240xf32, #tpu.memory_space<vmem>>[vector<16xi32>], vector<16xf32>,
    %barrier3A_246 = arith.constant 0 : index
    tpu.barrier barrier_id(%barrier3A_246)
    %scan3A_247 = arith.constant 0 : i32
    %scan3A_248 = arith.constant 0 : i32
    %scan3A_249 = arith.constant 5 : i32
    %scan3A_250 = arith.addi %scan3A_248, %scan3A_249 : i32
    %scan3A_251 = arith.constant 1 : i32
    scf.for %scan3A_268 = %scan3A_248 to %scan3A_250 step %scan3A_251  : i32 {
      %mul3A_269 = arith.constant 625 : i32
      %mul3A_270 = arith.muli %arg1, %mul3A_269 : i32
      %mul3A_271 = arith.constant 125 : i32
      %mul3A_272 = arith.muli %scan3A_268, %mul3A_271 : i32
      %add3A_273 = arith.addi %mul3A_270, %mul3A_272 : i32
      "tpu.region"() ({
        %run_scoped3A = tpu.sem_alloc : memref<!tpu.dma_semaphore, #tpu.memory_space<semaphore_mem>>
        %dma_start3A_276 = arith.constant 0 : i32
        %dma_start3A_277 = tpu.memref_slice %arg14[%add3A_273, %dma_start3A_276] : memref<10000x64xf32, #tpu.memory_space<vmem_shared>> -> memref<125x64xf32, #tpu.memory_space<vmem_shared>>
        %dma_start3A_278 = arith.constant 0 : i32
        %dma_start3A_279 = tpu.memref_slice %arg14[%add3A_273, %dma_start3A_278] : memref<10000x64xf32, #tpu.memory_space<vmem_shared>> -> memref<125x64xf32, #tpu.memory_space<vmem_shared>>
        tpu.enqueue_dma source(%dma_start3A_279 : memref<125x64xf32, #tpu.memory_space<vmem_shared>>) target(%arg13 : memref<125x64xf32, #tpu.memory_space<vmem>>) target_semaphore(%run_scoped3A : memref<!tpu.dma_semaphore, #tpu.memory_space<semaphore_mem>>)
        %dma_wait3A_280 = arith.constant 0 : i32
        %dma_wait3A_281 = tpu.memref_slice %arg14[%add3A_273, %dma_wait3A_280] : memref<10000x64xf32, #tpu.memory_space<vmem_shared>> -> memref<125x64xf32, #tpu.memory_space<vmem_shared>>
        %dma_wait3A_282 = arith.constant 0 : i32
        %dma_wait3A_283 = tpu.memref_slice %arg14[%add3A_273, %dma_wait3A_282] : memref<10000x64xf32, #tpu.memory_space<vmem_shared>> -> memref<125x64xf32, #tpu.memory_space<vmem_shared>>
        tpu.wait_dma2 semaphore(%run_scoped3A : memref<!tpu.dma_semaphore, #tpu.memory_space<semaphore_mem>>) src(%dma_wait3A_283 : memref<125x64xf32, #tpu.memory_space<vmem_shared>>) dst(%arg13 : memref<125x64xf32, #tpu.memory_space<vmem>>)
        tpu.yield
      }) : () -> ()
      %mul3A_274 = arith.constant 64 : i32
      %mul3A_275 = arith.muli %arg0, %mul3A_274 : i32
      "tpu.region"() ({
        %run_scoped3A = tpu.sem_alloc : memref<!tpu.dma_semaphore, #tpu.memory_space<semaphore_mem>>
        %dma_start3A_276 = tpu.memref_slice %arg5[%add3A_273, %mul3A_275] : memref<10000x128xf32, #tpu.memory_space<hbm>> -> memref<125x64xf32, #tpu.memory_space<hbm>>
        %dma_start3A_277 = tpu.memref_slice %arg5[%add3A_273, %mul3A_275] : memref<10000x128xf32, #tpu.memory_space<hbm>> -> memref<125x64xf32, #tpu.memory_space<hbm>>
        tpu.enqueue_dma source(%arg13 : memref<125x64xf32, #tpu.memory_space<vmem>>) target(%dma_start3A_277 : memref<125x64xf32, #tpu.memory_space<hbm>>) target_semaphore(%run_scoped3A : memref<!tpu.dma_semaphore, #tpu.memory_space<semaphore_mem>>)
        %dma_wait3A_278 = tpu.memref_slice %arg5[%add3A_273, %mul3A_275] : memref<10000x128xf32, #tpu.memory_space<hbm>> -> memref<125x64xf32, #tpu.memory_space<hbm>>
        %dma_wait3A_279 = tpu.memref_slice %arg5[%add3A_273, %mul3A_275] : memref<10000x128xf32, #tpu.memory_space<hbm>> -> memref<125x64xf32, #tpu.memory_space<hbm>>
        tpu.wait_dma2 semaphore(%run_scoped3A : memref<!tpu.dma_semaphore, #tpu.memory_space<semaphore_mem>>) src(%arg13 : memref<125x64xf32, #tpu.memory_space<vmem>>) dst(%dma_wait3A_279 : memref<125x64xf32, #tpu.memory_space<hbm>>)
        tpu.yield
      }) : () -> ()
    }
    %scan3A_252 = arith.constant 5 : i32
    "tpu.region"() ({
      %run_scoped3A = tpu.sem_alloc : memref<!tpu.dma_semaphore, #tpu.memory_space<semaphore_mem>>
      %dma_start3A_268 = arith.constant 0 : i32
      %dma_start3A_269 = tpu.memref_slice %arg21[%arg1, %dma_start3A_268] : memref<16x10240xf32, #tpu.memory_space<vmem_shared>> -> memref<1x10240xf32, #tpu.memory_space<vmem_shared>>
      %dma_start3A_270 = tpu.memref_squeeze %dma_start3A_269 : memref<1x10240xf32, #tpu.memory_space<vmem_shared>> -> memref<10240xf32, #tpu.memory_space<vmem_shared>>
      %dma_start3A_271 = arith.constant 0 : i32
      %dma_start3A_272 = tpu.memref_slice %arg21[%arg1, %dma_start3A_271] : memref<16x10240xf32, #tpu.memory_space<vmem_shared>> -> memref<1x10240xf32, #tpu.memory_space<vmem_shared>>
      %dma_start3A_273 = tpu.memref_squeeze %dma_start3A_272 : memref<1x10240xf32, #tpu.memory_space<vmem_shared>> -> memref<10240xf32, #tpu.memory_space<vmem_shared>>
      tpu.enqueue_dma source(%arg19 : memref<10240xf32, #tpu.memory_space<vmem>>) target(%dma_start3A_273 : memref<10240xf32, #tpu.memory_space<vmem_shared>>) target_semaphore(%run_scoped3A : memref<!tpu.dma_semaphore, #tpu.memory_space<semaphore_mem>>)
      %dma_wait3A_274 = arith.constant 0 : i32
      %dma_wait3A_275 = tpu.memref_slice %arg21[%arg1, %dma_wait3A_274] : memref<16x10240xf32, #tpu.memory_space<vmem_shared>> -> memref<1x10240xf32, #tpu.memory_space<vmem_shared>>
      %dma_wait3A_276 = tpu.memref_squeeze %dma_wait3A_275 : memref<1x10240xf32, #tpu.memory_space<vmem_shared>> -> memref<10240xf32, #tpu.memory_space<vmem_shared>>
      %dma_wait3A_277 = arith.constant 0 : i32
      %dma_wait3A_278 = tpu.memref_slice %arg21[%arg1, %dma_wait3A_277] : memref<16x10240xf32, #tpu.memory_space<vmem_shared>> -> memref<1x10240xf32, #tpu.memory_space<vmem_shared>>
      %dma_wait3A_279 = tpu.memref_squeeze %dma_wait3A_278 : memref<1x10240xf32, #tpu.memory_space<vmem_shared>> -> memref<10240xf32, #tpu.memory_space<vmem_shared>>
      tpu.wait_dma2 semaphore(%run_scoped3A : memref<!tpu.dma_semaphore, #tpu.memory_space<semaphore_mem>>) src(%arg19 : memref<10240xf32, #tpu.memory_space<vmem>>) dst(%dma_wait3A_279 : memref<10240xf32, #tpu.memory_space<vmem_shared>>)
      tpu.yield
    }) : () -> ()
    %barrier3A_253 = arith.constant 0 : index
    tpu.barrier barrier_id(%barrier3A_253)
    %scan3A_254 = arith.constant 0 : i32
    %scan3A_255 = arith.constant 0 : i32
    %scan3A_256 = arith.constant 40 : i32
    %scan3A_257 = arith.addi %scan3A_255, %scan3A_256 : i32
    %scan3A_258 = arith.constant 1 : i32
    scf.for %scan3A_268 = %scan3A_255 to %scan3A_257 step %scan3A_258  : i32 {
      %mul3A_269 = arith.constant 16 : i32
      %mul3A_270 = arith.muli %scan3A_268, %mul3A_269 : i32
      %swap3A = arith.index_cast %mul3A_270 : i32 to index
      %swap3A_271 = tpu.vector_load %arg20[%swap3A] {strides = array<i32>} : memref<640xf32, #tpu.memory_space<vmem>>, vector<16xf32>,
      tpu.vector_store %arg20[%swap3A], %broadcast_in_dim3A_0 {strides = array<i32>} : memref<640xf32, #tpu.memory_space<vmem>>, vector<16xf32>,
    }
    %scan3A_259 = arith.constant 40 : i32
    %scan3A_260 = arith.constant 0 : i32
    %scan3A_261 = arith.constant 0 : i32
    %scan3A_262 = arith.constant 16 : i32
    %scan3A_263 = arith.addi %scan3A_261, %scan3A_262 : i32
    %scan3A_264 = arith.constant 1 : i32
    scf.for %scan3A_268 = %scan3A_261 to %scan3A_263 step %scan3A_264  : i32 {
      %mul3A_269 = arith.constant 640 : i32
      %mul3A_270 = arith.muli %arg1, %mul3A_269 : i32
      "tpu.region"() ({
        %run_scoped3A = tpu.sem_alloc : memref<!tpu.dma_semaphore, #tpu.memory_space<semaphore_mem>>
        %dma_start3A_550 = arith.constant 0 : i32
        %dma_start3A_551 = tpu.memref_slice %arg19[%dma_start3A_550] : memref<10240xf32, #tpu.memory_space<vmem>> -> memref<640xf32, #tpu.memory_space<vmem>>
        %dma_start3A_552 = tpu.memref_slice %arg21[%scan3A_268, %mul3A_270] : memref<16x10240xf32, #tpu.memory_space<vmem_shared>> -> memref<1x640xf32, #tpu.memory_space<vmem_shared>>
        %dma_start3A_553 = tpu.memref_squeeze %dma_start3A_552 : memref<1x640xf32, #tpu.memory_space<vmem_shared>> -> memref<640xf32, #tpu.memory_space<vmem_shared>>
        %dma_start3A_554 = arith.constant 0 : i32
        %dma_start3A_555 = tpu.memref_slice %arg19[%dma_start3A_554] : memref<10240xf32, #tpu.memory_space<vmem>> -> memref<640xf32, #tpu.memory_space<vmem>>
        %dma_start3A_556 = tpu.memref_slice %arg21[%scan3A_268, %mul3A_270] : memref<16x10240xf32, #tpu.memory_space<vmem_shared>> -> memref<1x640xf32, #tpu.memory_space<vmem_shared>>
        %dma_start3A_557 = tpu.memref_squeeze %dma_start3A_556 : memref<1x640xf32, #tpu.memory_space<vmem_shared>> -> memref<640xf32, #tpu.memory_space<vmem_shared>>
        tpu.enqueue_dma source(%dma_start3A_557 : memref<640xf32, #tpu.memory_space<vmem_shared>>) target(%dma_start3A_555 : memref<640xf32, #tpu.memory_space<vmem>>) target_semaphore(%run_scoped3A : memref<!tpu.dma_semaphore, #tpu.memory_space<semaphore_mem>>)
        %dma_wait3A_558 = arith.constant 0 : i32
        %dma_wait3A_559 = tpu.memref_slice %arg19[%dma_wait3A_558] : memref<10240xf32, #tpu.memory_space<vmem>> -> memref<640xf32, #tpu.memory_space<vmem>>
        %dma_wait3A_560 = tpu.memref_slice %arg21[%scan3A_268, %mul3A_270] : memref<16x10240xf32, #tpu.memory_space<vmem_shared>> -> memref<1x640xf32, #tpu.memory_space<vmem_shared>>
        %dma_wait3A_561 = tpu.memref_squeeze %dma_wait3A_560 : memref<1x640xf32, #tpu.memory_space<vmem_shared>> -> memref<640xf32, #tpu.memory_space<vmem_shared>>
        %dma_wait3A_562 = arith.constant 0 : i32
        %dma_wait3A_563 = tpu.memref_slice %arg19[%dma_wait3A_562] : memref<10240xf32, #tpu.memory_space<vmem>> -> memref<640xf32, #tpu.memory_space<vmem>>
        %dma_wait3A_564 = tpu.memref_slice %arg21[%scan3A_268, %mul3A_270] : memref<16x10240xf32, #tpu.memory_space<vmem_shared>> -> memref<1x640xf32, #tpu.memory_space<vmem_shared>>
        %dma_wait3A_565 = tpu.memref_squeeze %dma_wait3A_564 : memref<1x640xf32, #tpu.memory_space<vmem_shared>> -> memref<640xf32, #tpu.memory_space<vmem_shared>>
        tpu.wait_dma2 semaphore(%run_scoped3A : memref<!tpu.dma_semaphore, #tpu.memory_space<semaphore_mem>>) src(%dma_wait3A_565 : memref<640xf32, #tpu.memory_space<vmem_shared>>) dst(%dma_wait3A_563 : memref<640xf32, #tpu.memory_space<vmem>>)
        tpu.yield
      }) : () -> ()
      %get3A_271 = arith.constant 0 : index
      %get3A_272 = tpu.vector_load %arg20[%get3A_271] {strides = array<i32>} : memref<640xf32, #tpu.memory_space<vmem>>, vector<16xf32>,
      %get3A_273 = arith.constant 0 : index
      %get3A_274 = tpu.vector_load %arg19[%get3A_273] {strides = array<i32>} : memref<10240xf32, #tpu.memory_space<vmem>>, vector<16xf32>,
      %add3A_275 = arith.addf %get3A_272, %get3A_274 : vector<16xf32>
      %swap3A = arith.constant 0 : index
      %swap3A_276 = tpu.vector_load %arg20[%swap3A] {strides = array<i32>} : memref<640xf32, #tpu.memory_space<vmem>>, vector<16xf32>,
      tpu.vector_store %arg20[%swap3A], %add3A_275 {strides = array<i32>} : memref<640xf32, #tpu.memory_space<vmem>>, vector<16xf32>,
      %get3A_277 = arith.constant 16 : index
      %get3A_278 = tpu.vector_load %arg20[%get3A_277] {strides = array<i32>} : memref<640xf32, #tpu.memory_space<vmem>>, vector<16xf32>,
      %get3A_279 = arith.constant 16 : index
      %get3A_280 = tpu.vector_load %arg19[%get3A_279] {strides = array<i32>} : memref<10240xf32, #tpu.memory_space<vmem>>, vector<16xf32>,
      %add3A_281 = arith.addf %get3A_278, %get3A_280 : vector<16xf32>
      %swap3A_282 = arith.constant 16 : index
      %swap3A_283 = tpu.vector_load %arg20[%swap3A_282] {strides = array<i32>} : memref<640xf32, #tpu.memory_space<vmem>>, vector<16xf32>,
      tpu.vector_store %arg20[%swap3A_282], %add3A_281 {strides = array<i32>} : memref<640xf32, #tpu.memory_space<vmem>>, vector<16xf32>,
      %get3A_284 = arith.constant 32 : index
      %get3A_285 = tpu.vector_load %arg20[%get3A_284] {strides = array<i32>} : memref<640xf32, #tpu.memory_space<vmem>>, vector<16xf32>,
      %get3A_286 = arith.constant 32 : index
      %get3A_287 = tpu.vector_load %arg19[%get3A_286] {strides = array<i32>} : memref<10240xf32, #tpu.memory_space<vmem>>, vector<16xf32>,
      %add3A_288 = arith.addf %get3A_285, %get3A_287 : vector<16xf32>
      %swap3A_289 = arith.constant 32 : index
      %swap3A_290 = tpu.vector_load %arg20[%swap3A_289] {strides = array<i32>} : memref<640xf32, #tpu.memory_space<vmem>>, vector<16xf32>,
      tpu.vector_store %arg20[%swap3A_289], %add3A_288 {strides = array<i32>} : memref<640xf32, #tpu.memory_space<vmem>>, vector<16xf32>,
      %get3A_291 = arith.constant 48 : index
      %get3A_292 = tpu.vector_load %arg20[%get3A_291] {strides = array<i32>} : memref<640xf32, #tpu.memory_space<vmem>>, vector<16xf32>,
      %get3A_293 = arith.constant 48 : index
      %get3A_294 = tpu.vector_load %arg19[%get3A_293] {strides = array<i32>} : memref<10240xf32, #tpu.memory_space<vmem>>, vector<16xf32>,
      %add3A_295 = arith.addf %get3A_292, %get3A_294 : vector<16xf32>
      %swap3A_296 = arith.constant 48 : index
      %swap3A_297 = tpu.vector_load %arg20[%swap3A_296] {strides = array<i32>} : memref<640xf32, #tpu.memory_space<vmem>>, vector<16xf32>,
      tpu.vector_store %arg20[%swap3A_296], %add3A_295 {strides = array<i32>} : memref<640xf32, #tpu.memory_space<vmem>>, vector<16xf32>,
      %get3A_298 = arith.constant 64 : index
      %get3A_299 = tpu.vector_load %arg20[%get3A_298] {strides = array<i32>} : memref<640xf32, #tpu.memory_space<vmem>>, vector<16xf32>,
      %get3A_300 = arith.constant 64 : index
      %get3A_301 = tpu.vector_load %arg19[%get3A_300] {strides = array<i32>} : memref<10240xf32, #tpu.memory_space<vmem>>, vector<16xf32>,
      %add3A_302 = arith.addf %get3A_299, %get3A_301 : vector<16xf32>
      %swap3A_303 = arith.constant 64 : index
      %swap3A_304 = tpu.vector_load %arg20[%swap3A_303] {strides = array<i32>} : memref<640xf32, #tpu.memory_space<vmem>>, vector<16xf32>,
      tpu.vector_store %arg20[%swap3A_303], %add3A_302 {strides = array<i32>} : memref<640xf32, #tpu.memory_space<vmem>>, vector<16xf32>,
      %get3A_305 = arith.constant 80 : index
      %get3A_306 = tpu.vector_load %arg20[%get3A_305] {strides = array<i32>} : memref<640xf32, #tpu.memory_space<vmem>>, vector<16xf32>,
      %get3A_307 = arith.constant 80 : index
      %get3A_308 = tpu.vector_load %arg19[%get3A_307] {strides = array<i32>} : memref<10240xf32, #tpu.memory_space<vmem>>, vector<16xf32>,
      %add3A_309 = arith.addf %get3A_306, %get3A_308 : vector<16xf32>
      %swap3A_310 = arith.constant 80 : index
      %swap3A_311 = tpu.vector_load %arg20[%swap3A_310] {strides = array<i32>} : memref<640xf32, #tpu.memory_space<vmem>>, vector<16xf32>,
      tpu.vector_store %arg20[%swap3A_310], %add3A_309 {strides = array<i32>} : memref<640xf32, #tpu.memory_space<vmem>>, vector<16xf32>,
      %get3A_312 = arith.constant 96 : index
      %get3A_313 = tpu.vector_load %arg20[%get3A_312] {strides = array<i32>} : memref<640xf32, #tpu.memory_space<vmem>>, vector<16xf32>,
      %get3A_314 = arith.constant 96 : index
      %get3A_315 = tpu.vector_load %arg19[%get3A_314] {strides = array<i32>} : memref<10240xf32, #tpu.memory_space<vmem>>, vector<16xf32>,
      %add3A_316 = arith.addf %get3A_313, %get3A_315 : vector<16xf32>
      %swap3A_317 = arith.constant 96 : index
      %swap3A_318 = tpu.vector_load %arg20[%swap3A_317] {strides = array<i32>} : memref<640xf32, #tpu.memory_space<vmem>>, vector<16xf32>,
      tpu.vector_store %arg20[%swap3A_317], %add3A_316 {strides = array<i32>} : memref<640xf32, #tpu.memory_space<vmem>>, vector<16xf32>,
      %get3A_319 = arith.constant 112 : index
      %get3A_320 = tpu.vector_load %arg20[%get3A_319] {strides = array<i32>} : memref<640xf32, #tpu.memory_space<vmem>>, vector<16xf32>,
      %get3A_321 = arith.constant 112 : index
      %get3A_322 = tpu.vector_load %arg19[%get3A_321] {strides = array<i32>} : memref<10240xf32, #tpu.memory_space<vmem>>, vector<16xf32>,
      %add3A_323 = arith.addf %get3A_320, %get3A_322 : vector<16xf32>
      %swap3A_324 = arith.constant 112 : index
      %swap3A_325 = tpu.vector_load %arg20[%swap3A_324] {strides = array<i32>} : memref<640xf32, #tpu.memory_space<vmem>>, vector<16xf32>,
      tpu.vector_store %arg20[%swap3A_324], %add3A_323 {strides = array<i32>} : memref<640xf32, #tpu.memory_space<vmem>>, vector<16xf32>,
      %get3A_326 = arith.constant 128 : index
      %get3A_327 = tpu.vector_load %arg20[%get3A_326] {strides = array<i32>} : memref<640xf32, #tpu.memory_space<vmem>>, vector<16xf32>,
      %get3A_328 = arith.constant 128 : index
      %get3A_329 = tpu.vector_load %arg19[%get3A_328] {strides = array<i32>} : memref<10240xf32, #tpu.memory_space<vmem>>, vector<16xf32>,
      %add3A_330 = arith.addf %get3A_327, %get3A_329 : vector<16xf32>
      %swap3A_331 = arith.constant 128 : index
      %swap3A_332 = tpu.vector_load %arg20[%swap3A_331] {strides = array<i32>} : memref<640xf32, #tpu.memory_space<vmem>>, vector<16xf32>,
      tpu.vector_store %arg20[%swap3A_331], %add3A_330 {strides = array<i32>} : memref<640xf32, #tpu.memory_space<vmem>>, vector<16xf32>,
      %get3A_333 = arith.constant 144 : index
      %get3A_334 = tpu.vector_load %arg20[%get3A_333] {strides = array<i32>} : memref<640xf32, #tpu.memory_space<vmem>>, vector<16xf32>,
      %get3A_335 = arith.constant 144 : index
      %get3A_336 = tpu.vector_load %arg19[%get3A_335] {strides = array<i32>} : memref<10240xf32, #tpu.memory_space<vmem>>, vector<16xf32>,
      %add3A_337 = arith.addf %get3A_334, %get3A_336 : vector<16xf32>
      %swap3A_338 = arith.constant 144 : index
      %swap3A_339 = tpu.vector_load %arg20[%swap3A_338] {strides = array<i32>} : memref<640xf32, #tpu.memory_space<vmem>>, vector<16xf32>,
      tpu.vector_store %arg20[%swap3A_338], %add3A_337 {strides = array<i32>} : memref<640xf32, #tpu.memory_space<vmem>>, vector<16xf32>,
      %get3A_340 = arith.constant 160 : index
      %get3A_341 = tpu.vector_load %arg20[%get3A_340] {strides = array<i32>} : memref<640xf32, #tpu.memory_space<vmem>>, vector<16xf32>,
      %get3A_342 = arith.constant 160 : index
      %get3A_343 = tpu.vector_load %arg19[%get3A_342] {strides = array<i32>} : memref<10240xf32, #tpu.memory_space<vmem>>, vector<16xf32>,
      %add3A_344 = arith.addf %get3A_341, %get3A_343 : vector<16xf32>
      %swap3A_345 = arith.constant 160 : index
      %swap3A_346 = tpu.vector_load %arg20[%swap3A_345] {strides = array<i32>} : memref<640xf32, #tpu.memory_space<vmem>>, vector<16xf32>,
      tpu.vector_store %arg20[%swap3A_345], %add3A_344 {strides = array<i32>} : memref<640xf32, #tpu.memory_space<vmem>>, vector<16xf32>,
      %get3A_347 = arith.constant 176 : index
      %get3A_348 = tpu.vector_load %arg20[%get3A_347] {strides = array<i32>} : memref<640xf32, #tpu.memory_space<vmem>>, vector<16xf32>,
      %get3A_349 = arith.constant 176 : index
      %get3A_350 = tpu.vector_load %arg19[%get3A_349] {strides = array<i32>} : memref<10240xf32, #tpu.memory_space<vmem>>, vector<16xf32>,
      %add3A_351 = arith.addf %get3A_348, %get3A_350 : vector<16xf32>
      %swap3A_352 = arith.constant 176 : index
      %swap3A_353 = tpu.vector_load %arg20[%swap3A_352] {strides = array<i32>} : memref<640xf32, #tpu.memory_space<vmem>>, vector<16xf32>,
      tpu.vector_store %arg20[%swap3A_352], %add3A_351 {strides = array<i32>} : memref<640xf32, #tpu.memory_space<vmem>>, vector<16xf32>,
      %get3A_354 = arith.constant 192 : index
      %get3A_355 = tpu.vector_load %arg20[%get3A_354] {strides = array<i32>} : memref<640xf32, #tpu.memory_space<vmem>>, vector<16xf32>,
      %get3A_356 = arith.constant 192 : index
      %get3A_357 = tpu.vector_load %arg19[%get3A_356] {strides = array<i32>} : memref<10240xf32, #tpu.memory_space<vmem>>, vector<16xf32>,
      %add3A_358 = arith.addf %get3A_355, %get3A_357 : vector<16xf32>
      %swap3A_359 = arith.constant 192 : index
      %swap3A_360 = tpu.vector_load %arg20[%swap3A_359] {strides = array<i32>} : memref<640xf32, #tpu.memory_space<vmem>>, vector<16xf32>,
      tpu.vector_store %arg20[%swap3A_359], %add3A_358 {strides = array<i32>} : memref<640xf32, #tpu.memory_space<vmem>>, vector<16xf32>,
      %get3A_361 = arith.constant 208 : index
      %get3A_362 = tpu.vector_load %arg20[%get3A_361] {strides = array<i32>} : memref<640xf32, #tpu.memory_space<vmem>>, vector<16xf32>,
      %get3A_363 = arith.constant 208 : index
      %get3A_364 = tpu.vector_load %arg19[%get3A_363] {strides = array<i32>} : memref<10240xf32, #tpu.memory_space<vmem>>, vector<16xf32>,
      %add3A_365 = arith.addf %get3A_362, %get3A_364 : vector<16xf32>
      %swap3A_366 = arith.constant 208 : index
      %swap3A_367 = tpu.vector_load %arg20[%swap3A_366] {strides = array<i32>} : memref<640xf32, #tpu.memory_space<vmem>>, vector<16xf32>,
      tpu.vector_store %arg20[%swap3A_366], %add3A_365 {strides = array<i32>} : memref<640xf32, #tpu.memory_space<vmem>>, vector<16xf32>,
      %get3A_368 = arith.constant 224 : index
      %get3A_369 = tpu.vector_load %arg20[%get3A_368] {strides = array<i32>} : memref<640xf32, #tpu.memory_space<vmem>>, vector<16xf32>,
      %get3A_370 = arith.constant 224 : index
      %get3A_371 = tpu.vector_load %arg19[%get3A_370] {strides = array<i32>} : memref<10240xf32, #tpu.memory_space<vmem>>, vector<16xf32>,
      %add3A_372 = arith.addf %get3A_369, %get3A_371 : vector<16xf32>
      %swap3A_373 = arith.constant 224 : index
      %swap3A_374 = tpu.vector_load %arg20[%swap3A_373] {strides = array<i32>} : memref<640xf32, #tpu.memory_space<vmem>>, vector<16xf32>,
      tpu.vector_store %arg20[%swap3A_373], %add3A_372 {strides = array<i32>} : memref<640xf32, #tpu.memory_space<vmem>>, vector<16xf32>,
      %get3A_375 = arith.constant 240 : index
      %get3A_376 = tpu.vector_load %arg20[%get3A_375] {strides = array<i32>} : memref<640xf32, #tpu.memory_space<vmem>>, vector<16xf32>,
      %get3A_377 = arith.constant 240 : index
      %get3A_378 = tpu.vector_load %arg19[%get3A_377] {strides = array<i32>} : memref<10240xf32, #tpu.memory_space<vmem>>, vector<16xf32>,
      %add3A_379 = arith.addf %get3A_376, %get3A_378 : vector<16xf32>
      %swap3A_380 = arith.constant 240 : index
      %swap3A_381 = tpu.vector_load %arg20[%swap3A_380] {strides = array<i32>} : memref<640xf32, #tpu.memory_space<vmem>>, vector<16xf32>,
      tpu.vector_store %arg20[%swap3A_380], %add3A_379 {strides = array<i32>} : memref<640xf32, #tpu.memory_space<vmem>>, vector<16xf32>,
      %get3A_382 = arith.constant 256 : index
      %get3A_383 = tpu.vector_load %arg20[%get3A_382] {strides = array<i32>} : memref<640xf32, #tpu.memory_space<vmem>>, vector<16xf32>,
      %get3A_384 = arith.constant 256 : index
      %get3A_385 = tpu.vector_load %arg19[%get3A_384] {strides = array<i32>} : memref<10240xf32, #tpu.memory_space<vmem>>, vector<16xf32>,
      %add3A_386 = arith.addf %get3A_383, %get3A_385 : vector<16xf32>
      %swap3A_387 = arith.constant 256 : index
      %swap3A_388 = tpu.vector_load %arg20[%swap3A_387] {strides = array<i32>} : memref<640xf32, #tpu.memory_space<vmem>>, vector<16xf32>,
      tpu.vector_store %arg20[%swap3A_387], %add3A_386 {strides = array<i32>} : memref<640xf32, #tpu.memory_space<vmem>>, vector<16xf32>,
      %get3A_389 = arith.constant 272 : index
      %get3A_390 = tpu.vector_load %arg20[%get3A_389] {strides = array<i32>} : memref<640xf32, #tpu.memory_space<vmem>>, vector<16xf32>,
      %get3A_391 = arith.constant 272 : index
      %get3A_392 = tpu.vector_load %arg19[%get3A_391] {strides = array<i32>} : memref<10240xf32, #tpu.memory_space<vmem>>, vector<16xf32>,
      %add3A_393 = arith.addf %get3A_390, %get3A_392 : vector<16xf32>
      %swap3A_394 = arith.constant 272 : index
      %swap3A_395 = tpu.vector_load %arg20[%swap3A_394] {strides = array<i32>} : memref<640xf32, #tpu.memory_space<vmem>>, vector<16xf32>,
      tpu.vector_store %arg20[%swap3A_394], %add3A_393 {strides = array<i32>} : memref<640xf32, #tpu.memory_space<vmem>>, vector<16xf32>,
      %get3A_396 = arith.constant 288 : index
      %get3A_397 = tpu.vector_load %arg20[%get3A_396] {strides = array<i32>} : memref<640xf32, #tpu.memory_space<vmem>>, vector<16xf32>,
      %get3A_398 = arith.constant 288 : index
      %get3A_399 = tpu.vector_load %arg19[%get3A_398] {strides = array<i32>} : memref<10240xf32, #tpu.memory_space<vmem>>, vector<16xf32>,
      %add3A_400 = arith.addf %get3A_397, %get3A_399 : vector<16xf32>
      %swap3A_401 = arith.constant 288 : index
      %swap3A_402 = tpu.vector_load %arg20[%swap3A_401] {strides = array<i32>} : memref<640xf32, #tpu.memory_space<vmem>>, vector<16xf32>,
      tpu.vector_store %arg20[%swap3A_401], %add3A_400 {strides = array<i32>} : memref<640xf32, #tpu.memory_space<vmem>>, vector<16xf32>,
      %get3A_403 = arith.constant 304 : index
      %get3A_404 = tpu.vector_load %arg20[%get3A_403] {strides = array<i32>} : memref<640xf32, #tpu.memory_space<vmem>>, vector<16xf32>,
      %get3A_405 = arith.constant 304 : index
      %get3A_406 = tpu.vector_load %arg19[%get3A_405] {strides = array<i32>} : memref<10240xf32, #tpu.memory_space<vmem>>, vector<16xf32>,
      %add3A_407 = arith.addf %get3A_404, %get3A_406 : vector<16xf32>
      %swap3A_408 = arith.constant 304 : index
      %swap3A_409 = tpu.vector_load %arg20[%swap3A_408] {strides = array<i32>} : memref<640xf32, #tpu.memory_space<vmem>>, vector<16xf32>,
      tpu.vector_store %arg20[%swap3A_408], %add3A_407 {strides = array<i32>} : memref<640xf32, #tpu.memory_space<vmem>>, vector<16xf32>,
      %get3A_410 = arith.constant 320 : index
      %get3A_411 = tpu.vector_load %arg20[%get3A_410] {strides = array<i32>} : memref<640xf32, #tpu.memory_space<vmem>>, vector<16xf32>,
      %get3A_412 = arith.constant 320 : index
      %get3A_413 = tpu.vector_load %arg19[%get3A_412] {strides = array<i32>} : memref<10240xf32, #tpu.memory_space<vmem>>, vector<16xf32>,
      %add3A_414 = arith.addf %get3A_411, %get3A_413 : vector<16xf32>
      %swap3A_415 = arith.constant 320 : index
      %swap3A_416 = tpu.vector_load %arg20[%swap3A_415] {strides = array<i32>} : memref<640xf32, #tpu.memory_space<vmem>>, vector<16xf32>,
      tpu.vector_store %arg20[%swap3A_415], %add3A_414 {strides = array<i32>} : memref<640xf32, #tpu.memory_space<vmem>>, vector<16xf32>,
      %get3A_417 = arith.constant 336 : index
      %get3A_418 = tpu.vector_load %arg20[%get3A_417] {strides = array<i32>} : memref<640xf32, #tpu.memory_space<vmem>>, vector<16xf32>,
      %get3A_419 = arith.constant 336 : index
      %get3A_420 = tpu.vector_load %arg19[%get3A_419] {strides = array<i32>} : memref<10240xf32, #tpu.memory_space<vmem>>, vector<16xf32>,
      %add3A_421 = arith.addf %get3A_418, %get3A_420 : vector<16xf32>
      %swap3A_422 = arith.constant 336 : index
      %swap3A_423 = tpu.vector_load %arg20[%swap3A_422] {strides = array<i32>} : memref<640xf32, #tpu.memory_space<vmem>>, vector<16xf32>,
      tpu.vector_store %arg20[%swap3A_422], %add3A_421 {strides = array<i32>} : memref<640xf32, #tpu.memory_space<vmem>>, vector<16xf32>,
      %get3A_424 = arith.constant 352 : index
      %get3A_425 = tpu.vector_load %arg20[%get3A_424] {strides = array<i32>} : memref<640xf32, #tpu.memory_space<vmem>>, vector<16xf32>,
      %get3A_426 = arith.constant 352 : index
      %get3A_427 = tpu.vector_load %arg19[%get3A_426] {strides = array<i32>} : memref<10240xf32, #tpu.memory_space<vmem>>, vector<16xf32>,
      %add3A_428 = arith.addf %get3A_425, %get3A_427 : vector<16xf32>
      %swap3A_429 = arith.constant 352 : index
      %swap3A_430 = tpu.vector_load %arg20[%swap3A_429] {strides = array<i32>} : memref<640xf32, #tpu.memory_space<vmem>>, vector<16xf32>,
      tpu.vector_store %arg20[%swap3A_429], %add3A_428 {strides = array<i32>} : memref<640xf32, #tpu.memory_space<vmem>>, vector<16xf32>,
      %get3A_431 = arith.constant 368 : index
      %get3A_432 = tpu.vector_load %arg20[%get3A_431] {strides = array<i32>} : memref<640xf32, #tpu.memory_space<vmem>>, vector<16xf32>,
      %get3A_433 = arith.constant 368 : index
      %get3A_434 = tpu.vector_load %arg19[%get3A_433] {strides = array<i32>} : memref<10240xf32, #tpu.memory_space<vmem>>, vector<16xf32>,
      %add3A_435 = arith.addf %get3A_432, %get3A_434 : vector<16xf32>
      %swap3A_436 = arith.constant 368 : index
      %swap3A_437 = tpu.vector_load %arg20[%swap3A_436] {strides = array<i32>} : memref<640xf32, #tpu.memory_space<vmem>>, vector<16xf32>,
      tpu.vector_store %arg20[%swap3A_436], %add3A_435 {strides = array<i32>} : memref<640xf32, #tpu.memory_space<vmem>>, vector<16xf32>,
      %get3A_438 = arith.constant 384 : index
      %get3A_439 = tpu.vector_load %arg20[%get3A_438] {strides = array<i32>} : memref<640xf32, #tpu.memory_space<vmem>>, vector<16xf32>,
      %get3A_440 = arith.constant 384 : index
      %get3A_441 = tpu.vector_load %arg19[%get3A_440] {strides = array<i32>} : memref<10240xf32, #tpu.memory_space<vmem>>, vector<16xf32>,
      %add3A_442 = arith.addf %get3A_439, %get3A_441 : vector<16xf32>
      %swap3A_443 = arith.constant 384 : index
      %swap3A_444 = tpu.vector_load %arg20[%swap3A_443] {strides = array<i32>} : memref<640xf32, #tpu.memory_space<vmem>>, vector<16xf32>,
      tpu.vector_store %arg20[%swap3A_443], %add3A_442 {strides = array<i32>} : memref<640xf32, #tpu.memory_space<vmem>>, vector<16xf32>,
      %get3A_445 = arith.constant 400 : index
      %get3A_446 = tpu.vector_load %arg20[%get3A_445] {strides = array<i32>} : memref<640xf32, #tpu.memory_space<vmem>>, vector<16xf32>,
      %get3A_447 = arith.constant 400 : index
      %get3A_448 = tpu.vector_load %arg19[%get3A_447] {strides = array<i32>} : memref<10240xf32, #tpu.memory_space<vmem>>, vector<16xf32>,
      %add3A_449 = arith.addf %get3A_446, %get3A_448 : vector<16xf32>
      %swap3A_450 = arith.constant 400 : index
      %swap3A_451 = tpu.vector_load %arg20[%swap3A_450] {strides = array<i32>} : memref<640xf32, #tpu.memory_space<vmem>>, vector<16xf32>,
      tpu.vector_store %arg20[%swap3A_450], %add3A_449 {strides = array<i32>} : memref<640xf32, #tpu.memory_space<vmem>>, vector<16xf32>,
      %get3A_452 = arith.constant 416 : index
      %get3A_453 = tpu.vector_load %arg20[%get3A_452] {strides = array<i32>} : memref<640xf32, #tpu.memory_space<vmem>>, vector<16xf32>,
      %get3A_454 = arith.constant 416 : index
      %get3A_455 = tpu.vector_load %arg19[%get3A_454] {strides = array<i32>} : memref<10240xf32, #tpu.memory_space<vmem>>, vector<16xf32>,
      %add3A_456 = arith.addf %get3A_453, %get3A_455 : vector<16xf32>
      %swap3A_457 = arith.constant 416 : index
      %swap3A_458 = tpu.vector_load %arg20[%swap3A_457] {strides = array<i32>} : memref<640xf32, #tpu.memory_space<vmem>>, vector<16xf32>,
      tpu.vector_store %arg20[%swap3A_457], %add3A_456 {strides = array<i32>} : memref<640xf32, #tpu.memory_space<vmem>>, vector<16xf32>,
      %get3A_459 = arith.constant 432 : index
      %get3A_460 = tpu.vector_load %arg20[%get3A_459] {strides = array<i32>} : memref<640xf32, #tpu.memory_space<vmem>>, vector<16xf32>,
      %get3A_461 = arith.constant 432 : index
      %get3A_462 = tpu.vector_load %arg19[%get3A_461] {strides = array<i32>} : memref<10240xf32, #tpu.memory_space<vmem>>, vector<16xf32>,
      %add3A_463 = arith.addf %get3A_460, %get3A_462 : vector<16xf32>
      %swap3A_464 = arith.constant 432 : index
      %swap3A_465 = tpu.vector_load %arg20[%swap3A_464] {strides = array<i32>} : memref<640xf32, #tpu.memory_space<vmem>>, vector<16xf32>,
      tpu.vector_store %arg20[%swap3A_464], %add3A_463 {strides = array<i32>} : memref<640xf32, #tpu.memory_space<vmem>>, vector<16xf32>,
      %get3A_466 = arith.constant 448 : index
      %get3A_467 = tpu.vector_load %arg20[%get3A_466] {strides = array<i32>} : memref<640xf32, #tpu.memory_space<vmem>>, vector<16xf32>,
      %get3A_468 = arith.constant 448 : index
      %get3A_469 = tpu.vector_load %arg19[%get3A_468] {strides = array<i32>} : memref<10240xf32, #tpu.memory_space<vmem>>, vector<16xf32>,
      %add3A_470 = arith.addf %get3A_467, %get3A_469 : vector<16xf32>
      %swap3A_471 = arith.constant 448 : index
      %swap3A_472 = tpu.vector_load %arg20[%swap3A_471] {strides = array<i32>} : memref<640xf32, #tpu.memory_space<vmem>>, vector<16xf32>,
      tpu.vector_store %arg20[%swap3A_471], %add3A_470 {strides = array<i32>} : memref<640xf32, #tpu.memory_space<vmem>>, vector<16xf32>,
      %get3A_473 = arith.constant 464 : index
      %get3A_474 = tpu.vector_load %arg20[%get3A_473] {strides = array<i32>} : memref<640xf32, #tpu.memory_space<vmem>>, vector<16xf32>,
      %get3A_475 = arith.constant 464 : index
      %get3A_476 = tpu.vector_load %arg19[%get3A_475] {strides = array<i32>} : memref<10240xf32, #tpu.memory_space<vmem>>, vector<16xf32>,
      %add3A_477 = arith.addf %get3A_474, %get3A_476 : vector<16xf32>
      %swap3A_478 = arith.constant 464 : index
      %swap3A_479 = tpu.vector_load %arg20[%swap3A_478] {strides = array<i32>} : memref<640xf32, #tpu.memory_space<vmem>>, vector<16xf32>,
      tpu.vector_store %arg20[%swap3A_478], %add3A_477 {strides = array<i32>} : memref<640xf32, #tpu.memory_space<vmem>>, vector<16xf32>,
      %get3A_480 = arith.constant 480 : index
      %get3A_481 = tpu.vector_load %arg20[%get3A_480] {strides = array<i32>} : memref<640xf32, #tpu.memory_space<vmem>>, vector<16xf32>,
      %get3A_482 = arith.constant 480 : index
      %get3A_483 = tpu.vector_load %arg19[%get3A_482] {strides = array<i32>} : memref<10240xf32, #tpu.memory_space<vmem>>, vector<16xf32>,
      %add3A_484 = arith.addf %get3A_481, %get3A_483 : vector<16xf32>
      %swap3A_485 = arith.constant 480 : index
      %swap3A_486 = tpu.vector_load %arg20[%swap3A_485] {strides = array<i32>} : memref<640xf32, #tpu.memory_space<vmem>>, vector<16xf32>,
      tpu.vector_store %arg20[%swap3A_485], %add3A_484 {strides = array<i32>} : memref<640xf32, #tpu.memory_space<vmem>>, vector<16xf32>,
      %get3A_487 = arith.constant 496 : index
      %get3A_488 = tpu.vector_load %arg20[%get3A_487] {strides = array<i32>} : memref<640xf32, #tpu.memory_space<vmem>>, vector<16xf32>,
      %get3A_489 = arith.constant 496 : index
      %get3A_490 = tpu.vector_load %arg19[%get3A_489] {strides = array<i32>} : memref<10240xf32, #tpu.memory_space<vmem>>, vector<16xf32>,
      %add3A_491 = arith.addf %get3A_488, %get3A_490 : vector<16xf32>
      %swap3A_492 = arith.constant 496 : index
      %swap3A_493 = tpu.vector_load %arg20[%swap3A_492] {strides = array<i32>} : memref<640xf32, #tpu.memory_space<vmem>>, vector<16xf32>,
      tpu.vector_store %arg20[%swap3A_492], %add3A_491 {strides = array<i32>} : memref<640xf32, #tpu.memory_space<vmem>>, vector<16xf32>,
      %get3A_494 = arith.constant 512 : index
      %get3A_495 = tpu.vector_load %arg20[%get3A_494] {strides = array<i32>} : memref<640xf32, #tpu.memory_space<vmem>>, vector<16xf32>,
      %get3A_496 = arith.constant 512 : index
      %get3A_497 = tpu.vector_load %arg19[%get3A_496] {strides = array<i32>} : memref<10240xf32, #tpu.memory_space<vmem>>, vector<16xf32>,
      %add3A_498 = arith.addf %get3A_495, %get3A_497 : vector<16xf32>
      %swap3A_499 = arith.constant 512 : index
      %swap3A_500 = tpu.vector_load %arg20[%swap3A_499] {strides = array<i32>} : memref<640xf32, #tpu.memory_space<vmem>>, vector<16xf32>,
      tpu.vector_store %arg20[%swap3A_499], %add3A_498 {strides = array<i32>} : memref<640xf32, #tpu.memory_space<vmem>>, vector<16xf32>,
      %get3A_501 = arith.constant 528 : index
      %get3A_502 = tpu.vector_load %arg20[%get3A_501] {strides = array<i32>} : memref<640xf32, #tpu.memory_space<vmem>>, vector<16xf32>,
      %get3A_503 = arith.constant 528 : index
      %get3A_504 = tpu.vector_load %arg19[%get3A_503] {strides = array<i32>} : memref<10240xf32, #tpu.memory_space<vmem>>, vector<16xf32>,
      %add3A_505 = arith.addf %get3A_502, %get3A_504 : vector<16xf32>
      %swap3A_506 = arith.constant 528 : index
      %swap3A_507 = tpu.vector_load %arg20[%swap3A_506] {strides = array<i32>} : memref<640xf32, #tpu.memory_space<vmem>>, vector<16xf32>,
      tpu.vector_store %arg20[%swap3A_506], %add3A_505 {strides = array<i32>} : memref<640xf32, #tpu.memory_space<vmem>>, vector<16xf32>,
      %get3A_508 = arith.constant 544 : index
      %get3A_509 = tpu.vector_load %arg20[%get3A_508] {strides = array<i32>} : memref<640xf32, #tpu.memory_space<vmem>>, vector<16xf32>,
      %get3A_510 = arith.constant 544 : index
      %get3A_511 = tpu.vector_load %arg19[%get3A_510] {strides = array<i32>} : memref<10240xf32, #tpu.memory_space<vmem>>, vector<16xf32>,
      %add3A_512 = arith.addf %get3A_509, %get3A_511 : vector<16xf32>
      %swap3A_513 = arith.constant 544 : index
      %swap3A_514 = tpu.vector_load %arg20[%swap3A_513] {strides = array<i32>} : memref<640xf32, #tpu.memory_space<vmem>>, vector<16xf32>,
      tpu.vector_store %arg20[%swap3A_513], %add3A_512 {strides = array<i32>} : memref<640xf32, #tpu.memory_space<vmem>>, vector<16xf32>,
      %get3A_515 = arith.constant 560 : index
      %get3A_516 = tpu.vector_load %arg20[%get3A_515] {strides = array<i32>} : memref<640xf32, #tpu.memory_space<vmem>>, vector<16xf32>,
      %get3A_517 = arith.constant 560 : index
      %get3A_518 = tpu.vector_load %arg19[%get3A_517] {strides = array<i32>} : memref<10240xf32, #tpu.memory_space<vmem>>, vector<16xf32>,
      %add3A_519 = arith.addf %get3A_516, %get3A_518 : vector<16xf32>
      %swap3A_520 = arith.constant 560 : index
      %swap3A_521 = tpu.vector_load %arg20[%swap3A_520] {strides = array<i32>} : memref<640xf32, #tpu.memory_space<vmem>>, vector<16xf32>,
      tpu.vector_store %arg20[%swap3A_520], %add3A_519 {strides = array<i32>} : memref<640xf32, #tpu.memory_space<vmem>>, vector<16xf32>,
      %get3A_522 = arith.constant 576 : index
      %get3A_523 = tpu.vector_load %arg20[%get3A_522] {strides = array<i32>} : memref<640xf32, #tpu.memory_space<vmem>>, vector<16xf32>,
      %get3A_524 = arith.constant 576 : index
      %get3A_525 = tpu.vector_load %arg19[%get3A_524] {strides = array<i32>} : memref<10240xf32, #tpu.memory_space<vmem>>, vector<16xf32>,
      %add3A_526 = arith.addf %get3A_523, %get3A_525 : vector<16xf32>
      %swap3A_527 = arith.constant 576 : index
      %swap3A_528 = tpu.vector_load %arg20[%swap3A_527] {strides = array<i32>} : memref<640xf32, #tpu.memory_space<vmem>>, vector<16xf32>,
      tpu.vector_store %arg20[%swap3A_527], %add3A_526 {strides = array<i32>} : memref<640xf32, #tpu.memory_space<vmem>>, vector<16xf32>,
      %get3A_529 = arith.constant 592 : index
      %get3A_530 = tpu.vector_load %arg20[%get3A_529] {strides = array<i32>} : memref<640xf32, #tpu.memory_space<vmem>>, vector<16xf32>,
      %get3A_531 = arith.constant 592 : index
      %get3A_532 = tpu.vector_load %arg19[%get3A_531] {strides = array<i32>} : memref<10240xf32, #tpu.memory_space<vmem>>, vector<16xf32>,
      %add3A_533 = arith.addf %get3A_530, %get3A_532 : vector<16xf32>
      %swap3A_534 = arith.constant 592 : index
      %swap3A_535 = tpu.vector_load %arg20[%swap3A_534] {strides = array<i32>} : memref<640xf32, #tpu.memory_space<vmem>>, vector<16xf32>,
      tpu.vector_store %arg20[%swap3A_534], %add3A_533 {strides = array<i32>} : memref<640xf32, #tpu.memory_space<vmem>>, vector<16xf32>,
      %get3A_536 = arith.constant 608 : index
      %get3A_537 = tpu.vector_load %arg20[%get3A_536] {strides = array<i32>} : memref<640xf32, #tpu.memory_space<vmem>>, vector<16xf32>,
      %get3A_538 = arith.constant 608 : index
      %get3A_539 = tpu.vector_load %arg19[%get3A_538] {strides = array<i32>} : memref<10240xf32, #tpu.memory_space<vmem>>, vector<16xf32>,
      %add3A_540 = arith.addf %get3A_537, %get3A_539 : vector<16xf32>
      %swap3A_541 = arith.constant 608 : index
      %swap3A_542 = tpu.vector_load %arg20[%swap3A_541] {strides = array<i32>} : memref<640xf32, #tpu.memory_space<vmem>>, vector<16xf32>,
      tpu.vector_store %arg20[%swap3A_541], %add3A_540 {strides = array<i32>} : memref<640xf32, #tpu.memory_space<vmem>>, vector<16xf32>,
      %get3A_543 = arith.constant 624 : index
      %get3A_544 = tpu.vector_load %arg20[%get3A_543] {strides = array<i32>} : memref<640xf32, #tpu.memory_space<vmem>>, vector<16xf32>,
      %get3A_545 = arith.constant 624 : index
      %get3A_546 = tpu.vector_load %arg19[%get3A_545] {strides = array<i32>} : memref<10240xf32, #tpu.memory_space<vmem>>, vector<16xf32>,
      %add3A_547 = arith.addf %get3A_544, %get3A_546 : vector<16xf32>
      %swap3A_548 = arith.constant 624 : index
      %swap3A_549 = tpu.vector_load %arg20[%swap3A_548] {strides = array<i32>} : memref<640xf32, #tpu.memory_space<vmem>>, vector<16xf32>,
      tpu.vector_store %arg20[%swap3A_548], %add3A_547 {strides = array<i32>} : memref<640xf32, #tpu.memory_space<vmem>>, vector<16xf32>,
    }
    %scan3A_265 = arith.constant 16 : i32
    %mul3A_266 = arith.constant 640 : i32
    %mul3A_267 = arith.muli %arg1, %mul3A_266 : i32
    "tpu.region"() ({
      %run_scoped3A = tpu.sem_alloc : memref<!tpu.dma_semaphore, #tpu.memory_space<semaphore_mem>>
      %dma_start3A_268 = tpu.memref_slice %arg6[%arg0, %mul3A_267] : memref<2x10240xf32, #tpu.memory_space<hbm>> -> memref<1x640xf32, #tpu.memory_space<hbm>>
      %dma_start3A_269 = tpu.memref_squeeze %dma_start3A_268 : memref<1x640xf32, #tpu.memory_space<hbm>> -> memref<640xf32, #tpu.memory_space<hbm>>
      %dma_start3A_270 = tpu.memref_slice %arg6[%arg0, %mul3A_267] : memref<2x10240xf32, #tpu.memory_space<hbm>> -> memref<1x640xf32, #tpu.memory_space<hbm>>
      %dma_start3A_271 = tpu.memref_squeeze %dma_start3A_270 : memref<1x640xf32, #tpu.memory_space<hbm>> -> memref<640xf32, #tpu.memory_space<hbm>>
      tpu.enqueue_dma source(%arg20 : memref<640xf32, #tpu.memory_space<vmem>>) target(%dma_start3A_271 : memref<640xf32, #tpu.memory_space<hbm>>) target_semaphore(%run_scoped3A : memref<!tpu.dma_semaphore, #tpu.memory_space<semaphore_mem>>)
      %dma_wait3A_272 = tpu.memref_slice %arg6[%arg0, %mul3A_267] : memref<2x10240xf32, #tpu.memory_space<hbm>> -> memref<1x640xf32, #tpu.memory_space<hbm>>
      %dma_wait3A_273 = tpu.memref_squeeze %dma_wait3A_272 : memref<1x640xf32, #tpu.memory_space<hbm>> -> memref<640xf32, #tpu.memory_space<hbm>>
      %dma_wait3A_274 = tpu.memref_slice %arg6[%arg0, %mul3A_267] : memref<2x10240xf32, #tpu.memory_space<hbm>> -> memref<1x640xf32, #tpu.memory_space<hbm>>
      %dma_wait3A_275 = tpu.memref_squeeze %dma_wait3A_274 : memref<1x640xf32, #tpu.memory_space<hbm>> -> memref<640xf32, #tpu.memory_space<hbm>>
      tpu.wait_dma2 semaphore(%run_scoped3A : memref<!tpu.dma_semaphore, #tpu.memory_space<semaphore_mem>>) src(%arg20 : memref<640xf32, #tpu.memory_space<vmem>>) dst(%dma_wait3A_275 : memref<640xf32, #tpu.memory_space<hbm>>)
      tpu.yield
    }) : () -> ()
    return
  }
}

#map = affine_map<(d0, d1) -> (0, 0)>
#map1 = affine_map<(d0, d1) -> (0, 0, 0, 0)>
#map2 = affine_map<(d0, d1) -> (0, 0, 0)>
module attributes {stable_mosaic.version = 14 : i64} {
  func.func @k(%arg0: i32, %arg1: i32, %arg2: memref<20000x64xf32, #tpu.memory_space<hbm>>, %arg3: memref<2x16x250x80xi32, #tpu.memory_space<hbm>>, %arg4: memref<16x250x80xi32, #tpu.memory_space<hbm>>, %arg5: memref<10000x128xf32, #tpu.memory_space<hbm>>, %arg6: memref<250x80xi32, #tpu.memory_space<vmem>>, %arg7: memref<250x80xi32, #tpu.memory_space<vmem>>, %arg8: memref<80x64xf32, #tpu.memory_space<vmem>>, %arg9: memref<80x64xf32, #tpu.memory_space<vmem>>, %arg10: memref<80x64xf32, #tpu.memory_space<vmem>>, %arg11: memref<80x64xf32, #tpu.memory_space<vmem>>, %arg12: memref<125x64xf32, #tpu.memory_space<vmem>>, %arg13: memref<10000x64xf32, #tpu.memory_space<vmem_shared>>, %arg14: memref<!tpu.dma_semaphore, #tpu.memory_space<semaphore_mem>>, %arg15: memref<!tpu.dma_semaphore, #tpu.memory_space<semaphore_mem>>, %arg16: memref<!tpu.dma_semaphore, #tpu.memory_space<semaphore_mem>>, %arg17: memref<!tpu.dma_semaphore, #tpu.memory_space<semaphore_mem>>) attributes {dimension_semantics = [#tpu.dimension_semantics<core_parallel>, #tpu.dimension_semantics<subcore_parallel>], iteration_bounds = array<i64: 2, 16>, scalar_prefetch = 0 : i64, scratch_operands = 12 : i64, tpu.core_type = #tpu.core_type<sc_vector_subcore>, window_params = [{transform_indices = #map}, {transform_indices = #map1}, {transform_indices = #map2}, {transform_indices = #map}]} {
    "tpu.region"() ({
      %run_scoped3A = tpu.sem_alloc : memref<!tpu.dma_semaphore, #tpu.memory_space<semaphore_mem>>
      %dma_start3A_193 = arith.constant 0 : i32
      %dma_start3A_194 = arith.constant 0 : i32
      %dma_start3A_195 = tpu.memref_slice %arg3[%arg0, %arg1, %dma_start3A_193, %dma_start3A_194] : memref<2x16x250x80xi32, #tpu.memory_space<hbm>> -> memref<1x1x250x80xi32, #tpu.memory_space<hbm>>
      %dma_start3A_196 = tpu.memref_squeeze %dma_start3A_195 : memref<1x1x250x80xi32, #tpu.memory_space<hbm>> -> memref<250x80xi32, #tpu.memory_space<hbm>>
      %dma_start3A_197 = arith.constant 0 : i32
      %dma_start3A_198 = arith.constant 0 : i32
      %dma_start3A_199 = tpu.memref_slice %arg3[%arg0, %arg1, %dma_start3A_197, %dma_start3A_198] : memref<2x16x250x80xi32, #tpu.memory_space<hbm>> -> memref<1x1x250x80xi32, #tpu.memory_space<hbm>>
      %dma_start3A_200 = tpu.memref_squeeze %dma_start3A_199 : memref<1x1x250x80xi32, #tpu.memory_space<hbm>> -> memref<250x80xi32, #tpu.memory_space<hbm>>
      tpu.enqueue_dma source(%dma_start3A_200 : memref<250x80xi32, #tpu.memory_space<hbm>>) target(%arg6 : memref<250x80xi32, #tpu.memory_space<vmem>>) target_semaphore(%run_scoped3A : memref<!tpu.dma_semaphore, #tpu.memory_space<semaphore_mem>>)
      %dma_wait3A_201 = arith.constant 0 : i32
      %dma_wait3A_202 = arith.constant 0 : i32
      %dma_wait3A_203 = tpu.memref_slice %arg3[%arg0, %arg1, %dma_wait3A_201, %dma_wait3A_202] : memref<2x16x250x80xi32, #tpu.memory_space<hbm>> -> memref<1x1x250x80xi32, #tpu.memory_space<hbm>>
      %dma_wait3A_204 = tpu.memref_squeeze %dma_wait3A_203 : memref<1x1x250x80xi32, #tpu.memory_space<hbm>> -> memref<250x80xi32, #tpu.memory_space<hbm>>
      %dma_wait3A_205 = arith.constant 0 : i32
      %dma_wait3A_206 = arith.constant 0 : i32
      %dma_wait3A_207 = tpu.memref_slice %arg3[%arg0, %arg1, %dma_wait3A_205, %dma_wait3A_206] : memref<2x16x250x80xi32, #tpu.memory_space<hbm>> -> memref<1x1x250x80xi32, #tpu.memory_space<hbm>>
      %dma_wait3A_208 = tpu.memref_squeeze %dma_wait3A_207 : memref<1x1x250x80xi32, #tpu.memory_space<hbm>> -> memref<250x80xi32, #tpu.memory_space<hbm>>
      tpu.wait_dma2 semaphore(%run_scoped3A : memref<!tpu.dma_semaphore, #tpu.memory_space<semaphore_mem>>) src(%dma_wait3A_208 : memref<250x80xi32, #tpu.memory_space<hbm>>) dst(%arg6 : memref<250x80xi32, #tpu.memory_space<vmem>>)
      tpu.yield
    }) : () -> ()
    "tpu.region"() ({
      %run_scoped3A = tpu.sem_alloc : memref<!tpu.dma_semaphore, #tpu.memory_space<semaphore_mem>>
      %dma_start3A_193 = arith.constant 0 : i32
      %dma_start3A_194 = arith.constant 0 : i32
      %dma_start3A_195 = tpu.memref_slice %arg4[%arg1, %dma_start3A_193, %dma_start3A_194] : memref<16x250x80xi32, #tpu.memory_space<hbm>> -> memref<1x250x80xi32, #tpu.memory_space<hbm>>
      %dma_start3A_196 = tpu.memref_squeeze %dma_start3A_195 : memref<1x250x80xi32, #tpu.memory_space<hbm>> -> memref<250x80xi32, #tpu.memory_space<hbm>>
      %dma_start3A_197 = arith.constant 0 : i32
      %dma_start3A_198 = arith.constant 0 : i32
      %dma_start3A_199 = tpu.memref_slice %arg4[%arg1, %dma_start3A_197, %dma_start3A_198] : memref<16x250x80xi32, #tpu.memory_space<hbm>> -> memref<1x250x80xi32, #tpu.memory_space<hbm>>
      %dma_start3A_200 = tpu.memref_squeeze %dma_start3A_199 : memref<1x250x80xi32, #tpu.memory_space<hbm>> -> memref<250x80xi32, #tpu.memory_space<hbm>>
      tpu.enqueue_dma source(%dma_start3A_200 : memref<250x80xi32, #tpu.memory_space<hbm>>) target(%arg7 : memref<250x80xi32, #tpu.memory_space<vmem>>) target_semaphore(%run_scoped3A : memref<!tpu.dma_semaphore, #tpu.memory_space<semaphore_mem>>)
      %dma_wait3A_201 = arith.constant 0 : i32
      %dma_wait3A_202 = arith.constant 0 : i32
      %dma_wait3A_203 = tpu.memref_slice %arg4[%arg1, %dma_wait3A_201, %dma_wait3A_202] : memref<16x250x80xi32, #tpu.memory_space<hbm>> -> memref<1x250x80xi32, #tpu.memory_space<hbm>>
      %dma_wait3A_204 = tpu.memref_squeeze %dma_wait3A_203 : memref<1x250x80xi32, #tpu.memory_space<hbm>> -> memref<250x80xi32, #tpu.memory_space<hbm>>
      %dma_wait3A_205 = arith.constant 0 : i32
      %dma_wait3A_206 = arith.constant 0 : i32
      %dma_wait3A_207 = tpu.memref_slice %arg4[%arg1, %dma_wait3A_205, %dma_wait3A_206] : memref<16x250x80xi32, #tpu.memory_space<hbm>> -> memref<1x250x80xi32, #tpu.memory_space<hbm>>
      %dma_wait3A_208 = tpu.memref_squeeze %dma_wait3A_207 : memref<1x250x80xi32, #tpu.memory_space<hbm>> -> memref<250x80xi32, #tpu.memory_space<hbm>>
      tpu.wait_dma2 semaphore(%run_scoped3A : memref<!tpu.dma_semaphore, #tpu.memory_space<semaphore_mem>>) src(%dma_wait3A_208 : memref<250x80xi32, #tpu.memory_space<hbm>>) dst(%arg7 : memref<250x80xi32, #tpu.memory_space<vmem>>)
      tpu.yield
    }) : () -> ()
    %broadcast_in_dim3A = arith.constant 0.000000e+00 : f32
    %broadcast_in_dim3A_0 = vector.broadcast %broadcast_in_dim3A : f32 to vector<16xf32>
    %scan3A = arith.constant 0 : i32
    %scan3A_1 = arith.constant 0 : i32
    %scan3A_2 = arith.constant 125 : i32
    %scan3A_3 = arith.addi %scan3A_1, %scan3A_2 : i32
    %scan3A_4 = arith.constant 1 : i32
    scf.for %scan3A_193 = %scan3A_1 to %scan3A_3 step %scan3A_4  : i32 {
      %swap3A = arith.index_cast %scan3A_193 : i32 to index
      %swap3A_194 = arith.constant 0 : index
      %swap3A_195 = tpu.vector_load %arg12[%swap3A, %swap3A_194] {strides = array<i32>} : memref<125x64xf32, #tpu.memory_space<vmem>>, vector<16xf32>,
      tpu.vector_store %arg12[%swap3A, %swap3A_194], %broadcast_in_dim3A_0 {strides = array<i32>} : memref<125x64xf32, #tpu.memory_space<vmem>>, vector<16xf32>,
      %swap3A_196 = arith.index_cast %scan3A_193 : i32 to index
      %swap3A_197 = arith.constant 16 : index
      %swap3A_198 = tpu.vector_load %arg12[%swap3A_196, %swap3A_197] {strides = array<i32>} : memref<125x64xf32, #tpu.memory_space<vmem>>, vector<16xf32>,
      tpu.vector_store %arg12[%swap3A_196, %swap3A_197], %broadcast_in_dim3A_0 {strides = array<i32>} : memref<125x64xf32, #tpu.memory_space<vmem>>, vector<16xf32>,
      %swap3A_199 = arith.index_cast %scan3A_193 : i32 to index
      %swap3A_200 = arith.constant 32 : index
      %swap3A_201 = tpu.vector_load %arg12[%swap3A_199, %swap3A_200] {strides = array<i32>} : memref<125x64xf32, #tpu.memory_space<vmem>>, vector<16xf32>,
      tpu.vector_store %arg12[%swap3A_199, %swap3A_200], %broadcast_in_dim3A_0 {strides = array<i32>} : memref<125x64xf32, #tpu.memory_space<vmem>>, vector<16xf32>,
      %swap3A_202 = arith.index_cast %scan3A_193 : i32 to index
      %swap3A_203 = arith.constant 48 : index
      %swap3A_204 = tpu.vector_load %arg12[%swap3A_202, %swap3A_203] {strides = array<i32>} : memref<125x64xf32, #tpu.memory_space<vmem>>, vector<16xf32>,
      tpu.vector_store %arg12[%swap3A_202, %swap3A_203], %broadcast_in_dim3A_0 {strides = array<i32>} : memref<125x64xf32, #tpu.memory_space<vmem>>, vector<16xf32>,
    }
    %scan3A_5 = arith.constant 125 : i32
    %scan3A_6 = arith.constant 0 : i32
    %scan3A_7 = arith.constant 0 : i32
    %scan3A_8 = arith.constant 5 : i32
    %scan3A_9 = arith.addi %scan3A_7, %scan3A_8 : i32
    %scan3A_10 = arith.constant 1 : i32
    scf.for %scan3A_193 = %scan3A_7 to %scan3A_9 step %scan3A_10  : i32 {
      %mul3A = arith.constant 625 : i32
      %mul3A_194 = arith.muli %arg1, %mul3A : i32
      %mul3A_195 = arith.constant 125 : i32
      %mul3A_196 = arith.muli %scan3A_193, %mul3A_195 : i32
      %add3A = arith.addi %mul3A_194, %mul3A_196 : i32
      "tpu.region"() ({
        %run_scoped3A = tpu.sem_alloc : memref<!tpu.dma_semaphore, #tpu.memory_space<semaphore_mem>>
        %dma_start3A_197 = arith.constant 0 : i32
        %dma_start3A_198 = tpu.memref_slice %arg13[%add3A, %dma_start3A_197] : memref<10000x64xf32, #tpu.memory_space<vmem_shared>> -> memref<125x64xf32, #tpu.memory_space<vmem_shared>>
        %dma_start3A_199 = arith.constant 0 : i32
        %dma_start3A_200 = tpu.memref_slice %arg13[%add3A, %dma_start3A_199] : memref<10000x64xf32, #tpu.memory_space<vmem_shared>> -> memref<125x64xf32, #tpu.memory_space<vmem_shared>>
        tpu.enqueue_dma source(%arg12 : memref<125x64xf32, #tpu.memory_space<vmem>>) target(%dma_start3A_200 : memref<125x64xf32, #tpu.memory_space<vmem_shared>>) target_semaphore(%run_scoped3A : memref<!tpu.dma_semaphore, #tpu.memory_space<semaphore_mem>>)
        %dma_wait3A_201 = arith.constant 0 : i32
        %dma_wait3A_202 = tpu.memref_slice %arg13[%add3A, %dma_wait3A_201] : memref<10000x64xf32, #tpu.memory_space<vmem_shared>> -> memref<125x64xf32, #tpu.memory_space<vmem_shared>>
        %dma_wait3A_203 = arith.constant 0 : i32
        %dma_wait3A_204 = tpu.memref_slice %arg13[%add3A, %dma_wait3A_203] : memref<10000x64xf32, #tpu.memory_space<vmem_shared>> -> memref<125x64xf32, #tpu.memory_space<vmem_shared>>
        tpu.wait_dma2 semaphore(%run_scoped3A : memref<!tpu.dma_semaphore, #tpu.memory_space<semaphore_mem>>) src(%arg12 : memref<125x64xf32, #tpu.memory_space<vmem>>) dst(%dma_wait3A_204 : memref<125x64xf32, #tpu.memory_space<vmem_shared>>)
        tpu.yield
      }) : () -> ()
    }
    %scan3A_11 = arith.constant 5 : i32
    %barrier3A = arith.constant 0 : index
    tpu.barrier barrier_id(%barrier3A)
    %broadcast_in_dim3A_12 = arith.constant 1.000000e+00 : f32
    %broadcast_in_dim3A_13 = vector.broadcast %broadcast_in_dim3A_12 : f32 to vector<16xf32>
    %dma_start3A = arith.constant 0 : i32
    %dma_start3A_14 = arith.constant 0 : i32
    %dma_start3A_15 = tpu.memref_slice %arg6[%dma_start3A, %dma_start3A_14] : memref<250x80xi32, #tpu.memory_space<vmem>> -> memref<1x80xi32, #tpu.memory_space<vmem>>
    %dma_start3A_16 = tpu.memref_squeeze %dma_start3A_15 : memref<1x80xi32, #tpu.memory_space<vmem>> -> memref<80xi32, #tpu.memory_space<vmem>>
    %dma_start3A_17 = arith.constant 0 : i32
    %dma_start3A_18 = arith.constant 0 : i32
    %dma_start3A_19 = tpu.memref_slice %arg2[%dma_start3A_17, %dma_start3A_18] : memref<20000x64xf32, #tpu.memory_space<hbm>> -> memref<20000x64xf32, #tpu.memory_space<hbm>>
    tpu.enqueue_indirect_dma source(%dma_start3A_19 : memref<20000x64xf32, #tpu.memory_space<hbm>>) target(%arg8 : memref<80x64xf32, #tpu.memory_space<vmem>>) offsets(%dma_start3A_16 : memref<80xi32, #tpu.memory_space<vmem>>) semaphore(%arg14 : memref<!tpu.dma_semaphore, #tpu.memory_space<semaphore_mem>>)
    %dma_start3A_20 = arith.constant 1 : i32
    %dma_start3A_21 = arith.constant 0 : i32
    %dma_start3A_22 = tpu.memref_slice %arg6[%dma_start3A_20, %dma_start3A_21] : memref<250x80xi32, #tpu.memory_space<vmem>> -> memref<1x80xi32, #tpu.memory_space<vmem>>
    %dma_start3A_23 = tpu.memref_squeeze %dma_start3A_22 : memref<1x80xi32, #tpu.memory_space<vmem>> -> memref<80xi32, #tpu.memory_space<vmem>>
    %dma_start3A_24 = arith.constant 0 : i32
    %dma_start3A_25 = arith.constant 0 : i32
    %dma_start3A_26 = tpu.memref_slice %arg2[%dma_start3A_24, %dma_start3A_25] : memref<20000x64xf32, #tpu.memory_space<hbm>> -> memref<20000x64xf32, #tpu.memory_space<hbm>>
    tpu.enqueue_indirect_dma source(%dma_start3A_26 : memref<20000x64xf32, #tpu.memory_space<hbm>>) target(%arg9 : memref<80x64xf32, #tpu.memory_space<vmem>>) offsets(%dma_start3A_23 : memref<80xi32, #tpu.memory_space<vmem>>) semaphore(%arg15 : memref<!tpu.dma_semaphore, #tpu.memory_space<semaphore_mem>>)
    %dma_start3A_27 = arith.constant 2 : i32
    %dma_start3A_28 = arith.constant 0 : i32
    %dma_start3A_29 = tpu.memref_slice %arg6[%dma_start3A_27, %dma_start3A_28] : memref<250x80xi32, #tpu.memory_space<vmem>> -> memref<1x80xi32, #tpu.memory_space<vmem>>
    %dma_start3A_30 = tpu.memref_squeeze %dma_start3A_29 : memref<1x80xi32, #tpu.memory_space<vmem>> -> memref<80xi32, #tpu.memory_space<vmem>>
    %dma_start3A_31 = arith.constant 0 : i32
    %dma_start3A_32 = arith.constant 0 : i32
    %dma_start3A_33 = tpu.memref_slice %arg2[%dma_start3A_31, %dma_start3A_32] : memref<20000x64xf32, #tpu.memory_space<hbm>> -> memref<20000x64xf32, #tpu.memory_space<hbm>>
    tpu.enqueue_indirect_dma source(%dma_start3A_33 : memref<20000x64xf32, #tpu.memory_space<hbm>>) target(%arg10 : memref<80x64xf32, #tpu.memory_space<vmem>>) offsets(%dma_start3A_30 : memref<80xi32, #tpu.memory_space<vmem>>) semaphore(%arg16 : memref<!tpu.dma_semaphore, #tpu.memory_space<semaphore_mem>>)
    %dma_start3A_34 = arith.constant 3 : i32
    %dma_start3A_35 = arith.constant 0 : i32
    %dma_start3A_36 = tpu.memref_slice %arg6[%dma_start3A_34, %dma_start3A_35] : memref<250x80xi32, #tpu.memory_space<vmem>> -> memref<1x80xi32, #tpu.memory_space<vmem>>
    %dma_start3A_37 = tpu.memref_squeeze %dma_start3A_36 : memref<1x80xi32, #tpu.memory_space<vmem>> -> memref<80xi32, #tpu.memory_space<vmem>>
    %dma_start3A_38 = arith.constant 0 : i32
    %dma_start3A_39 = arith.constant 0 : i32
    %dma_start3A_40 = tpu.memref_slice %arg2[%dma_start3A_38, %dma_start3A_39] : memref<20000x64xf32, #tpu.memory_space<hbm>> -> memref<20000x64xf32, #tpu.memory_space<hbm>>
    tpu.enqueue_indirect_dma source(%dma_start3A_40 : memref<20000x64xf32, #tpu.memory_space<hbm>>) target(%arg11 : memref<80x64xf32, #tpu.memory_space<vmem>>) offsets(%dma_start3A_37 : memref<80xi32, #tpu.memory_space<vmem>>) semaphore(%arg17 : memref<!tpu.dma_semaphore, #tpu.memory_space<semaphore_mem>>)
    %scan3A_41 = arith.constant 0 : i32
    %scan3A_42 = arith.constant 0 : i32
    %scan3A_43 = arith.constant 61 : i32
    %scan3A_44 = arith.addi %scan3A_42, %scan3A_43 : i32
    %scan3A_45 = arith.constant 1 : i32
    scf.for %scan3A_193 = %scan3A_42 to %scan3A_44 step %scan3A_45  : i32 {
      %mul3A = arith.constant 4 : i32
      %mul3A_194 = arith.muli %mul3A, %scan3A_193 : i32
      %add3A = arith.constant 0 : i32
      %add3A_195 = arith.addi %mul3A_194, %add3A : i32
      %dma_wait3A_196 = arith.constant 0 : i32
      %dma_wait3A_197 = tpu.memref_slice %arg6[%add3A_195, %dma_wait3A_196] : memref<250x80xi32, #tpu.memory_space<vmem>> -> memref<1x80xi32, #tpu.memory_space<vmem>>
      %dma_wait3A_198 = tpu.memref_squeeze %dma_wait3A_197 : memref<1x80xi32, #tpu.memory_space<vmem>> -> memref<80xi32, #tpu.memory_space<vmem>>
      %dma_wait3A_199 = arith.constant 0 : i32
      %dma_wait3A_200 = arith.constant 0 : i32
      %dma_wait3A_201 = tpu.memref_slice %arg2[%dma_wait3A_199, %dma_wait3A_200] : memref<20000x64xf32, #tpu.memory_space<hbm>> -> memref<20000x64xf32, #tpu.memory_space<hbm>>
      tpu.wait_indirect_dma semaphore(%arg14 : memref<!tpu.dma_semaphore, #tpu.memory_space<semaphore_mem>>) src(%dma_wait3A_201 : memref<20000x64xf32, #tpu.memory_space<hbm>>) dst(%arg8 : memref<80x64xf32, #tpu.memory_space<vmem>>)
      %dma_start3A_202 = arith.constant 0 : i32
      %dma_start3A_203 = tpu.memref_slice %arg7[%add3A_195, %dma_start3A_202] : memref<250x80xi32, #tpu.memory_space<vmem>> -> memref<1x80xi32, #tpu.memory_space<vmem>>
      %dma_start3A_204 = tpu.memref_squeeze %dma_start3A_203 : memref<1x80xi32, #tpu.memory_space<vmem>> -> memref<80xi32, #tpu.memory_space<vmem>>
      %dma_start3A_205 = arith.constant 0 : i32
      %dma_start3A_206 = arith.constant 0 : i32
      %dma_start3A_207 = tpu.memref_slice %arg13[%dma_start3A_205, %dma_start3A_206] : memref<10000x64xf32, #tpu.memory_space<vmem_shared>> -> memref<10000x64xf32, #tpu.memory_space<vmem_shared>>
      tpu.enqueue_indirect_dma source(%arg8 : memref<80x64xf32, #tpu.memory_space<vmem>>) target(%dma_start3A_207 : memref<10000x64xf32, #tpu.memory_space<vmem_shared>>) offsets(%dma_start3A_204 : memref<80xi32, #tpu.memory_space<vmem>>) semaphore(%arg14 : memref<!tpu.dma_semaphore, #tpu.memory_space<semaphore_mem>>) {add = true}
      %dma_wait3A_208 = arith.constant 0 : i32
      %dma_wait3A_209 = tpu.memref_slice %arg7[%add3A_195, %dma_wait3A_208] : memref<250x80xi32, #tpu.memory_space<vmem>> -> memref<1x80xi32, #tpu.memory_space<vmem>>
      %dma_wait3A_210 = tpu.memref_squeeze %dma_wait3A_209 : memref<1x80xi32, #tpu.memory_space<vmem>> -> memref<80xi32, #tpu.memory_space<vmem>>
      %dma_wait3A_211 = arith.constant 0 : i32
      %dma_wait3A_212 = arith.constant 0 : i32
      %dma_wait3A_213 = tpu.memref_slice %arg13[%dma_wait3A_211, %dma_wait3A_212] : memref<10000x64xf32, #tpu.memory_space<vmem_shared>> -> memref<10000x64xf32, #tpu.memory_space<vmem_shared>>
      tpu.wait_indirect_dma semaphore(%arg14 : memref<!tpu.dma_semaphore, #tpu.memory_space<semaphore_mem>>) src(%arg8 : memref<80x64xf32, #tpu.memory_space<vmem>>) dst(%dma_wait3A_213 : memref<10000x64xf32, #tpu.memory_space<vmem_shared>>)
      %add3A_214 = arith.constant 4 : i32
      %add3A_215 = arith.addi %add3A_195, %add3A_214 : i32
      %dma_start3A_216 = arith.constant 0 : i32
      %dma_start3A_217 = tpu.memref_slice %arg6[%add3A_215, %dma_start3A_216] : memref<250x80xi32, #tpu.memory_space<vmem>> -> memref<1x80xi32, #tpu.memory_space<vmem>>
      %dma_start3A_218 = tpu.memref_squeeze %dma_start3A_217 : memref<1x80xi32, #tpu.memory_space<vmem>> -> memref<80xi32, #tpu.memory_space<vmem>>
      %dma_start3A_219 = arith.constant 0 : i32
      %dma_start3A_220 = arith.constant 0 : i32
      %dma_start3A_221 = tpu.memref_slice %arg2[%dma_start3A_219, %dma_start3A_220] : memref<20000x64xf32, #tpu.memory_space<hbm>> -> memref<20000x64xf32, #tpu.memory_space<hbm>>
      tpu.enqueue_indirect_dma source(%dma_start3A_221 : memref<20000x64xf32, #tpu.memory_space<hbm>>) target(%arg8 : memref<80x64xf32, #tpu.memory_space<vmem>>) offsets(%dma_start3A_218 : memref<80xi32, #tpu.memory_space<vmem>>) semaphore(%arg14 : memref<!tpu.dma_semaphore, #tpu.memory_space<semaphore_mem>>)
      %mul3A_222 = arith.constant 4 : i32
      %mul3A_223 = arith.muli %mul3A_222, %scan3A_193 : i32
      %add3A_224 = arith.constant 1 : i32
      %add3A_225 = arith.addi %mul3A_223, %add3A_224 : i32
      %dma_wait3A_226 = arith.constant 0 : i32
      %dma_wait3A_227 = tpu.memref_slice %arg6[%add3A_225, %dma_wait3A_226] : memref<250x80xi32, #tpu.memory_space<vmem>> -> memref<1x80xi32, #tpu.memory_space<vmem>>
      %dma_wait3A_228 = tpu.memref_squeeze %dma_wait3A_227 : memref<1x80xi32, #tpu.memory_space<vmem>> -> memref<80xi32, #tpu.memory_space<vmem>>
      %dma_wait3A_229 = arith.constant 0 : i32
      %dma_wait3A_230 = arith.constant 0 : i32
      %dma_wait3A_231 = tpu.memref_slice %arg2[%dma_wait3A_229, %dma_wait3A_230] : memref<20000x64xf32, #tpu.memory_space<hbm>> -> memref<20000x64xf32, #tpu.memory_space<hbm>>
      tpu.wait_indirect_dma semaphore(%arg15 : memref<!tpu.dma_semaphore, #tpu.memory_space<semaphore_mem>>) src(%dma_wait3A_231 : memref<20000x64xf32, #tpu.memory_space<hbm>>) dst(%arg9 : memref<80x64xf32, #tpu.memory_space<vmem>>)
      %dma_start3A_232 = arith.constant 0 : i32
      %dma_start3A_233 = tpu.memref_slice %arg7[%add3A_225, %dma_start3A_232] : memref<250x80xi32, #tpu.memory_space<vmem>> -> memref<1x80xi32, #tpu.memory_space<vmem>>
      %dma_start3A_234 = tpu.memref_squeeze %dma_start3A_233 : memref<1x80xi32, #tpu.memory_space<vmem>> -> memref<80xi32, #tpu.memory_space<vmem>>
      %dma_start3A_235 = arith.constant 0 : i32
      %dma_start3A_236 = arith.constant 0 : i32
      %dma_start3A_237 = tpu.memref_slice %arg13[%dma_start3A_235, %dma_start3A_236] : memref<10000x64xf32, #tpu.memory_space<vmem_shared>> -> memref<10000x64xf32, #tpu.memory_space<vmem_shared>>
      tpu.enqueue_indirect_dma source(%arg9 : memref<80x64xf32, #tpu.memory_space<vmem>>) target(%dma_start3A_237 : memref<10000x64xf32, #tpu.memory_space<vmem_shared>>) offsets(%dma_start3A_234 : memref<80xi32, #tpu.memory_space<vmem>>) semaphore(%arg15 : memref<!tpu.dma_semaphore, #tpu.memory_space<semaphore_mem>>) {add = true}
      %dma_wait3A_238 = arith.constant 0 : i32
      %dma_wait3A_239 = tpu.memref_slice %arg7[%add3A_225, %dma_wait3A_238] : memref<250x80xi32, #tpu.memory_space<vmem>> -> memref<1x80xi32, #tpu.memory_space<vmem>>
      %dma_wait3A_240 = tpu.memref_squeeze %dma_wait3A_239 : memref<1x80xi32, #tpu.memory_space<vmem>> -> memref<80xi32, #tpu.memory_space<vmem>>
      %dma_wait3A_241 = arith.constant 0 : i32
      %dma_wait3A_242 = arith.constant 0 : i32
      %dma_wait3A_243 = tpu.memref_slice %arg13[%dma_wait3A_241, %dma_wait3A_242] : memref<10000x64xf32, #tpu.memory_space<vmem_shared>> -> memref<10000x64xf32, #tpu.memory_space<vmem_shared>>
      tpu.wait_indirect_dma semaphore(%arg15 : memref<!tpu.dma_semaphore, #tpu.memory_space<semaphore_mem>>) src(%arg9 : memref<80x64xf32, #tpu.memory_space<vmem>>) dst(%dma_wait3A_243 : memref<10000x64xf32, #tpu.memory_space<vmem_shared>>)
      %add3A_244 = arith.constant 4 : i32
      %add3A_245 = arith.addi %add3A_225, %add3A_244 : i32
      %dma_start3A_246 = arith.constant 0 : i32
      %dma_start3A_247 = tpu.memref_slice %arg6[%add3A_245, %dma_start3A_246] : memref<250x80xi32, #tpu.memory_space<vmem>> -> memref<1x80xi32, #tpu.memory_space<vmem>>
      %dma_start3A_248 = tpu.memref_squeeze %dma_start3A_247 : memref<1x80xi32, #tpu.memory_space<vmem>> -> memref<80xi32, #tpu.memory_space<vmem>>
      %dma_start3A_249 = arith.constant 0 : i32
      %dma_start3A_250 = arith.constant 0 : i32
      %dma_start3A_251 = tpu.memref_slice %arg2[%dma_start3A_249, %dma_start3A_250] : memref<20000x64xf32, #tpu.memory_space<hbm>> -> memref<20000x64xf32, #tpu.memory_space<hbm>>
      tpu.enqueue_indirect_dma source(%dma_start3A_251 : memref<20000x64xf32, #tpu.memory_space<hbm>>) target(%arg9 : memref<80x64xf32, #tpu.memory_space<vmem>>) offsets(%dma_start3A_248 : memref<80xi32, #tpu.memory_space<vmem>>) semaphore(%arg15 : memref<!tpu.dma_semaphore, #tpu.memory_space<semaphore_mem>>)
      %mul3A_252 = arith.constant 4 : i32
      %mul3A_253 = arith.muli %mul3A_252, %scan3A_193 : i32
      %add3A_254 = arith.constant 2 : i32
      %add3A_255 = arith.addi %mul3A_253, %add3A_254 : i32
      %dma_wait3A_256 = arith.constant 0 : i32
      %dma_wait3A_257 = tpu.memref_slice %arg6[%add3A_255, %dma_wait3A_256] : memref<250x80xi32, #tpu.memory_space<vmem>> -> memref<1x80xi32, #tpu.memory_space<vmem>>
      %dma_wait3A_258 = tpu.memref_squeeze %dma_wait3A_257 : memref<1x80xi32, #tpu.memory_space<vmem>> -> memref<80xi32, #tpu.memory_space<vmem>>
      %dma_wait3A_259 = arith.constant 0 : i32
      %dma_wait3A_260 = arith.constant 0 : i32
      %dma_wait3A_261 = tpu.memref_slice %arg2[%dma_wait3A_259, %dma_wait3A_260] : memref<20000x64xf32, #tpu.memory_space<hbm>> -> memref<20000x64xf32, #tpu.memory_space<hbm>>
      tpu.wait_indirect_dma semaphore(%arg16 : memref<!tpu.dma_semaphore, #tpu.memory_space<semaphore_mem>>) src(%dma_wait3A_261 : memref<20000x64xf32, #tpu.memory_space<hbm>>) dst(%arg10 : memref<80x64xf32, #tpu.memory_space<vmem>>)
      %dma_start3A_262 = arith.constant 0 : i32
      %dma_start3A_263 = tpu.memref_slice %arg7[%add3A_255, %dma_start3A_262] : memref<250x80xi32, #tpu.memory_space<vmem>> -> memref<1x80xi32, #tpu.memory_space<vmem>>
      %dma_start3A_264 = tpu.memref_squeeze %dma_start3A_263 : memref<1x80xi32, #tpu.memory_space<vmem>> -> memref<80xi32, #tpu.memory_space<vmem>>
      %dma_start3A_265 = arith.constant 0 : i32
      %dma_start3A_266 = arith.constant 0 : i32
      %dma_start3A_267 = tpu.memref_slice %arg13[%dma_start3A_265, %dma_start3A_266] : memref<10000x64xf32, #tpu.memory_space<vmem_shared>> -> memref<10000x64xf32, #tpu.memory_space<vmem_shared>>
      tpu.enqueue_indirect_dma source(%arg10 : memref<80x64xf32, #tpu.memory_space<vmem>>) target(%dma_start3A_267 : memref<10000x64xf32, #tpu.memory_space<vmem_shared>>) offsets(%dma_start3A_264 : memref<80xi32, #tpu.memory_space<vmem>>) semaphore(%arg16 : memref<!tpu.dma_semaphore, #tpu.memory_space<semaphore_mem>>) {add = true}
      %dma_wait3A_268 = arith.constant 0 : i32
      %dma_wait3A_269 = tpu.memref_slice %arg7[%add3A_255, %dma_wait3A_268] : memref<250x80xi32, #tpu.memory_space<vmem>> -> memref<1x80xi32, #tpu.memory_space<vmem>>
      %dma_wait3A_270 = tpu.memref_squeeze %dma_wait3A_269 : memref<1x80xi32, #tpu.memory_space<vmem>> -> memref<80xi32, #tpu.memory_space<vmem>>
      %dma_wait3A_271 = arith.constant 0 : i32
      %dma_wait3A_272 = arith.constant 0 : i32
      %dma_wait3A_273 = tpu.memref_slice %arg13[%dma_wait3A_271, %dma_wait3A_272] : memref<10000x64xf32, #tpu.memory_space<vmem_shared>> -> memref<10000x64xf32, #tpu.memory_space<vmem_shared>>
      tpu.wait_indirect_dma semaphore(%arg16 : memref<!tpu.dma_semaphore, #tpu.memory_space<semaphore_mem>>) src(%arg10 : memref<80x64xf32, #tpu.memory_space<vmem>>) dst(%dma_wait3A_273 : memref<10000x64xf32, #tpu.memory_space<vmem_shared>>)
      %add3A_274 = arith.constant 4 : i32
      %add3A_275 = arith.addi %add3A_255, %add3A_274 : i32
      %dma_start3A_276 = arith.constant 0 : i32
      %dma_start3A_277 = tpu.memref_slice %arg6[%add3A_275, %dma_start3A_276] : memref<250x80xi32, #tpu.memory_space<vmem>> -> memref<1x80xi32, #tpu.memory_space<vmem>>
      %dma_start3A_278 = tpu.memref_squeeze %dma_start3A_277 : memref<1x80xi32, #tpu.memory_space<vmem>> -> memref<80xi32, #tpu.memory_space<vmem>>
      %dma_start3A_279 = arith.constant 0 : i32
      %dma_start3A_280 = arith.constant 0 : i32
      %dma_start3A_281 = tpu.memref_slice %arg2[%dma_start3A_279, %dma_start3A_280] : memref<20000x64xf32, #tpu.memory_space<hbm>> -> memref<20000x64xf32, #tpu.memory_space<hbm>>
      tpu.enqueue_indirect_dma source(%dma_start3A_281 : memref<20000x64xf32, #tpu.memory_space<hbm>>) target(%arg10 : memref<80x64xf32, #tpu.memory_space<vmem>>) offsets(%dma_start3A_278 : memref<80xi32, #tpu.memory_space<vmem>>) semaphore(%arg16 : memref<!tpu.dma_semaphore, #tpu.memory_space<semaphore_mem>>)
      %mul3A_282 = arith.constant 4 : i32
      %mul3A_283 = arith.muli %mul3A_282, %scan3A_193 : i32
      %add3A_284 = arith.constant 3 : i32
      %add3A_285 = arith.addi %mul3A_283, %add3A_284 : i32
      %dma_wait3A_286 = arith.constant 0 : i32
      %dma_wait3A_287 = tpu.memref_slice %arg6[%add3A_285, %dma_wait3A_286] : memref<250x80xi32, #tpu.memory_space<vmem>> -> memref<1x80xi32, #tpu.memory_space<vmem>>
      %dma_wait3A_288 = tpu.memref_squeeze %dma_wait3A_287 : memref<1x80xi32, #tpu.memory_space<vmem>> -> memref<80xi32, #tpu.memory_space<vmem>>
      %dma_wait3A_289 = arith.constant 0 : i32
      %dma_wait3A_290 = arith.constant 0 : i32
      %dma_wait3A_291 = tpu.memref_slice %arg2[%dma_wait3A_289, %dma_wait3A_290] : memref<20000x64xf32, #tpu.memory_space<hbm>> -> memref<20000x64xf32, #tpu.memory_space<hbm>>
      tpu.wait_indirect_dma semaphore(%arg17 : memref<!tpu.dma_semaphore, #tpu.memory_space<semaphore_mem>>) src(%dma_wait3A_291 : memref<20000x64xf32, #tpu.memory_space<hbm>>) dst(%arg11 : memref<80x64xf32, #tpu.memory_space<vmem>>)
      %dma_start3A_292 = arith.constant 0 : i32
      %dma_start3A_293 = tpu.memref_slice %arg7[%add3A_285, %dma_start3A_292] : memref<250x80xi32, #tpu.memory_space<vmem>> -> memref<1x80xi32, #tpu.memory_space<vmem>>
      %dma_start3A_294 = tpu.memref_squeeze %dma_start3A_293 : memref<1x80xi32, #tpu.memory_space<vmem>> -> memref<80xi32, #tpu.memory_space<vmem>>
      %dma_start3A_295 = arith.constant 0 : i32
      %dma_start3A_296 = arith.constant 0 : i32
      %dma_start3A_297 = tpu.memref_slice %arg13[%dma_start3A_295, %dma_start3A_296] : memref<10000x64xf32, #tpu.memory_space<vmem_shared>> -> memref<10000x64xf32, #tpu.memory_space<vmem_shared>>
      tpu.enqueue_indirect_dma source(%arg11 : memref<80x64xf32, #tpu.memory_space<vmem>>) target(%dma_start3A_297 : memref<10000x64xf32, #tpu.memory_space<vmem_shared>>) offsets(%dma_start3A_294 : memref<80xi32, #tpu.memory_space<vmem>>) semaphore(%arg17 : memref<!tpu.dma_semaphore, #tpu.memory_space<semaphore_mem>>) {add = true}
      %dma_wait3A_298 = arith.constant 0 : i32
      %dma_wait3A_299 = tpu.memref_slice %arg7[%add3A_285, %dma_wait3A_298] : memref<250x80xi32, #tpu.memory_space<vmem>> -> memref<1x80xi32, #tpu.memory_space<vmem>>
      %dma_wait3A_300 = tpu.memref_squeeze %dma_wait3A_299 : memref<1x80xi32, #tpu.memory_space<vmem>> -> memref<80xi32, #tpu.memory_space<vmem>>
      %dma_wait3A_301 = arith.constant 0 : i32
      %dma_wait3A_302 = arith.constant 0 : i32
      %dma_wait3A_303 = tpu.memref_slice %arg13[%dma_wait3A_301, %dma_wait3A_302] : memref<10000x64xf32, #tpu.memory_space<vmem_shared>> -> memref<10000x64xf32, #tpu.memory_space<vmem_shared>>
      tpu.wait_indirect_dma semaphore(%arg17 : memref<!tpu.dma_semaphore, #tpu.memory_space<semaphore_mem>>) src(%arg11 : memref<80x64xf32, #tpu.memory_space<vmem>>) dst(%dma_wait3A_303 : memref<10000x64xf32, #tpu.memory_space<vmem_shared>>)
      %add3A_304 = arith.constant 4 : i32
      %add3A_305 = arith.addi %add3A_285, %add3A_304 : i32
      %dma_start3A_306 = arith.constant 0 : i32
      %dma_start3A_307 = tpu.memref_slice %arg6[%add3A_305, %dma_start3A_306] : memref<250x80xi32, #tpu.memory_space<vmem>> -> memref<1x80xi32, #tpu.memory_space<vmem>>
      %dma_start3A_308 = tpu.memref_squeeze %dma_start3A_307 : memref<1x80xi32, #tpu.memory_space<vmem>> -> memref<80xi32, #tpu.memory_space<vmem>>
      %dma_start3A_309 = arith.constant 0 : i32
      %dma_start3A_310 = arith.constant 0 : i32
      %dma_start3A_311 = tpu.memref_slice %arg2[%dma_start3A_309, %dma_start3A_310] : memref<20000x64xf32, #tpu.memory_space<hbm>> -> memref<20000x64xf32, #tpu.memory_space<hbm>>
      tpu.enqueue_indirect_dma source(%dma_start3A_311 : memref<20000x64xf32, #tpu.memory_space<hbm>>) target(%arg11 : memref<80x64xf32, #tpu.memory_space<vmem>>) offsets(%dma_start3A_308 : memref<80xi32, #tpu.memory_space<vmem>>) semaphore(%arg17 : memref<!tpu.dma_semaphore, #tpu.memory_space<semaphore_mem>>)
    }
    %scan3A_46 = arith.constant 61 : i32
    %dma_wait3A = arith.constant 244 : i32
    %dma_wait3A_47 = arith.constant 0 : i32
    %dma_wait3A_48 = tpu.memref_slice %arg6[%dma_wait3A, %dma_wait3A_47] : memref<250x80xi32, #tpu.memory_space<vmem>> -> memref<1x80xi32, #tpu.memory_space<vmem>>
    %dma_wait3A_49 = tpu.memref_squeeze %dma_wait3A_48 : memref<1x80xi32, #tpu.memory_space<vmem>> -> memref<80xi32, #tpu.memory_space<vmem>>
    %dma_wait3A_50 = arith.constant 0 : i32
    %dma_wait3A_51 = arith.constant 0 : i32
    %dma_wait3A_52 = tpu.memref_slice %arg2[%dma_wait3A_50, %dma_wait3A_51] : memref<20000x64xf32, #tpu.memory_space<hbm>> -> memref<20000x64xf32, #tpu.memory_space<hbm>>
    tpu.wait_indirect_dma semaphore(%arg14 : memref<!tpu.dma_semaphore, #tpu.memory_space<semaphore_mem>>) src(%dma_wait3A_52 : memref<20000x64xf32, #tpu.memory_space<hbm>>) dst(%arg8 : memref<80x64xf32, #tpu.memory_space<vmem>>)
    %dma_start3A_53 = arith.constant 244 : i32
    %dma_start3A_54 = arith.constant 0 : i32
    %dma_start3A_55 = tpu.memref_slice %arg7[%dma_start3A_53, %dma_start3A_54] : memref<250x80xi32, #tpu.memory_space<vmem>> -> memref<1x80xi32, #tpu.memory_space<vmem>>
    %dma_start3A_56 = tpu.memref_squeeze %dma_start3A_55 : memref<1x80xi32, #tpu.memory_space<vmem>> -> memref<80xi32, #tpu.memory_space<vmem>>
    %dma_start3A_57 = arith.constant 0 : i32
    %dma_start3A_58 = arith.constant 0 : i32
    %dma_start3A_59 = tpu.memref_slice %arg13[%dma_start3A_57, %dma_start3A_58] : memref<10000x64xf32, #tpu.memory_space<vmem_shared>> -> memref<10000x64xf32, #tpu.memory_space<vmem_shared>>
    tpu.enqueue_indirect_dma source(%arg8 : memref<80x64xf32, #tpu.memory_space<vmem>>) target(%dma_start3A_59 : memref<10000x64xf32, #tpu.memory_space<vmem_shared>>) offsets(%dma_start3A_56 : memref<80xi32, #tpu.memory_space<vmem>>) semaphore(%arg14 : memref<!tpu.dma_semaphore, #tpu.memory_space<semaphore_mem>>) {add = true}
    %dma_wait3A_60 = arith.constant 244 : i32
    %dma_wait3A_61 = arith.constant 0 : i32
    %dma_wait3A_62 = tpu.memref_slice %arg7[%dma_wait3A_60, %dma_wait3A_61] : memref<250x80xi32, #tpu.memory_space<vmem>> -> memref<1x80xi32, #tpu.memory_space<vmem>>
    %dma_wait3A_63 = tpu.memref_squeeze %dma_wait3A_62 : memref<1x80xi32, #tpu.memory_space<vmem>> -> memref<80xi32, #tpu.memory_space<vmem>>
    %dma_wait3A_64 = arith.constant 0 : i32
    %dma_wait3A_65 = arith.constant 0 : i32
    %dma_wait3A_66 = tpu.memref_slice %arg13[%dma_wait3A_64, %dma_wait3A_65] : memref<10000x64xf32, #tpu.memory_space<vmem_shared>> -> memref<10000x64xf32, #tpu.memory_space<vmem_shared>>
    tpu.wait_indirect_dma semaphore(%arg14 : memref<!tpu.dma_semaphore, #tpu.memory_space<semaphore_mem>>) src(%arg8 : memref<80x64xf32, #tpu.memory_space<vmem>>) dst(%dma_wait3A_66 : memref<10000x64xf32, #tpu.memory_space<vmem_shared>>)
    %dma_start3A_67 = arith.constant 248 : i32
    %dma_start3A_68 = arith.constant 0 : i32
    %dma_start3A_69 = tpu.memref_slice %arg6[%dma_start3A_67, %dma_start3A_68] : memref<250x80xi32, #tpu.memory_space<vmem>> -> memref<1x80xi32, #tpu.memory_space<vmem>>
    %dma_start3A_70 = tpu.memref_squeeze %dma_start3A_69 : memref<1x80xi32, #tpu.memory_space<vmem>> -> memref<80xi32, #tpu.memory_space<vmem>>
    %dma_start3A_71 = arith.constant 0 : i32
    %dma_start3A_72 = arith.constant 0 : i32
    %dma_start3A_73 = tpu.memref_slice %arg2[%dma_start3A_71, %dma_start3A_72] : memref<20000x64xf32, #tpu.memory_space<hbm>> -> memref<20000x64xf32, #tpu.memory_space<hbm>>
    tpu.enqueue_indirect_dma source(%dma_start3A_73 : memref<20000x64xf32, #tpu.memory_space<hbm>>) target(%arg8 : memref<80x64xf32, #tpu.memory_space<vmem>>) offsets(%dma_start3A_70 : memref<80xi32, #tpu.memory_space<vmem>>) semaphore(%arg14 : memref<!tpu.dma_semaphore, #tpu.memory_space<semaphore_mem>>)
    %dma_wait3A_74 = arith.constant 245 : i32
    %dma_wait3A_75 = arith.constant 0 : i32
    %dma_wait3A_76 = tpu.memref_slice %arg6[%dma_wait3A_74, %dma_wait3A_75] : memref<250x80xi32, #tpu.memory_space<vmem>> -> memref<1x80xi32, #tpu.memory_space<vmem>>
    %dma_wait3A_77 = tpu.memref_squeeze %dma_wait3A_76 : memref<1x80xi32, #tpu.memory_space<vmem>> -> memref<80xi32, #tpu.memory_space<vmem>>
    %dma_wait3A_78 = arith.constant 0 : i32
    %dma_wait3A_79 = arith.constant 0 : i32
    %dma_wait3A_80 = tpu.memref_slice %arg2[%dma_wait3A_78, %dma_wait3A_79] : memref<20000x64xf32, #tpu.memory_space<hbm>> -> memref<20000x64xf32, #tpu.memory_space<hbm>>
    tpu.wait_indirect_dma semaphore(%arg15 : memref<!tpu.dma_semaphore, #tpu.memory_space<semaphore_mem>>) src(%dma_wait3A_80 : memref<20000x64xf32, #tpu.memory_space<hbm>>) dst(%arg9 : memref<80x64xf32, #tpu.memory_space<vmem>>)
    %dma_start3A_81 = arith.constant 245 : i32
    %dma_start3A_82 = arith.constant 0 : i32
    %dma_start3A_83 = tpu.memref_slice %arg7[%dma_start3A_81, %dma_start3A_82] : memref<250x80xi32, #tpu.memory_space<vmem>> -> memref<1x80xi32, #tpu.memory_space<vmem>>
    %dma_start3A_84 = tpu.memref_squeeze %dma_start3A_83 : memref<1x80xi32, #tpu.memory_space<vmem>> -> memref<80xi32, #tpu.memory_space<vmem>>
    %dma_start3A_85 = arith.constant 0 : i32
    %dma_start3A_86 = arith.constant 0 : i32
    %dma_start3A_87 = tpu.memref_slice %arg13[%dma_start3A_85, %dma_start3A_86] : memref<10000x64xf32, #tpu.memory_space<vmem_shared>> -> memref<10000x64xf32, #tpu.memory_space<vmem_shared>>
    tpu.enqueue_indirect_dma source(%arg9 : memref<80x64xf32, #tpu.memory_space<vmem>>) target(%dma_start3A_87 : memref<10000x64xf32, #tpu.memory_space<vmem_shared>>) offsets(%dma_start3A_84 : memref<80xi32, #tpu.memory_space<vmem>>) semaphore(%arg15 : memref<!tpu.dma_semaphore, #tpu.memory_space<semaphore_mem>>) {add = true}
    %dma_wait3A_88 = arith.constant 245 : i32
    %dma_wait3A_89 = arith.constant 0 : i32
    %dma_wait3A_90 = tpu.memref_slice %arg7[%dma_wait3A_88, %dma_wait3A_89] : memref<250x80xi32, #tpu.memory_space<vmem>> -> memref<1x80xi32, #tpu.memory_space<vmem>>
    %dma_wait3A_91 = tpu.memref_squeeze %dma_wait3A_90 : memref<1x80xi32, #tpu.memory_space<vmem>> -> memref<80xi32, #tpu.memory_space<vmem>>
    %dma_wait3A_92 = arith.constant 0 : i32
    %dma_wait3A_93 = arith.constant 0 : i32
    %dma_wait3A_94 = tpu.memref_slice %arg13[%dma_wait3A_92, %dma_wait3A_93] : memref<10000x64xf32, #tpu.memory_space<vmem_shared>> -> memref<10000x64xf32, #tpu.memory_space<vmem_shared>>
    tpu.wait_indirect_dma semaphore(%arg15 : memref<!tpu.dma_semaphore, #tpu.memory_space<semaphore_mem>>) src(%arg9 : memref<80x64xf32, #tpu.memory_space<vmem>>) dst(%dma_wait3A_94 : memref<10000x64xf32, #tpu.memory_space<vmem_shared>>)
    %dma_start3A_95 = arith.constant 249 : i32
    %dma_start3A_96 = arith.constant 0 : i32
    %dma_start3A_97 = tpu.memref_slice %arg6[%dma_start3A_95, %dma_start3A_96] : memref<250x80xi32, #tpu.memory_space<vmem>> -> memref<1x80xi32, #tpu.memory_space<vmem>>
    %dma_start3A_98 = tpu.memref_squeeze %dma_start3A_97 : memref<1x80xi32, #tpu.memory_space<vmem>> -> memref<80xi32, #tpu.memory_space<vmem>>
    %dma_start3A_99 = arith.constant 0 : i32
    %dma_start3A_100 = arith.constant 0 : i32
    %dma_start3A_101 = tpu.memref_slice %arg2[%dma_start3A_99, %dma_start3A_100] : memref<20000x64xf32, #tpu.memory_space<hbm>> -> memref<20000x64xf32, #tpu.memory_space<hbm>>
    tpu.enqueue_indirect_dma source(%dma_start3A_101 : memref<20000x64xf32, #tpu.memory_space<hbm>>) target(%arg9 : memref<80x64xf32, #tpu.memory_space<vmem>>) offsets(%dma_start3A_98 : memref<80xi32, #tpu.memory_space<vmem>>) semaphore(%arg15 : memref<!tpu.dma_semaphore, #tpu.memory_space<semaphore_mem>>)
    %dma_wait3A_102 = arith.constant 246 : i32
    %dma_wait3A_103 = arith.constant 0 : i32
    %dma_wait3A_104 = tpu.memref_slice %arg6[%dma_wait3A_102, %dma_wait3A_103] : memref<250x80xi32, #tpu.memory_space<vmem>> -> memref<1x80xi32, #tpu.memory_space<vmem>>
    %dma_wait3A_105 = tpu.memref_squeeze %dma_wait3A_104 : memref<1x80xi32, #tpu.memory_space<vmem>> -> memref<80xi32, #tpu.memory_space<vmem>>
    %dma_wait3A_106 = arith.constant 0 : i32
    %dma_wait3A_107 = arith.constant 0 : i32
    %dma_wait3A_108 = tpu.memref_slice %arg2[%dma_wait3A_106, %dma_wait3A_107] : memref<20000x64xf32, #tpu.memory_space<hbm>> -> memref<20000x64xf32, #tpu.memory_space<hbm>>
    tpu.wait_indirect_dma semaphore(%arg16 : memref<!tpu.dma_semaphore, #tpu.memory_space<semaphore_mem>>) src(%dma_wait3A_108 : memref<20000x64xf32, #tpu.memory_space<hbm>>) dst(%arg10 : memref<80x64xf32, #tpu.memory_space<vmem>>)
    %dma_start3A_109 = arith.constant 246 : i32
    %dma_start3A_110 = arith.constant 0 : i32
    %dma_start3A_111 = tpu.memref_slice %arg7[%dma_start3A_109, %dma_start3A_110] : memref<250x80xi32, #tpu.memory_space<vmem>> -> memref<1x80xi32, #tpu.memory_space<vmem>>
    %dma_start3A_112 = tpu.memref_squeeze %dma_start3A_111 : memref<1x80xi32, #tpu.memory_space<vmem>> -> memref<80xi32, #tpu.memory_space<vmem>>
    %dma_start3A_113 = arith.constant 0 : i32
    %dma_start3A_114 = arith.constant 0 : i32
    %dma_start3A_115 = tpu.memref_slice %arg13[%dma_start3A_113, %dma_start3A_114] : memref<10000x64xf32, #tpu.memory_space<vmem_shared>> -> memref<10000x64xf32, #tpu.memory_space<vmem_shared>>
    tpu.enqueue_indirect_dma source(%arg10 : memref<80x64xf32, #tpu.memory_space<vmem>>) target(%dma_start3A_115 : memref<10000x64xf32, #tpu.memory_space<vmem_shared>>) offsets(%dma_start3A_112 : memref<80xi32, #tpu.memory_space<vmem>>) semaphore(%arg16 : memref<!tpu.dma_semaphore, #tpu.memory_space<semaphore_mem>>) {add = true}
    %dma_wait3A_116 = arith.constant 246 : i32
    %dma_wait3A_117 = arith.constant 0 : i32
    %dma_wait3A_118 = tpu.memref_slice %arg7[%dma_wait3A_116, %dma_wait3A_117] : memref<250x80xi32, #tpu.memory_space<vmem>> -> memref<1x80xi32, #tpu.memory_space<vmem>>
    %dma_wait3A_119 = tpu.memref_squeeze %dma_wait3A_118 : memref<1x80xi32, #tpu.memory_space<vmem>> -> memref<80xi32, #tpu.memory_space<vmem>>
    %dma_wait3A_120 = arith.constant 0 : i32
    %dma_wait3A_121 = arith.constant 0 : i32
    %dma_wait3A_122 = tpu.memref_slice %arg13[%dma_wait3A_120, %dma_wait3A_121] : memref<10000x64xf32, #tpu.memory_space<vmem_shared>> -> memref<10000x64xf32, #tpu.memory_space<vmem_shared>>
    tpu.wait_indirect_dma semaphore(%arg16 : memref<!tpu.dma_semaphore, #tpu.memory_space<semaphore_mem>>) src(%arg10 : memref<80x64xf32, #tpu.memory_space<vmem>>) dst(%dma_wait3A_122 : memref<10000x64xf32, #tpu.memory_space<vmem_shared>>)
    %dma_wait3A_123 = arith.constant 247 : i32
    %dma_wait3A_124 = arith.constant 0 : i32
    %dma_wait3A_125 = tpu.memref_slice %arg6[%dma_wait3A_123, %dma_wait3A_124] : memref<250x80xi32, #tpu.memory_space<vmem>> -> memref<1x80xi32, #tpu.memory_space<vmem>>
    %dma_wait3A_126 = tpu.memref_squeeze %dma_wait3A_125 : memref<1x80xi32, #tpu.memory_space<vmem>> -> memref<80xi32, #tpu.memory_space<vmem>>
    %dma_wait3A_127 = arith.constant 0 : i32
    %dma_wait3A_128 = arith.constant 0 : i32
    %dma_wait3A_129 = tpu.memref_slice %arg2[%dma_wait3A_127, %dma_wait3A_128] : memref<20000x64xf32, #tpu.memory_space<hbm>> -> memref<20000x64xf32, #tpu.memory_space<hbm>>
    tpu.wait_indirect_dma semaphore(%arg17 : memref<!tpu.dma_semaphore, #tpu.memory_space<semaphore_mem>>) src(%dma_wait3A_129 : memref<20000x64xf32, #tpu.memory_space<hbm>>) dst(%arg11 : memref<80x64xf32, #tpu.memory_space<vmem>>)
    %dma_start3A_130 = arith.constant 247 : i32
    %dma_start3A_131 = arith.constant 0 : i32
    %dma_start3A_132 = tpu.memref_slice %arg7[%dma_start3A_130, %dma_start3A_131] : memref<250x80xi32, #tpu.memory_space<vmem>> -> memref<1x80xi32, #tpu.memory_space<vmem>>
    %dma_start3A_133 = tpu.memref_squeeze %dma_start3A_132 : memref<1x80xi32, #tpu.memory_space<vmem>> -> memref<80xi32, #tpu.memory_space<vmem>>
    %dma_start3A_134 = arith.constant 0 : i32
    %dma_start3A_135 = arith.constant 0 : i32
    %dma_start3A_136 = tpu.memref_slice %arg13[%dma_start3A_134, %dma_start3A_135] : memref<10000x64xf32, #tpu.memory_space<vmem_shared>> -> memref<10000x64xf32, #tpu.memory_space<vmem_shared>>
    tpu.enqueue_indirect_dma source(%arg11 : memref<80x64xf32, #tpu.memory_space<vmem>>) target(%dma_start3A_136 : memref<10000x64xf32, #tpu.memory_space<vmem_shared>>) offsets(%dma_start3A_133 : memref<80xi32, #tpu.memory_space<vmem>>) semaphore(%arg17 : memref<!tpu.dma_semaphore, #tpu.memory_space<semaphore_mem>>) {add = true}
    %dma_wait3A_137 = arith.constant 247 : i32
    %dma_wait3A_138 = arith.constant 0 : i32
    %dma_wait3A_139 = tpu.memref_slice %arg7[%dma_wait3A_137, %dma_wait3A_138] : memref<250x80xi32, #tpu.memory_space<vmem>> -> memref<1x80xi32, #tpu.memory_space<vmem>>
    %dma_wait3A_140 = tpu.memref_squeeze %dma_wait3A_139 : memref<1x80xi32, #tpu.memory_space<vmem>> -> memref<80xi32, #tpu.memory_space<vmem>>
    %dma_wait3A_141 = arith.constant 0 : i32
    %dma_wait3A_142 = arith.constant 0 : i32
    %dma_wait3A_143 = tpu.memref_slice %arg13[%dma_wait3A_141, %dma_wait3A_142] : memref<10000x64xf32, #tpu.memory_space<vmem_shared>> -> memref<10000x64xf32, #tpu.memory_space<vmem_shared>>
    tpu.wait_indirect_dma semaphore(%arg17 : memref<!tpu.dma_semaphore, #tpu.memory_space<semaphore_mem>>) src(%arg11 : memref<80x64xf32, #tpu.memory_space<vmem>>) dst(%dma_wait3A_143 : memref<10000x64xf32, #tpu.memory_space<vmem_shared>>)
    %dma_wait3A_144 = arith.constant 248 : i32
    %dma_wait3A_145 = arith.constant 0 : i32
    %dma_wait3A_146 = tpu.memref_slice %arg6[%dma_wait3A_144, %dma_wait3A_145] : memref<250x80xi32, #tpu.memory_space<vmem>> -> memref<1x80xi32, #tpu.memory_space<vmem>>
    %dma_wait3A_147 = tpu.memref_squeeze %dma_wait3A_146 : memref<1x80xi32, #tpu.memory_space<vmem>> -> memref<80xi32, #tpu.memory_space<vmem>>
    %dma_wait3A_148 = arith.constant 0 : i32
    %dma_wait3A_149 = arith.constant 0 : i32
    %dma_wait3A_150 = tpu.memref_slice %arg2[%dma_wait3A_148, %dma_wait3A_149] : memref<20000x64xf32, #tpu.memory_space<hbm>> -> memref<20000x64xf32, #tpu.memory_space<hbm>>
    tpu.wait_indirect_dma semaphore(%arg14 : memref<!tpu.dma_semaphore, #tpu.memory_space<semaphore_mem>>) src(%dma_wait3A_150 : memref<20000x64xf32, #tpu.memory_space<hbm>>) dst(%arg8 : memref<80x64xf32, #tpu.memory_space<vmem>>)
    %dma_start3A_151 = arith.constant 248 : i32
    %dma_start3A_152 = arith.constant 0 : i32
    %dma_start3A_153 = tpu.memref_slice %arg7[%dma_start3A_151, %dma_start3A_152] : memref<250x80xi32, #tpu.memory_space<vmem>> -> memref<1x80xi32, #tpu.memory_space<vmem>>
    %dma_start3A_154 = tpu.memref_squeeze %dma_start3A_153 : memref<1x80xi32, #tpu.memory_space<vmem>> -> memref<80xi32, #tpu.memory_space<vmem>>
    %dma_start3A_155 = arith.constant 0 : i32
    %dma_start3A_156 = arith.constant 0 : i32
    %dma_start3A_157 = tpu.memref_slice %arg13[%dma_start3A_155, %dma_start3A_156] : memref<10000x64xf32, #tpu.memory_space<vmem_shared>> -> memref<10000x64xf32, #tpu.memory_space<vmem_shared>>
    tpu.enqueue_indirect_dma source(%arg8 : memref<80x64xf32, #tpu.memory_space<vmem>>) target(%dma_start3A_157 : memref<10000x64xf32, #tpu.memory_space<vmem_shared>>) offsets(%dma_start3A_154 : memref<80xi32, #tpu.memory_space<vmem>>) semaphore(%arg14 : memref<!tpu.dma_semaphore, #tpu.memory_space<semaphore_mem>>) {add = true}
    %dma_wait3A_158 = arith.constant 248 : i32
    %dma_wait3A_159 = arith.constant 0 : i32
    %dma_wait3A_160 = tpu.memref_slice %arg7[%dma_wait3A_158, %dma_wait3A_159] : memref<250x80xi32, #tpu.memory_space<vmem>> -> memref<1x80xi32, #tpu.memory_space<vmem>>
    %dma_wait3A_161 = tpu.memref_squeeze %dma_wait3A_160 : memref<1x80xi32, #tpu.memory_space<vmem>> -> memref<80xi32, #tpu.memory_space<vmem>>
    %dma_wait3A_162 = arith.constant 0 : i32
    %dma_wait3A_163 = arith.constant 0 : i32
    %dma_wait3A_164 = tpu.memref_slice %arg13[%dma_wait3A_162, %dma_wait3A_163] : memref<10000x64xf32, #tpu.memory_space<vmem_shared>> -> memref<10000x64xf32, #tpu.memory_space<vmem_shared>>
    tpu.wait_indirect_dma semaphore(%arg14 : memref<!tpu.dma_semaphore, #tpu.memory_space<semaphore_mem>>) src(%arg8 : memref<80x64xf32, #tpu.memory_space<vmem>>) dst(%dma_wait3A_164 : memref<10000x64xf32, #tpu.memory_space<vmem_shared>>)
    %dma_wait3A_165 = arith.constant 249 : i32
    %dma_wait3A_166 = arith.constant 0 : i32
    %dma_wait3A_167 = tpu.memref_slice %arg6[%dma_wait3A_165, %dma_wait3A_166] : memref<250x80xi32, #tpu.memory_space<vmem>> -> memref<1x80xi32, #tpu.memory_space<vmem>>
    %dma_wait3A_168 = tpu.memref_squeeze %dma_wait3A_167 : memref<1x80xi32, #tpu.memory_space<vmem>> -> memref<80xi32, #tpu.memory_space<vmem>>
    %dma_wait3A_169 = arith.constant 0 : i32
    %dma_wait3A_170 = arith.constant 0 : i32
    %dma_wait3A_171 = tpu.memref_slice %arg2[%dma_wait3A_169, %dma_wait3A_170] : memref<20000x64xf32, #tpu.memory_space<hbm>> -> memref<20000x64xf32, #tpu.memory_space<hbm>>
    tpu.wait_indirect_dma semaphore(%arg15 : memref<!tpu.dma_semaphore, #tpu.memory_space<semaphore_mem>>) src(%dma_wait3A_171 : memref<20000x64xf32, #tpu.memory_space<hbm>>) dst(%arg9 : memref<80x64xf32, #tpu.memory_space<vmem>>)
    %dma_start3A_172 = arith.constant 249 : i32
    %dma_start3A_173 = arith.constant 0 : i32
    %dma_start3A_174 = tpu.memref_slice %arg7[%dma_start3A_172, %dma_start3A_173] : memref<250x80xi32, #tpu.memory_space<vmem>> -> memref<1x80xi32, #tpu.memory_space<vmem>>
    %dma_start3A_175 = tpu.memref_squeeze %dma_start3A_174 : memref<1x80xi32, #tpu.memory_space<vmem>> -> memref<80xi32, #tpu.memory_space<vmem>>
    %dma_start3A_176 = arith.constant 0 : i32
    %dma_start3A_177 = arith.constant 0 : i32
    %dma_start3A_178 = tpu.memref_slice %arg13[%dma_start3A_176, %dma_start3A_177] : memref<10000x64xf32, #tpu.memory_space<vmem_shared>> -> memref<10000x64xf32, #tpu.memory_space<vmem_shared>>
    tpu.enqueue_indirect_dma source(%arg9 : memref<80x64xf32, #tpu.memory_space<vmem>>) target(%dma_start3A_178 : memref<10000x64xf32, #tpu.memory_space<vmem_shared>>) offsets(%dma_start3A_175 : memref<80xi32, #tpu.memory_space<vmem>>) semaphore(%arg15 : memref<!tpu.dma_semaphore, #tpu.memory_space<semaphore_mem>>) {add = true}
    %dma_wait3A_179 = arith.constant 249 : i32
    %dma_wait3A_180 = arith.constant 0 : i32
    %dma_wait3A_181 = tpu.memref_slice %arg7[%dma_wait3A_179, %dma_wait3A_180] : memref<250x80xi32, #tpu.memory_space<vmem>> -> memref<1x80xi32, #tpu.memory_space<vmem>>
    %dma_wait3A_182 = tpu.memref_squeeze %dma_wait3A_181 : memref<1x80xi32, #tpu.memory_space<vmem>> -> memref<80xi32, #tpu.memory_space<vmem>>
    %dma_wait3A_183 = arith.constant 0 : i32
    %dma_wait3A_184 = arith.constant 0 : i32
    %dma_wait3A_185 = tpu.memref_slice %arg13[%dma_wait3A_183, %dma_wait3A_184] : memref<10000x64xf32, #tpu.memory_space<vmem_shared>> -> memref<10000x64xf32, #tpu.memory_space<vmem_shared>>
    tpu.wait_indirect_dma semaphore(%arg15 : memref<!tpu.dma_semaphore, #tpu.memory_space<semaphore_mem>>) src(%arg9 : memref<80x64xf32, #tpu.memory_space<vmem>>) dst(%dma_wait3A_185 : memref<10000x64xf32, #tpu.memory_space<vmem_shared>>)
    %barrier3A_186 = arith.constant 0 : index
    tpu.barrier barrier_id(%barrier3A_186)
    %scan3A_187 = arith.constant 0 : i32
    %scan3A_188 = arith.constant 0 : i32
    %scan3A_189 = arith.constant 5 : i32
    %scan3A_190 = arith.addi %scan3A_188, %scan3A_189 : i32
    %scan3A_191 = arith.constant 1 : i32
    scf.for %scan3A_193 = %scan3A_188 to %scan3A_190 step %scan3A_191  : i32 {
      %mul3A = arith.constant 625 : i32
      %mul3A_194 = arith.muli %arg1, %mul3A : i32
      %mul3A_195 = arith.constant 125 : i32
      %mul3A_196 = arith.muli %scan3A_193, %mul3A_195 : i32
      %add3A = arith.addi %mul3A_194, %mul3A_196 : i32
      "tpu.region"() ({
        %run_scoped3A = tpu.sem_alloc : memref<!tpu.dma_semaphore, #tpu.memory_space<semaphore_mem>>
        %dma_start3A_199 = arith.constant 0 : i32
        %dma_start3A_200 = tpu.memref_slice %arg13[%add3A, %dma_start3A_199] : memref<10000x64xf32, #tpu.memory_space<vmem_shared>> -> memref<125x64xf32, #tpu.memory_space<vmem_shared>>
        %dma_start3A_201 = arith.constant 0 : i32
        %dma_start3A_202 = tpu.memref_slice %arg13[%add3A, %dma_start3A_201] : memref<10000x64xf32, #tpu.memory_space<vmem_shared>> -> memref<125x64xf32, #tpu.memory_space<vmem_shared>>
        tpu.enqueue_dma source(%dma_start3A_202 : memref<125x64xf32, #tpu.memory_space<vmem_shared>>) target(%arg12 : memref<125x64xf32, #tpu.memory_space<vmem>>) target_semaphore(%run_scoped3A : memref<!tpu.dma_semaphore, #tpu.memory_space<semaphore_mem>>)
        %dma_wait3A_203 = arith.constant 0 : i32
        %dma_wait3A_204 = tpu.memref_slice %arg13[%add3A, %dma_wait3A_203] : memref<10000x64xf32, #tpu.memory_space<vmem_shared>> -> memref<125x64xf32, #tpu.memory_space<vmem_shared>>
        %dma_wait3A_205 = arith.constant 0 : i32
        %dma_wait3A_206 = tpu.memref_slice %arg13[%add3A, %dma_wait3A_205] : memref<10000x64xf32, #tpu.memory_space<vmem_shared>> -> memref<125x64xf32, #tpu.memory_space<vmem_shared>>
        tpu.wait_dma2 semaphore(%run_scoped3A : memref<!tpu.dma_semaphore, #tpu.memory_space<semaphore_mem>>) src(%dma_wait3A_206 : memref<125x64xf32, #tpu.memory_space<vmem_shared>>) dst(%arg12 : memref<125x64xf32, #tpu.memory_space<vmem>>)
        tpu.yield
      }) : () -> ()
      %mul3A_197 = arith.constant 64 : i32
      %mul3A_198 = arith.muli %arg0, %mul3A_197 : i32
      "tpu.region"() ({
        %run_scoped3A = tpu.sem_alloc : memref<!tpu.dma_semaphore, #tpu.memory_space<semaphore_mem>>
        %dma_start3A_199 = tpu.memref_slice %arg5[%add3A, %mul3A_198] : memref<10000x128xf32, #tpu.memory_space<hbm>> -> memref<125x64xf32, #tpu.memory_space<hbm>>
        %dma_start3A_200 = tpu.memref_slice %arg5[%add3A, %mul3A_198] : memref<10000x128xf32, #tpu.memory_space<hbm>> -> memref<125x64xf32, #tpu.memory_space<hbm>>
        tpu.enqueue_dma source(%arg12 : memref<125x64xf32, #tpu.memory_space<vmem>>) target(%dma_start3A_200 : memref<125x64xf32, #tpu.memory_space<hbm>>) target_semaphore(%run_scoped3A : memref<!tpu.dma_semaphore, #tpu.memory_space<semaphore_mem>>)
        %dma_wait3A_201 = tpu.memref_slice %arg5[%add3A, %mul3A_198] : memref<10000x128xf32, #tpu.memory_space<hbm>> -> memref<125x64xf32, #tpu.memory_space<hbm>>
        %dma_wait3A_202 = tpu.memref_slice %arg5[%add3A, %mul3A_198] : memref<10000x128xf32, #tpu.memory_space<hbm>> -> memref<125x64xf32, #tpu.memory_space<hbm>>
        tpu.wait_dma2 semaphore(%run_scoped3A : memref<!tpu.dma_semaphore, #tpu.memory_space<semaphore_mem>>) src(%arg12 : memref<125x64xf32, #tpu.memory_space<vmem>>) dst(%dma_wait3A_202 : memref<125x64xf32, #tpu.memory_space<hbm>>)
        tpu.yield
      }) : () -> ()
    }
    %scan3A_192 = arith.constant 5 : i32
    return
  }
}

module attributes {stable_mosaic.version = 14 : i64} {
  func.func @body(%arg0: i32, %arg1: memref<2000x128xf32, #tpu.memory_space<vmem>>, %arg2: memref<128x128xf32, #tpu.memory_space<vmem>>, %arg3: memref<2000x128xf32, #tpu.memory_space<vmem>>) attributes {dimension_semantics = [#tpu.dimension_semantics<arbitrary>], iteration_bounds = array<i64: 5>, scalar_prefetch = 0 : i64, scratch_operands = 0 : i64, tpu.core_type = #tpu.core_type<tc>, window_params = [{transform_indices = @transform_0, window_bounds = array<i64: 2000, 128>}, {pipeline_mode = #tpu.pipeline_mode<synchronous>, transform_indices = @transform_1, window_bounds = array<i64: 128, 128>}, {transform_indices = @transform_2, window_bounds = array<i64: 2000, 128>}]} {
    %get3A = arith.constant 0 : index
    %get3A_0 = arith.constant 0 : index
    %get3A_1 = vector.load %arg1[%get3A, %get3A_0] : memref<2000x128xf32, #tpu.memory_space<vmem>>, vector<2000x128xf32>
    %get3A_2 = arith.constant 0 : index
    %get3A_3 = arith.constant 0 : index
    %get3A_4 = vector.load %arg2[%get3A_2, %get3A_3] : memref<128x128xf32, #tpu.memory_space<vmem>>, vector<128x128xf32>
    %dot_general3A = arith.constant dense<0.000000e+00> : vector<2000x128xf32>
    %dot_general3A_5 = tpu.matmul %get3A_1, %get3A_4, %dot_general3A {dimension_numbers = #tpu.dot_dimension_numbers<[1], [0], [0], [1], [0, 0, 1, 1], [], []>, transpose_lhs_hint = false} : vector<2000x128xf32>, vector<128x128xf32>, vector<2000x128xf32> -> vector<2000x128xf32>
    %swap3A = arith.constant 0 : index
    %swap3A_6 = arith.constant 0 : index
    %swap3A_7 = vector.load %arg3[%swap3A, %swap3A_6] : memref<2000x128xf32, #tpu.memory_space<vmem>>, vector<2000x128xf32>
    tpu.vector_store %arg3[%swap3A, %swap3A_6], %dot_general3A_5 {strides = array<i32>} : memref<2000x128xf32, #tpu.memory_space<vmem>>, vector<2000x128xf32>,
    return
  }
  func.func @transform_0(%arg0: i32) -> (i32, i32) {
    %c0_i32 = arith.constant 0 : i32
    %c0_i32_0 = arith.constant 0 : i32
    return %arg0, %c0_i32 : i32, i32
  }
  func.func @transform_1(%arg0: i32) -> (i32, i32) {
    %c0_i32 = arith.constant 0 : i32
    %c0_i32_0 = arith.constant 0 : i32
    %c0_i32_1 = arith.constant 0 : i32
    return %c0_i32, %c0_i32_0 : i32, i32
  }
  func.func @transform_2(%arg0: i32) -> (i32, i32) {
    %c0_i32 = arith.constant 0 : i32
    %c0_i32_0 = arith.constant 0 : i32
    return %arg0, %c0_i32 : i32, i32
  }
}

module attributes {stable_mosaic.version = 14 : i64} {
  func.func @body(%arg0: memref<2500x128xi32, #tpu.memory_space<vmem>>, %arg1: memref<2x2500x128xi32, #tpu.memory_space<vmem>>) attributes {dimension_semantics = [], scalar_prefetch = 0 : i64, scratch_operands = 0 : i64, tpu.core_type = #tpu.core_type<tc>} {
    %get3A = arith.constant 0 : index
    %get3A_0 = arith.constant 0 : index
    %get3A_1 = vector.load %arg0[%get3A, %get3A_0] : memref<2500x128xi32, #tpu.memory_space<vmem>>, vector<2500x128xi32>
    %mul3A = arith.constant 2 : i32
    %mul3A_2 = vector.broadcast %mul3A : i32 to vector<2500x128xi32>
    %mul3A_3 = arith.muli %get3A_1, %mul3A_2 : vector<2500x128xi32>
    %swap3A = arith.constant 0 : index
    %swap3A_4 = arith.constant 0 : index
    %swap3A_5 = arith.constant 0 : index
    %swap3A_6 = vector.load %arg1[%swap3A, %swap3A_4, %swap3A_5] : memref<2x2500x128xi32, #tpu.memory_space<vmem>>, vector<1x2500x128xi32>
    %swap3A_7 = vector.shape_cast %swap3A_6 : vector<1x2500x128xi32> to vector<2500x128xi32>
    %swap3A_8 = vector.shape_cast %mul3A_3 : vector<2500x128xi32> to vector<1x2500x128xi32>
    tpu.vector_store %arg1[%swap3A, %swap3A_4, %swap3A_5], %swap3A_8 {strides = array<i32>} : memref<2x2500x128xi32, #tpu.memory_space<vmem>>, vector<1x2500x128xi32>,
    %add3A = arith.constant 1 : i32
    %add3A_9 = vector.broadcast %add3A : i32 to vector<2500x128xi32>
    %add3A_10 = arith.addi %mul3A_3, %add3A_9 : vector<2500x128xi32>
    %swap3A_11 = arith.constant 1 : index
    %swap3A_12 = arith.constant 0 : index
    %swap3A_13 = arith.constant 0 : index
    %swap3A_14 = vector.load %arg1[%swap3A_11, %swap3A_12, %swap3A_13] : memref<2x2500x128xi32, #tpu.memory_space<vmem>>, vector<1x2500x128xi32>
    %swap3A_15 = vector.shape_cast %swap3A_14 : vector<1x2500x128xi32> to vector<2500x128xi32>
    %swap3A_16 = vector.shape_cast %add3A_10 : vector<2500x128xi32> to vector<1x2500x128xi32>
    tpu.vector_store %arg1[%swap3A_11, %swap3A_12, %swap3A_13], %swap3A_16 {strides = array<i32>} : memref<2x2500x128xi32, #tpu.memory_space<vmem>>, vector<1x2500x128xi32>,
    return
  }
}

module attributes {stable_mosaic.version = 14 : i64} {
  func.func @body(%arg0: i32, %arg1: memref<2000x128xf32, #tpu.memory_space<vmem>>, %arg2: memref<2000x1xf32, #tpu.memory_space<vmem>>, %arg3: memref<2000x128xf32, #tpu.memory_space<vmem>>, %arg4: memref<128x128xf32, #tpu.memory_space<vmem>>, %arg5: memref<1x128xf32, #tpu.memory_space<vmem>>, %arg6: memref<128x128xf32, #tpu.memory_space<vmem>>, %arg7: memref<128x128xf32, #tpu.memory_space<vmem>>, %arg8: memref<1x128xf32, #tpu.memory_space<vmem>>, %arg9: memref<2000x128xf32, #tpu.memory_space<vmem>>, %arg10: memref<2000x128xf32, #tpu.memory_space<vmem>>) attributes {dimension_semantics = [#tpu.dimension_semantics<arbitrary>], iteration_bounds = array<i64: 5>, scalar_prefetch = 0 : i64, scratch_operands = 0 : i64, tpu.core_type = #tpu.core_type<tc>, window_params = [{transform_indices = @transform_0, window_bounds = array<i64: 2000, 128>}, {transform_indices = @transform_1, window_bounds = array<i64: 2000, 1>}, {transform_indices = @transform_2, window_bounds = array<i64: 2000, 128>}, {pipeline_mode = #tpu.pipeline_mode<synchronous>, transform_indices = @transform_3, window_bounds = array<i64: 128, 128>}, {pipeline_mode = #tpu.pipeline_mode<synchronous>, transform_indices = @transform_4, window_bounds = array<i64: 1, 128>}, {pipeline_mode = #tpu.pipeline_mode<synchronous>, transform_indices = @transform_5, window_bounds = array<i64: 128, 128>}, {pipeline_mode = #tpu.pipeline_mode<synchronous>, transform_indices = @transform_6, window_bounds = array<i64: 128, 128>}, {pipeline_mode = #tpu.pipeline_mode<synchronous>, transform_indices = @transform_7, window_bounds = array<i64: 1, 128>}, {transform_indices = @transform_8, window_bounds = array<i64: 2000, 128>}, {transform_indices = @transform_9, window_bounds = array<i64: 2000, 128>}]} {
    %get3A = arith.constant 0 : index
    %get3A_0 = arith.constant 0 : index
    %get3A_1 = vector.load %arg1[%get3A, %get3A_0] : memref<2000x128xf32, #tpu.memory_space<vmem>>, vector<2000x128xf32>
    %get3A_2 = arith.constant 0 : index
    %get3A_3 = arith.constant 0 : index
    %get3A_4 = vector.load %arg2[%get3A_2, %get3A_3] : memref<2000x1xf32, #tpu.memory_space<vmem>>, vector<2000x1xf32>
    %jit3A = arith.constant 1.000000e+00 : f32
    %max3A = vector.broadcast %jit3A : f32 to vector<2000x1xf32>
    %max3A_5 = arith.maximumf %max3A, %get3A_4 : vector<2000x1xf32>
    %div3A = vector.broadcast %max3A_5 : vector<2000x1xf32> to vector<2000x128xf32>
    %div3A_6 = arith.divf %get3A_1, %div3A : vector<2000x128xf32>
    %get3A_7 = arith.constant 0 : index
    %get3A_8 = arith.constant 0 : index
    %get3A_9 = vector.load %arg3[%get3A_7, %get3A_8] : memref<2000x128xf32, #tpu.memory_space<vmem>>, vector<2000x128xf32>
    %get3A_10 = arith.constant 0 : index
    %get3A_11 = arith.constant 0 : index
    %get3A_12 = vector.load %arg4[%get3A_10, %get3A_11] : memref<128x128xf32, #tpu.memory_space<vmem>>, vector<128x128xf32>
    %dot_general3A = arith.constant dense<0.000000e+00> : vector<2000x128xf32>
    %dot_general3A_13 = tpu.matmul %get3A_9, %get3A_12, %dot_general3A {dimension_numbers = #tpu.dot_dimension_numbers<[1], [0], [0], [1], [0, 0, 1, 1], [], []>, transpose_lhs_hint = false} : vector<2000x128xf32>, vector<128x128xf32>, vector<2000x128xf32> -> vector<2000x128xf32>
    %add3A = arith.addf %div3A_6, %dot_general3A_13 : vector<2000x128xf32>
    %get3A_14 = arith.constant 0 : index
    %get3A_15 = arith.constant 0 : index
    %get3A_16 = vector.load %arg5[%get3A_14, %get3A_15] : memref<1x128xf32, #tpu.memory_space<vmem>>, vector<1x128xf32>
    %add3A_17 = vector.broadcast %get3A_16 : vector<1x128xf32> to vector<2000x128xf32>
    %add3A_18 = arith.addf %add3A, %add3A_17 : vector<2000x128xf32>
    %max3A_19 = arith.constant 0.000000e+00 : f32
    %max3A_20 = vector.broadcast %max3A_19 : f32 to vector<2000x128xf32>
    %max3A_21 = arith.maximumf %add3A_18, %max3A_20 : vector<2000x128xf32>
    %get3A_22 = arith.constant 0 : index
    %get3A_23 = arith.constant 0 : index
    %get3A_24 = vector.load %arg6[%get3A_22, %get3A_23] : memref<128x128xf32, #tpu.memory_space<vmem>>, vector<128x128xf32>
    %dot_general3A_25 = arith.constant dense<0.000000e+00> : vector<2000x128xf32>
    %dot_general3A_26 = tpu.matmul %max3A_21, %get3A_24, %dot_general3A_25 {dimension_numbers = #tpu.dot_dimension_numbers<[1], [0], [0], [1], [0, 0, 1, 1], [], []>, transpose_lhs_hint = false} : vector<2000x128xf32>, vector<128x128xf32>, vector<2000x128xf32> -> vector<2000x128xf32>
    %swap3A = arith.constant 0 : index
    %swap3A_27 = arith.constant 0 : index
    %swap3A_28 = vector.load %arg9[%swap3A, %swap3A_27] : memref<2000x128xf32, #tpu.memory_space<vmem>>, vector<2000x128xf32>
    tpu.vector_store %arg9[%swap3A, %swap3A_27], %dot_general3A_26 {strides = array<i32>} : memref<2000x128xf32, #tpu.memory_space<vmem>>, vector<2000x128xf32>,
    %get3A_29 = arith.constant 0 : index
    %get3A_30 = arith.constant 0 : index
    %get3A_31 = vector.load %arg7[%get3A_29, %get3A_30] : memref<128x128xf32, #tpu.memory_space<vmem>>, vector<128x128xf32>
    %dot_general3A_32 = arith.constant dense<0.000000e+00> : vector<2000x128xf32>
    %dot_general3A_33 = tpu.matmul %max3A_21, %get3A_31, %dot_general3A_32 {dimension_numbers = #tpu.dot_dimension_numbers<[1], [0], [0], [1], [0, 0, 1, 1], [], []>, transpose_lhs_hint = false} : vector<2000x128xf32>, vector<128x128xf32>, vector<2000x128xf32> -> vector<2000x128xf32>
    %get3A_34 = arith.constant 0 : index
    %get3A_35 = arith.constant 0 : index
    %get3A_36 = vector.load %arg8[%get3A_34, %get3A_35] : memref<1x128xf32, #tpu.memory_space<vmem>>, vector<1x128xf32>
    %add3A_37 = vector.broadcast %get3A_36 : vector<1x128xf32> to vector<2000x128xf32>
    %add3A_38 = arith.addf %dot_general3A_33, %add3A_37 : vector<2000x128xf32>
    %swap3A_39 = arith.constant 0 : index
    %swap3A_40 = arith.constant 0 : index
    %swap3A_41 = vector.load %arg10[%swap3A_39, %swap3A_40] : memref<2000x128xf32, #tpu.memory_space<vmem>>, vector<2000x128xf32>
    tpu.vector_store %arg10[%swap3A_39, %swap3A_40], %add3A_38 {strides = array<i32>} : memref<2000x128xf32, #tpu.memory_space<vmem>>, vector<2000x128xf32>,
    return
  }
  func.func @transform_0(%arg0: i32) -> (i32, i32) {
    %c0_i32 = arith.constant 0 : i32
    %c0_i32_0 = arith.constant 0 : i32
    return %arg0, %c0_i32 : i32, i32
  }
  func.func @transform_1(%arg0: i32) -> (i32, i32) {
    %c0_i32 = arith.constant 0 : i32
    %c0_i32_0 = arith.constant 0 : i32
    return %arg0, %c0_i32 : i32, i32
  }
  func.func @transform_2(%arg0: i32) -> (i32, i32) {
    %c0_i32 = arith.constant 0 : i32
    %c0_i32_0 = arith.constant 0 : i32
    return %arg0, %c0_i32 : i32, i32
  }
  func.func @transform_3(%arg0: i32) -> (i32, i32) {
    %c0_i32 = arith.constant 0 : i32
    %c0_i32_0 = arith.constant 0 : i32
    %c0_i32_1 = arith.constant 0 : i32
    return %c0_i32, %c0_i32_0 : i32, i32
  }
  func.func @transform_4(%arg0: i32) -> (i32, i32) {
    %c0_i32 = arith.constant 0 : i32
    %c0_i32_0 = arith.constant 0 : i32
    %c0_i32_1 = arith.constant 0 : i32
    return %c0_i32, %c0_i32_0 : i32, i32
  }
  func.func @transform_5(%arg0: i32) -> (i32, i32) {
    %c0_i32 = arith.constant 0 : i32
    %c0_i32_0 = arith.constant 0 : i32
    %c0_i32_1 = arith.constant 0 : i32
    return %c0_i32, %c0_i32_0 : i32, i32
  }
  func.func @transform_6(%arg0: i32) -> (i32, i32) {
    %c0_i32 = arith.constant 0 : i32
    %c0_i32_0 = arith.constant 0 : i32
    %c0_i32_1 = arith.constant 0 : i32
    return %c0_i32, %c0_i32_0 : i32, i32
  }
  func.func @transform_7(%arg0: i32) -> (i32, i32) {
    %c0_i32 = arith.constant 0 : i32
    %c0_i32_0 = arith.constant 0 : i32
    %c0_i32_1 = arith.constant 0 : i32
    return %c0_i32, %c0_i32_0 : i32, i32
  }
  func.func @transform_8(%arg0: i32) -> (i32, i32) {
    %c0_i32 = arith.constant 0 : i32
    %c0_i32_0 = arith.constant 0 : i32
    return %arg0, %c0_i32 : i32, i32
  }
  func.func @transform_9(%arg0: i32) -> (i32, i32) {
    %c0_i32 = arith.constant 0 : i32
    %c0_i32_0 = arith.constant 0 : i32
    return %arg0, %c0_i32 : i32, i32
  }
}

module attributes {stable_mosaic.version = 14 : i64} {
  func.func @body(%arg0: i32, %arg1: memref<2000x128xf32, #tpu.memory_space<vmem>>, %arg2: memref<2000x1xf32, #tpu.memory_space<vmem>>, %arg3: memref<2000x128xf32, #tpu.memory_space<vmem>>, %arg4: memref<2000x128xf32, #tpu.memory_space<vmem>>) attributes {dimension_semantics = [#tpu.dimension_semantics<arbitrary>], iteration_bounds = array<i64: 5>, scalar_prefetch = 0 : i64, scratch_operands = 0 : i64, tpu.core_type = #tpu.core_type<tc>, window_params = [{transform_indices = @transform_0, window_bounds = array<i64: 2000, 128>}, {transform_indices = @transform_1, window_bounds = array<i64: 2000, 1>}, {transform_indices = @transform_2, window_bounds = array<i64: 2000, 128>}, {transform_indices = @transform_3, window_bounds = array<i64: 2000, 128>}]} {
    %get3A = arith.constant 0 : index
    %get3A_0 = arith.constant 0 : index
    %get3A_1 = vector.load %arg1[%get3A, %get3A_0] : memref<2000x128xf32, #tpu.memory_space<vmem>>, vector<2000x128xf32>
    %get3A_2 = arith.constant 0 : index
    %get3A_3 = arith.constant 0 : index
    %get3A_4 = vector.load %arg2[%get3A_2, %get3A_3] : memref<2000x1xf32, #tpu.memory_space<vmem>>, vector<2000x1xf32>
    %jit3A = arith.constant 1.000000e+00 : f32
    %max3A = vector.broadcast %jit3A : f32 to vector<2000x1xf32>
    %max3A_5 = arith.maximumf %max3A, %get3A_4 : vector<2000x1xf32>
    %div3A = vector.broadcast %max3A_5 : vector<2000x1xf32> to vector<2000x128xf32>
    %div3A_6 = arith.divf %get3A_1, %div3A : vector<2000x128xf32>
    %get3A_7 = arith.constant 0 : index
    %get3A_8 = arith.constant 0 : index
    %get3A_9 = vector.load %arg3[%get3A_7, %get3A_8] : memref<2000x128xf32, #tpu.memory_space<vmem>>, vector<2000x128xf32>
    %add3A = arith.addf %div3A_6, %get3A_9 : vector<2000x128xf32>
    %reduce_max3A = arith.constant dense<0xFF800000> : vector<2000xf32>
    %reduce_max3A_10 = vector.multi_reduction <maximumf>, %add3A, %reduce_max3A [1] : vector<2000x128xf32> to vector<2000xf32>
    %broadcast_in_dim3A = vector.shape_cast %reduce_max3A_10 : vector<2000xf32> to vector<2000x1xf32>
    %sub3A = vector.broadcast %broadcast_in_dim3A : vector<2000x1xf32> to vector<2000x128xf32>
    %sub3A_11 = arith.subf %add3A, %sub3A : vector<2000x128xf32>
    %exp3A = math.exp %sub3A_11 : vector<2000x128xf32>
    %reduce_sum3A = arith.constant dense<0.000000e+00> : vector<2000xf32>
    %reduce_sum3A_12 = vector.multi_reduction <add>, %exp3A, %reduce_sum3A [1] : vector<2000x128xf32> to vector<2000xf32>
    %broadcast_in_dim3A_13 = vector.shape_cast %reduce_sum3A_12 : vector<2000xf32> to vector<2000x1xf32>
    %log3A = math.log %broadcast_in_dim3A_13 : vector<2000x1xf32>
    %add3A_14 = arith.addf %broadcast_in_dim3A, %log3A : vector<2000x1xf32>
    %sub3A_15 = vector.broadcast %add3A_14 : vector<2000x1xf32> to vector<2000x128xf32>
    %sub3A_16 = arith.subf %add3A, %sub3A_15 : vector<2000x128xf32>
    %swap3A = arith.constant 0 : index
    %swap3A_17 = arith.constant 0 : index
    %swap3A_18 = vector.load %arg4[%swap3A, %swap3A_17] : memref<2000x128xf32, #tpu.memory_space<vmem>>, vector<2000x128xf32>
    tpu.vector_store %arg4[%swap3A, %swap3A_17], %sub3A_16 {strides = array<i32>} : memref<2000x128xf32, #tpu.memory_space<vmem>>, vector<2000x128xf32>,
    return
  }
  func.func @transform_0(%arg0: i32) -> (i32, i32) {
    %c0_i32 = arith.constant 0 : i32
    %c0_i32_0 = arith.constant 0 : i32
    return %arg0, %c0_i32 : i32, i32
  }
  func.func @transform_1(%arg0: i32) -> (i32, i32) {
    %c0_i32 = arith.constant 0 : i32
    %c0_i32_0 = arith.constant 0 : i32
    return %arg0, %c0_i32 : i32, i32
  }
  func.func @transform_2(%arg0: i32) -> (i32, i32) {
    %c0_i32 = arith.constant 0 : i32
    %c0_i32_0 = arith.constant 0 : i32
    return %arg0, %c0_i32 : i32, i32
  }
  func.func @transform_3(%arg0: i32) -> (i32, i32) {
    %c0_i32 = arith.constant 0 : i32
    %c0_i32_0 = arith.constant 0 : i32
    return %arg0, %c0_i32 : i32, i32
  }
}

</mosaic_0001>

<sc_bundles>
// kernel: kernel.11.cloned.1.call-start
scs
__scs_entry_jumppad:
0x0: {  	(pc) =	sbr.rel $0x88, $3  }
0x1: {  	(tag) =	ssettag $0x0;
	lr =	simm.s32 $0x1  }
0x2: {  	[smem:$0x3F99] =	sst lr;
	_ =	strace $0xD0000000  }
0x3: {  	_ = 	snop  }
0x4: {  	_ = 	snop  }
0x5: {  	_ = 	snop  }
0x6: {  	_ = 	snop  }
0x7: {  	_ = 	snop  }
__scs_overlays_trampoline_lowered:
0x8: {  	[smem:$0x3FA8] =	sst s0  }
0x9: {  	[smem:$0x3FA9] =	sst s1  }
0xa: {  	[smem:$0x3FAA] =	sst s2  }
0xb: {  	[smem:$0x3FAB] =	sst s3  }
0xc: {  	[smem:$0x3FAC] =	sst s4  }
0xd: {  	[smem:$0x3FAD] =	sst s5  }
0xe: {  	[smem:$0x3FAE] =	sst s6  }
0xf: {  	[smem:$0x3FAF] =	sst s7  }
0x10: {  	[smem:$0x3FB0] =	sst s8  }
0x11: {  	[smem:$0x3FB1] =	sst s9;
	s0 =	simm.s32 @!p0 $0x0  }
0x12: {  	s1 =	sld [smem:$0x3F97];
	s0 =	simm.s32 @p0 $0x1  }
0x13: {  	[smem:$0x3FB2] =	sst s0;
	s0 =	simm.s32 @!p1 $0x0  }
0x14: {  	s2 =	sld [smem:$0x3F96];
	s0 =	simm.s32 @p1 $0x1  }
0x15: {  	[smem:$0x3FB3] =	sst s0;
	s0 =	simm.s32 @!p2 $0x0  }
0x16: {  	s3 =	sld [smem:$0x3FDB];
	s0 =	simm.s32 @p2 $0x1  }
0x17: {  	s4 =	simm.s32 $0x1BF5;
	[smem:$0x3FB5] =	sst s0  }
0x18: {  	s0 =	sld [smem:$0x3F98];
	_ =	swait.ge [sflag:s4], $0x0  }
0x19: {  	s7 =	sld [smem:$0x3F99]  }
0x1a: {  	s8 =	sadd.s32 $0xFFFFE003, lr  }
0x1b: {  	s9 =	sadd.s32 $0xFFFFFEF7, lr;
	s5 =	simm.s32 $0xFFFFFFFF;
	p2 =	slt.u32 s8, $0xFFFFF086  }
0x1c: {  	p1 =	slt.u32 s9, $0xF7A;
	s5 =	simm.s32 @!p2 $0x0  }
0x1d: {  	s5 =	simm.s32 @p1 $0x1;
	p0 =	seq.s32 s7, s2  }
0x1e: {  	s7 =	smul.u32 @!p0 $0xF7A, s2;
	p2 =	seq.s32 @!p0 s5, $0x0  }
0x1f: {  	s9 =	smul.u32 $0xF7A, s1;
	s8 =	simm.s32 @!p0 $0x1BF5;
	p2 =	por !p2, p0  }
0x20: {  	[sflag:s8] =	ssyncset.s32 @!p0 $0xFFFFF086;
	s6 =	sadd.s32 @!p0 s3, s7;
	s7 =	simm.s32 @!p0 $0x108  }
0x21: {  	s3 =	sadd.s32 s3, s9;
	s6 =	sadd.s32 @!p0 $0x88, s6;
	s7 =	simm.s32 @p2 $0x1082  }
0x22: {  	[simem:s7], [sflag:s8] =	dma.local @!p0 [hbm:s6], $0xF7A  }
0x23: {  	s9 =	sor.u32 $0xD0000000, s2;
	s6 =	simm.s32 $0x108;
	_ =	swait.ge @!p0 [sflag:s8], $0x0  }
0x24: {  	s3 =	sadd.s32 $0x88, s3;
	s6 =	simm.s32 @!p1 $0x1082;
	[sflag:s4] =	ssyncset.s32 $0xFFFFF086  }
0x25: {  	[simem:s6], [sflag:s4] =	dma.local [hbm:s3], $0xF7A  }
0x26: {  	[smem:$0x3F99] =	sst s1;
	(tag) =	ssettag s2;
	_ =	strace s9  }
0x27: {  	s1 =	sld [smem:$0x3FA9]  }
0x28: {  	s2 =	sld [smem:$0x3FAA]  }
0x29: {  	s4 =	sld [smem:$0x3FAC]  }
0x2a: {  	p0 =	seq.s32 s5, $0x0;
	s5 =	sld [smem:$0x3FAD]  }
0x2b: {  	s6 =	sld [smem:$0x3FAE]  }
0x2c: {  	s7 =	sld [smem:$0x3FAF]  }
0x2d: {  	s3 =	simm.s32 $0x108;
	s8 =	sld [smem:$0x3FB0]  }
0x2e: {  	s3 =	simm.s32 @!p0 $0x1082;
	s9 =	sld [smem:$0x3FB1]  }
0x2f: {  	lr =	sadd.s32 s0, s3;
	s0 =	sld [smem:$0x3FA8]  }
0x30: {  	s3 =	sld [smem:$0x3FAB]  }
0x31: {  	[smem:$0x3FB4] =	sst s10  }
0x32: {  	s10 =	sld [smem:$0x3FB2];
	_ =	sdelay $0x3  }
0x33: {  	p0 =	seq.s32 s10, $0x1;
	s10 =	sld [smem:$0x3FB4];
	_ =	sdelay $0x3  }
0x34: {  	[smem:$0x3FB4] =	sst s10  }
0x35: {  	s10 =	sld [smem:$0x3FB3];
	_ =	sdelay $0x3  }
0x36: {  	p1 =	seq.s32 s10, $0x1;
	s10 =	sld [smem:$0x3FB4];
	_ =	sdelay $0x3  }
0x37: {  	[smem:$0x3FB4] =	sst s10  }
0x38: {  	s10 =	sld [smem:$0x3FB5]  }
0x39: {  	_ = 	snop;
	(pc) =	sbr.ind lr, $3  }
0x3a: {  	_ = 	snop  }
0x3b: {  	_ = 	snop  }
0x3c: {  	p2 =	seq.s32 s10, $0x1;
	s10 =	sld [smem:$0x3FB4]  }
0x3d: {  	_ =	shalt  }
0x3e: {  	_ =	shalt  }
0x3f: {  	_ =	shalt  }
0x40: {  	_ =	shalt  }
0x41: {  	_ =	shalt  }
0x42: {  	_ =	shalt  }
0x43: {  	_ =	shalt  }
0x44: {  	_ =	shalt  }
0x45: {  	_ =	shalt  }
0x46: {  	_ =	shalt  }
0x47: {  	_ =	shalt  }
0x48: {  	_ =	shalt  }
0x49: {  	_ =	shalt  }
0x4a: {  	_ =	shalt  }
0x4b: {  	_ =	shalt  }
0x4c: {  	_ =	shalt  }
0x4d: {  	_ =	shalt  }
0x4e: {  	_ =	shalt  }
0x4f: {  	_ =	shalt  }
0x50: {  	_ =	shalt  }
0x51: {  	_ =	shalt  }
0x52: {  	_ =	shalt  }
0x53: {  	_ =	shalt  }
0x54: {  	_ =	shalt  }
0x55: {  	_ =	shalt  }
0x56: {  	_ =	shalt  }
0x57: {  	_ =	shalt  }
0x58: {  	_ =	shalt  }
0x59: {  	_ =	shalt  }
0x5a: {  	_ =	shalt  }
0x5b: {  	_ =	shalt  }
0x5c: {  	_ =	shalt  }
0x5d: {  	_ =	shalt  }
0x5e: {  	_ =	shalt  }
0x5f: {  	_ =	shalt  }
0x60: {  	_ =	shalt  }
0x61: {  	_ =	shalt  }
0x62: {  	_ =	shalt  }
0x63: {  	_ =	shalt  }
0x64: {  	_ =	shalt  }
0x65: {  	_ =	shalt  }
0x66: {  	_ =	shalt  }
0x67: {  	_ =	shalt  }
0x68: {  	_ =	shalt  }
0x69: {  	_ =	shalt  }
0x6a: {  	_ =	shalt  }
0x6b: {  	_ =	shalt  }
0x6c: {  	_ =	shalt  }
0x6d: {  	_ =	shalt  }
0x6e: {  	_ =	shalt  }
0x6f: {  	_ =	shalt  }
0x70: {  	_ =	shalt  }
0x71: {  	_ =	shalt  }
0x72: {  	_ =	shalt  }
0x73: {  	_ =	shalt  }
0x74: {  	_ =	shalt  }
0x75: {  	_ =	shalt  }
0x76: {  	_ =	shalt  }
0x77: {  	_ =	shalt  }
0x78: {  	_ =	shalt  }
0x79: {  	_ =	shalt  }
0x7a: {  	_ =	shalt  }
0x7b: {  	_ =	shalt  }
0x7c: {  	_ =	shalt  }
0x7d: {  	_ =	shalt  }
0x7e: {  	_ =	shalt  }
0x7f: {  	_ =	shalt  }
0x80: {  	_ =	shalt  }
0x81: {  	_ =	shalt  }
0x82: {  	_ =	shalt  }
0x83: {  	_ =	shalt  }
0x84: {  	_ =	shalt  }
0x85: {  	_ =	shalt  }
0x86: {  	_ =	shalt  }
0x87: {  	_ =	shalt  }
.Lfunc_end0:
.L_simem_size_0:
called_computation.1_lowered:
.L_overlay_start_0:
0x88: {  	s2 =	sld [smem:$0x3FD9]  }
0x89: {  	s3 =	sld [smem:$0x3FFE];
	_ =	sdelay $0x1  }
0x8a: {  	s1 =	srdreg.scid  }
0x8b: {  	s0 =	sand.u32 $0x1, s1  }
0x8c: {  	s17 =	sshll.u32 s0, $0xA;
	s2 =	sadd.s32 s3, s2  }
0x8d: {  	s2 =	sadd.s32 s2, s17  }
0x8e: {  	[smem:$0x3FC0] =	sst s2  }
0x8f: {  	_ = 	snop  }
0x90: {  	s2 =	sld [smem:$0x3FD0];
	(tm) =	ssettm $0x1  }
0x91: {  	s18 =	sld [smem:$0x3FFB];
	_ =	sdelay $0x3  }
0x92: {  	_ =	strace s18  }
0x93: {  	s3 =	sld [smem:$0x3FFC];
	_ =	sdelay $0x3  }
0x94: {  	_ =	strace s3  }
0x95: {  	s3 =	sld [smem:$0x3FFD];
	_ =	sdelay $0x3  }
0x96: {  	_ =	strace s3  }
0x97: {  	_ =	strace $0x8FFFFFFF  }
0x98: {  	s19 =	sld [smem:$0x3FDB];
	_ =	sdelay $0x1  }
0x99: {  	s4 =	simm.s32 $_scs_section_size  }
0x9a: {  	s5 =	simm.s32 $_size__tile_overlayer_lowered;
	s6 =	simm.s32 $_tile_overlayer_lowered  }
0x9b: {  	s22 =	simm.s32 $0x1BFF;
	s21 =	sshll.u32 s6, $0x1;
	s3 =	sadd.s32 s4, s19  }
0x9c: {  	s7 =	simm.s32 $0x0;
	s20 =	sshll.u32 s5, $0x1;
	s5 =	sadd.s32 s21, s3  }
0x9d: {  	[timem:s7], [sflag:s22] =	dma.local [hbm:s5], s20  }
0x9e: {  	_ =	swait.ge [sflag:s22], s20  }
0x9f: {  	s4 =	ssub.s32 $0x0, s20;
	[sflag:s22] =	ssyncset.done $0x0  }
0xa0: {  	[sflag:s22] =	ssyncadd.s32 s4;
	_ =	sdelay $0x1  }
0xa1: {  	s23 =	simm.s32 $0x1B8B  }
0xa2: {  	_ =	swait.ge [sflag:s23], $0x1  }
0xa3: {  	[sflag:s23] =	ssyncset.done $0x0  }
0xa4: {  	s25 =	simm.s32 $0x1B8E;
	s24 =	sld [smem:$0x3FFE];
	[sflag:s23] =	ssyncadd.s32 $0xFFFFFFFF  }
0xa5: {  	s26 =	simm.s32 $execute0_lowered;
	[smem:$0x3FD2] =	sst s25  }
0xa6: {  	s5 =	sshll.u32 s26, $0x1;
	_ =	strace $0x80000049;
	[dreg:$0x1] =	wrdreg $0xFFFFFFFF  }
0xa7: {  	s28 =	simm.s32 $_size_execute0_lowered;
	s3 =	sadd.s32 s3, s5;
	[dreg:$0x0] =	wrdreg $0x0  }
0xa8: {  	s5 =	sshll.u32 s28, $0x1;
	[dreg:$0x2] =	wrdreg s3  }
0xa9: {  	[dreg:$0x3] =	wrdreg s5  }
0xaa: {  	[dreg:$0x4] =	wrdreg $0xC0  }
0xab: {  	_ =	task [dreg:s7], $0x5FFFF  }
0xac: {  	[dreg:$0x1] =	wrdreg $0xFFFFFFFF  }
0xad: {  	[dreg:$0x0] =	wrdreg $0x60  }
0xae: {  	[dreg:$0x2] =	wrdreg s2  }
0xaf: {  	[dreg:$0x3] =	wrdreg s24  }
0xb0: {  	[dreg:$0x4] =	wrdreg $0x10B800  }
0xb1: {  	[dreg:$0x5] =	wrdreg $0x9  }
0xb2: {  	_ =	task.clear_ibuf [dreg:s7], $0x6FFFF;
	_ =	strace $0x90000049  }
0xb3: {  	s29 =	simm.s32 $0x9;
	_ =	strace $0x8000004B  }
0xb4: {  	_ =	swait.ge [sflag:s29], $0x1  }
0xb5: {  	[sflag:s29] =	ssyncadd.s32 $0xFFFFFFFF  }
0xb6: {  	_ =	strace $0x9000004B  }
0xb7: {  	_ =	sfence  }
0xb8: {  	s30 =	sld [smem:$0x0];
	_ =	sdelay $0x2  }
0xb9: {  	s31 =	sshll.u32 s1, $0xD;
	s1 =	sshrl.u32 s1, $0x2  }
0xba: {  	s3 =	sand.u32 $0x4000, s31;
	s1 =	sadd.s32 s1, s30  }
0xbb: {  	s0 =	sor.u32 s3, s0;
	s1 =	sshll.u32 s1, $0x11  }
0xbc: {  	s0 =	sor.u32 s1, s0  }
0xbd: {  	s0 =	sadd.s32 $0x8F2B, s0  }
0xbe: {  	[sflag:s0] =	ssyncadd.remote.s32 $0x1  }
0xbf: {  	_ =	sfence.sel $0xFFFF  }
0xc0: {  	[dreg:$0x0] =	wrdreg $0xFFFFFFFF;
	(pc) =	sbr.abs _section_cstart, $3  }
0xc1: {  	[dreg:$0x1] =	wrdreg $0xFFFFFFFF  }
0xc2: {  	_ =	task.clear_ibuf [dreg:s7], $0x2FFFF;
	_ =	strace $0x9FFFFFFF  }
0xc3: {  	(tm) =	ssettm $0x7FFFFFFF  }
tec
execute0_lowered:
.L_overlay_start_1:
0x0: {  	(tag) =	ssettag $0x1  }
0x1: {  	s2 =	rddreg [dreg:$0x0]  }
0x2: {  	s0 =	srdreg.scid;
	s4 =	rddreg [dreg:$0x1]  }
0x3: {  	s14 =	stileid.u32;
	s3 =	rddreg [dreg:$0x2];
	s6 =	simm.s32 $0x0  }
0x4: {  	s28 =	simm.s32 $0xD840;
	s29 =	simm.s32 $0x1;
	s1 =	smul.u32 $0x4E20, s14  }
0x5: {  	s30 =	simm.s32 $0x2;
	s31 =	simm.s32 $0x3;
	s11 =	smul.u32 $0x271, s14  }
0x6: {  	s0 =	sand.u32 $0x1, s0;
	[smem:$0x7FF] =	sst s6;
	s7 =	smul.u32 $0x27100, s14  }
0x7: {  	s5 =	smul.u32 $0x4E200, s0;
	s18 =	sshll.u32 s0, $0x3;
	s0 =	ssub.s32 $0x2, s0  }
0x8: {  	s14 =	smul.u32 $0x2710, s14;
	_ =	strace $0x8000004A;
	s19 =	sshrl.u32 s0, $0x1  }
0x9: {  	s21 =	sshrl.u32 s7, $0x2;
	s13 =	sadd.s32 $0x7D, s11;
	s15 =	sadd.s32 $0xFA, s11  }
0xa: {  	s24 =	sadd.s32 $0x177, s11;
	s25 =	sadd.s32 $0x1F4, s11;
	s5 =	sadd.s32 s1, s5  }
0xb: {  	s1 =	sshrl.u32 s1, $0x3;
	s0 =	ssub.s32 s0, s19;
	s7 =	sadd.s32 s21, s3  }
0xc: {  	s22 =	sshll.u32 s13, $0x6;
	s23 =	sshll.u32 s15, $0x6;
	s26 =	sshll.u32 s24, $0x6  }
0xd: {  	s12 =	sshll.u32 s25, $0x6;
	s16 =	sshll.u32 s13, $0x4;
	s15 =	sshll.u32 s15, $0x4  }
0xe: {  	s21 =	simm.s32 $0x50;
	s19 =	simm.s32 $0x80;
	s5 =	sshrl.u32 s5, $0x3  }
0xf: {  	s1 =	sadd.s32 s1, s4;
	s8 =	smax.u32 s0, $0x1;
	s9 =	sadd.s32 s22, s3  }
0x10: {  	s10 =	sadd.s32 s23, s3;
	s11 =	sadd.s32 s26, s3;
	s12 =	sadd.s32 s12, s3  }
0x11: {  	s0 =	sshll.u32 s24, $0x4;
	s22 =	simm.s32 $0x9C40;
	s23 =	simm.s32 $0xB040  }
0x12: {  	s24 =	simm.s32 $0x0;
	s5 =	sadd.s32 s5, s4;
	s4 =	sadd.s32 s18, s4  }
0x13: {  	s6 =	sadd.s32 $0x2200, s1;
	s18 =	simm.s32 $0x5;
	s1 =	simm.s32 $0x4  }
0x14: {  	s5 =	sadd.s32 $0xC000, s5;
	s20 =	sadd.s32 $0x1FA00, s4;
	s4 =	sshll.u32 s25, $0x4  }
0x15: {  	s25 =	simm.s32 $0xC440;
	[dreg:$0x4] =	wrdreg s5;
	s13 =	sadd.s32 s14, s20  }
0x16: {  	s14 =	sadd.s32 s16, s20;
	s15 =	sadd.s32 s15, s20;
	s16 =	sadd.s32 s0, s20  }
0x17: {  	v0 =	vimm.f32 $0.0e+00;
	s17 =	sadd.s32 s4, s20;
	s20 =	simm.s32 $0xEC40;
	s0 =	simm.s32 $0x40  }
.LBB2_1:
0x18: {  	s4 =	simm.s32 $0x0;
	s5 =	rddreg [dreg:$0x4]  }
0x19: {  	[tilespmem:s4], [sflag:$0x5] =	stream.linear.gather [hbm4b:s5+s4], $0x4E20, $0x38;
	[tilespmem:$0x1A7C0] =	vst v63  }
0x1a: {  	_ =	swait.ge [sflag:s18], $0x4E20  }
0x1b: {  	[sflag:s18] =	ssyncset.done $0x0  }
0x1c: {  	s26 =	simm.s32 $0x4E20;
	[sflag:s18] =	ssyncadd.s32 $0xFFFFB1E0  }
0x1d: {  	[tilespmem:s26], [sflag:$0x5] =	stream.linear.gather [hbm4b:s6+s4], $0x4E20, $0x38;
	[tilespmem:$0x1A7C0] =	vst v63  }
0x1e: {  	_ =	swait.ge [sflag:s18], $0x4E20  }
0x1f: {  	[sflag:s18] =	ssyncset.done $0x0  }
0x20: {  	s26 =	simm.s32 $0x100;
	s4 =	simm.s32 $0x0;
	[sflag:s18] =	ssyncadd.s32 $0xFFFFB1E0  }
.LBB2_2:
0x21: {  	p0 =	sne.s32 s26, $0x7C00;
	[tilespmem:s4+$0xEC70] =	vst v0;
	s5 =	smov.u32 s26;
	s26 =	sadd.s32 $0x100, s26  }
.Ltmp0:
0x22: {  	[tilespmem:s4+$0xEC60] =	vst v0;
	(pc) =	sbr.rel @p0 .LBB2_2-.Ltmp0, $3  }
0x23: {  	[tilespmem:s4+$0xEC40] =	vst v0  }
0x24: {  	[tilespmem:s4+$0xEC50] =	vst v0;
	_ =	sdelay $0x1  }
0x25: {  	s4 =	sshra.s32 s5, $0x2  }
0x26: {  	[tilespmem:s4+$0xEC70] =	vst v0  }
0x27: {  	[tilespmem:s4+$0xEC60] =	vst v0  }
0x28: {  	[tilespmem:s4+$0xEC40] =	vst v0  }
0x29: {  	[tilespmem:s4+$0xEC50] =	vst v0  }
0x2a: {  	[spmem:s7] =	stream.linear.scatter [tilespmem:s20], [sflag:$0x5], $0x1F40, $0x38;
	[tilespmem:$0x1A7C0] =	vst v63  }
0x2b: {  	_ =	swait.ge [sflag:s18], $0x1F40  }
0x2c: {  	[sflag:s18] =	ssyncset.done $0x0  }
0x2d: {  	[sflag:s18] =	ssyncadd.s32 $0xFFFFE0C0  }
0x2e: {  	[spmem:s9] =	stream.linear.scatter [tilespmem:s20], [sflag:$0x5], $0x1F40, $0x38;
	[tilespmem:$0x1A7C0] =	vst v63  }
0x2f: {  	_ =	swait.ge [sflag:s18], $0x1F40  }
0x30: {  	[sflag:s18] =	ssyncset.done $0x0  }
0x31: {  	[sflag:s18] =	ssyncadd.s32 $0xFFFFE0C0  }
0x32: {  	[spmem:s10] =	stream.linear.scatter [tilespmem:s20], [sflag:$0x5], $0x1F40, $0x38;
	[tilespmem:$0x1A7C0] =	vst v63  }
0x33: {  	_ =	swait.ge [sflag:s18], $0x1F40  }
0x34: {  	[sflag:s18] =	ssyncset.done $0x0  }
0x35: {  	[sflag:s18] =	ssyncadd.s32 $0xFFFFE0C0  }
0x36: {  	[spmem:s11] =	stream.linear.scatter [tilespmem:s20], [sflag:$0x5], $0x1F40, $0x38;
	[tilespmem:$0x1A7C0] =	vst v63  }
0x37: {  	_ =	swait.ge [sflag:s18], $0x1F40  }
0x38: {  	[sflag:s18] =	ssyncset.done $0x0  }
0x39: {  	[sflag:s18] =	ssyncadd.s32 $0xFFFFE0C0  }
0x3a: {  	[spmem:s12] =	stream.linear.scatter [tilespmem:s20], [sflag:$0x5], $0x1F40, $0x38;
	[tilespmem:$0x1A7C0] =	vst v63  }
0x3b: {  	_ =	swait.ge [sflag:s18], $0x1F40  }
0x3c: {  	[sflag:s18] =	ssyncset.done $0x0  }
0x3d: {  	[sflag:s18] =	ssyncadd.s32 $0xFFFFE0C0  }
0x3e: {  	s5 =	simm.s32 $0x0;
	[bflag:$0x0] =	sbarrier.arrive $0xFFFF  }
0x3f: {  	[tilespmem:s22], [sflag:$0x1] =	stream.indirect.gather [hbm4b:s2+s21], $0x40, s5, s21, $0xb8;
	[tilespmem:$0x1A7C0] =	vst v63  }
0x40: {  	_ = 	snop  }
0x41: {  	[tilespmem:s23], [sflag:$0x2] =	stream.indirect.gather [hbm4b:s2+s21], $0x40, s21, s21, $0xb8;
	[tilespmem:$0x1A7C0] =	vst v63  }
0x42: {  	s26 =	simm.s32 $0xA0  }
0x43: {  	[tilespmem:s25], [sflag:$0x3] =	stream.indirect.gather [hbm4b:s2+s21], $0x40, s26, s21, $0xb8;
	[tilespmem:$0x1A7C0] =	vst v63  }
0x44: {  	s5 =	simm.s32 $0xF0  }
0x45: {  	[tilespmem:s28], [sflag:$0x4] =	stream.indirect.gather [hbm4b:s2+s21], $0x40, s5, s21, $0xb8;
	[tilespmem:$0x1A7C0] =	vst v63  }
0x46: {  	_ =	swait.ge [sflag:s29], $0x1400  }
0x47: {  	[sflag:s29] =	ssyncset.done $0x0  }
0x48: {  	s26 =	simm.s32 $0x4E20;
	[sflag:s29] =	ssyncadd.s32 $0xFFFFEC00  }
0x49: {  	[spmem:s3] =	stream.indirect.scatter.add.f32 [tilespmem:s22], [sflag:$0x1], $0x40, s26, s21, $0xb8;
	[tilespmem:$0x1A7C0] =	vst v63  }
0x4a: {  	_ =	swait.ge [sflag:s29], $0x1400  }
0x4b: {  	[sflag:s29] =	ssyncset.done $0x0  }
0x4c: {  	s5 =	simm.s32 $0x140;
	[sflag:s29] =	ssyncadd.s32 $0xFFFFEC00  }
0x4d: {  	[tilespmem:s22], [sflag:$0x1] =	stream.indirect.gather [hbm4b:s2+s21], $0x40, s5, s21, $0xb8;
	[tilespmem:$0x1A7C0] =	vst v63  }
0x4e: {  	_ =	swait.ge [sflag:s30], $0x1400  }
0x4f: {  	[sflag:s30] =	ssyncset.done $0x0  }
0x50: {  	s26 =	simm.s32 $0x4E70;
	[sflag:s30] =	ssyncadd.s32 $0xFFFFEC00  }
0x51: {  	[spmem:s3] =	stream.indirect.scatter.add.f32 [tilespmem:s23], [sflag:$0x2], $0x40, s26, s21, $0xb8;
	[tilespmem:$0x1A7C0] =	vst v63  }
0x52: {  	_ =	swait.ge [sflag:s30], $0x1400  }
0x53: {  	[sflag:s30] =	ssyncset.done $0x0  }
0x54: {  	s5 =	simm.s32 $0x190;
	[sflag:s30] =	ssyncadd.s32 $0xFFFFEC00  }
0x55: {  	[tilespmem:s23], [sflag:$0x2] =	stream.indirect.gather [hbm4b:s2+s21], $0x40, s5, s21, $0xb8;
	[tilespmem:$0x1A7C0] =	vst v63  }
0x56: {  	_ =	swait.ge [sflag:s31], $0x1400  }
0x57: {  	[sflag:s31] =	ssyncset.done $0x0  }
0x58: {  	s26 =	simm.s32 $0x4EC0;
	[sflag:s31] =	ssyncadd.s32 $0xFFFFEC00  }
0x59: {  	[spmem:s3] =	stream.indirect.scatter.add.f32 [tilespmem:s25], [sflag:$0x3], $0x40, s26, s21, $0xb8;
	[tilespmem:$0x1A7C0] =	vst v63  }
0x5a: {  	_ =	swait.ge [sflag:s31], $0x1400  }
0x5b: {  	[sflag:s31] =	ssyncset.done $0x0  }
0x5c: {  	s5 =	simm.s32 $0x1E0;
	[sflag:s31] =	ssyncadd.s32 $0xFFFFEC00  }
0x5d: {  	[tilespmem:s25], [sflag:$0x3] =	stream.indirect.gather [hbm4b:s2+s21], $0x40, s5, s21, $0xb8;
	[tilespmem:$0x1A7C0] =	vst v63  }
0x5e: {  	_ =	swait.ge [sflag:s1], $0x1400  }
0x5f: {  	[sflag:s1] =	ssyncset.done $0x0  }
0x60: {  	s26 =	simm.s32 $0x4F10;
	[sflag:s1] =	ssyncadd.s32 $0xFFFFEC00  }
0x61: {  	[spmem:s3] =	stream.indirect.scatter.add.f32 [tilespmem:s28], [sflag:$0x4], $0x40, s26, s21, $0xb8;
	[tilespmem:$0x1A7C0] =	vst v63  }
0x62: {  	_ =	swait.ge [sflag:s1], $0x1400  }
0x63: {  	[sflag:s1] =	ssyncset.done $0x0  }
0x64: {  	s4 =	simm.s32 $0x230;
	s26 =	simm.s32 $0x500;
	[sflag:s1] =	ssyncadd.s32 $0xFFFFEC00  }
.LBB2_4:
0x65: {  	[tilespmem:s28], [sflag:$0x4] =	stream.indirect.gather [hbm4b:s2+s21], $0x40, s4, s21, $0xb8;
	[tilespmem:$0x1A7C0] =	vst v63  }
0x66: {  	s4 =	smov.u32 s26  }
0x67: {  	p0 =	sne.s32 s26, $0x12C00;
	s26 =	sadd.s32 $0x500, s26;
	_ =	swait.ge [sflag:s29], $0x1400  }
0x68: {  	s4 =	sshra.s32 s4, $0x2;
	[sflag:s29] =	ssyncset.done $0x0  }
0x69: {  	s5 =	sadd.s32 $0x4E20, s4;
	[sflag:s29] =	ssyncadd.s32 $0xFFFFEC00  }
0x6a: {  	[spmem:s3] =	stream.indirect.scatter.add.f32 [tilespmem:s22], [sflag:$0x1], $0x40, s5, s21, $0xb8;
	[tilespmem:$0x1A7C0] =	vst v63  }
0x6b: {  	_ =	swait.ge [sflag:s29], $0x1400  }
0x6c: {  	[sflag:s29] =	ssyncset.done $0x0  }
0x6d: {  	s5 =	sadd.s32 $0x140, s4;
	[sflag:s29] =	ssyncadd.s32 $0xFFFFEC00  }
0x6e: {  	[tilespmem:s22], [sflag:$0x1] =	stream.indirect.gather [hbm4b:s2+s21], $0x40, s5, s21, $0xb8;
	[tilespmem:$0x1A7C0] =	vst v63  }
0x6f: {  	_ =	swait.ge [sflag:s30], $0x1400  }
0x70: {  	[sflag:s30] =	ssyncset.done $0x0  }
0x71: {  	s5 =	sadd.s32 $0x4E70, s4;
	[sflag:s30] =	ssyncadd.s32 $0xFFFFEC00  }
0x72: {  	[spmem:s3] =	stream.indirect.scatter.add.f32 [tilespmem:s23], [sflag:$0x2], $0x40, s5, s21, $0xb8;
	[tilespmem:$0x1A7C0] =	vst v63  }
0x73: {  	_ =	swait.ge [sflag:s30], $0x1400  }
0x74: {  	[sflag:s30] =	ssyncset.done $0x0  }
0x75: {  	s5 =	sadd.s32 $0x190, s4;
	[sflag:s30] =	ssyncadd.s32 $0xFFFFEC00  }
0x76: {  	[tilespmem:s23], [sflag:$0x2] =	stream.indirect.gather [hbm4b:s2+s21], $0x40, s5, s21, $0xb8;
	[tilespmem:$0x1A7C0] =	vst v63  }
0x77: {  	_ =	swait.ge [sflag:s31], $0x1400  }
0x78: {  	[sflag:s31] =	ssyncset.done $0x0  }
0x79: {  	s5 =	sadd.s32 $0x4EC0, s4;
	[sflag:s31] =	ssyncadd.s32 $0xFFFFEC00  }
0x7a: {  	[spmem:s3] =	stream.indirect.scatter.add.f32 [tilespmem:s25], [sflag:$0x3], $0x40, s5, s21, $0xb8;
	[tilespmem:$0x1A7C0] =	vst v63  }
0x7b: {  	_ =	swait.ge [sflag:s31], $0x1400  }
0x7c: {  	[sflag:s31] =	ssyncset.done $0x0  }
0x7d: {  	s5 =	sadd.s32 $0x1E0, s4;
	[sflag:s31] =	ssyncadd.s32 $0xFFFFEC00  }
0x7e: {  	[tilespmem:s25], [sflag:$0x3] =	stream.indirect.gather [hbm4b:s2+s21], $0x40, s5, s21, $0xb8;
	[tilespmem:$0x1A7C0] =	vst v63  }
0x7f: {  	_ =	swait.ge [sflag:s1], $0x1400  }
0x80: {  	[sflag:s1] =	ssyncset.done $0x0  }
.Ltmp1:
0x81: {  	s5 =	sadd.s32 $0x4F10, s4;
	[sflag:s1] =	ssyncadd.s32 $0xFFFFEC00;
	(pc) =	sbr.rel @p0 .LBB2_4-.Ltmp1, $4  }
0x82: {  	[spmem:s3] =	stream.indirect.scatter.add.f32 [tilespmem:s28], [sflag:$0x4], $0x40, s5, s21, $0xb8;
	[tilespmem:$0x1A7C0] =	vst v63  }
0x83: {  	_ =	swait.ge [sflag:s1], $0x1400  }
0x84: {  	[sflag:s1] =	ssyncset.done $0x0  }
0x85: {  	s4 =	sadd.s32 $0x230, s4;
	[sflag:s1] =	ssyncadd.s32 $0xFFFFEC00  }
0x86: {  	[tilespmem:s28], [sflag:$0x4] =	stream.indirect.gather [hbm4b:s2+s21], $0x40, s4, s21, $0xb8;
	[tilespmem:$0x1A7C0] =	vst v63  }
0x87: {  	_ =	swait.ge [sflag:s29], $0x1400  }
0x88: {  	[sflag:s29] =	ssyncset.done $0x0  }
0x89: {  	s5 =	simm.s32 $0x9A60;
	[sflag:s29] =	ssyncadd.s32 $0xFFFFEC00  }
0x8a: {  	[spmem:s3] =	stream.indirect.scatter.add.f32 [tilespmem:s22], [sflag:$0x1], $0x40, s5, s21, $0xb8;
	[tilespmem:$0x1A7C0] =	vst v63  }
0x8b: {  	_ =	swait.ge [sflag:s29], $0x1400  }
0x8c: {  	[sflag:s29] =	ssyncset.done $0x0  }
0x8d: {  	s26 =	simm.s32 $0x4D80;
	[sflag:s29] =	ssyncadd.s32 $0xFFFFEC00  }
0x8e: {  	[tilespmem:s22], [sflag:$0x1] =	stream.indirect.gather [hbm4b:s2+s21], $0x40, s26, s21, $0xb8;
	[tilespmem:$0x1A7C0] =	vst v63  }
0x8f: {  	_ =	swait.ge [sflag:s30], $0x1400  }
0x90: {  	[sflag:s30] =	ssyncset.done $0x0  }
0x91: {  	s5 =	simm.s32 $0x9AB0;
	[sflag:s30] =	ssyncadd.s32 $0xFFFFEC00  }
0x92: {  	[spmem:s3] =	stream.indirect.scatter.add.f32 [tilespmem:s23], [sflag:$0x2], $0x40, s5, s21, $0xb8;
	[tilespmem:$0x1A7C0] =	vst v63  }
0x93: {  	_ =	swait.ge [sflag:s30], $0x1400  }
0x94: {  	[sflag:s30] =	ssyncset.done $0x0  }
0x95: {  	s26 =	simm.s32 $0x4DD0;
	[sflag:s30] =	ssyncadd.s32 $0xFFFFEC00  }
0x96: {  	[tilespmem:s23], [sflag:$0x2] =	stream.indirect.gather [hbm4b:s2+s21], $0x40, s26, s21, $0xb8;
	[tilespmem:$0x1A7C0] =	vst v63  }
0x97: {  	_ =	swait.ge [sflag:s31], $0x1400  }
0x98: {  	[sflag:s31] =	ssyncset.done $0x0  }
0x99: {  	s5 =	simm.s32 $0x9B00;
	[sflag:s31] =	ssyncadd.s32 $0xFFFFEC00  }
0x9a: {  	[spmem:s3] =	stream.indirect.scatter.add.f32 [tilespmem:s25], [sflag:$0x3], $0x40, s5, s21, $0xb8;
	[tilespmem:$0x1A7C0] =	vst v63  }
0x9b: {  	_ =	swait.ge [sflag:s31], $0x1400  }
0x9c: {  	[sflag:s31] =	ssyncset.done $0x0  }
0x9d: {  	[sflag:s31] =	ssyncadd.s32 $0xFFFFEC00  }
0x9e: {  	_ =	swait.ge [sflag:s1], $0x1400  }
0x9f: {  	[sflag:s1] =	ssyncset.done $0x0  }
0xa0: {  	s26 =	simm.s32 $0x9B50;
	[sflag:s1] =	ssyncadd.s32 $0xFFFFEC00  }
0xa1: {  	[spmem:s3] =	stream.indirect.scatter.add.f32 [tilespmem:s28], [sflag:$0x4], $0x40, s26, s21, $0xb8;
	[tilespmem:$0x1A7C0] =	vst v63  }
0xa2: {  	_ =	swait.ge [sflag:s1], $0x1400  }
0xa3: {  	[sflag:s1] =	ssyncset.done $0x0  }
0xa4: {  	[sflag:s1] =	ssyncadd.s32 $0xFFFFEC00  }
0xa5: {  	_ =	swait.ge [sflag:s29], $0x1400  }
0xa6: {  	[sflag:s29] =	ssyncset.done $0x0  }
0xa7: {  	s5 =	simm.s32 $0x9BA0;
	[sflag:s29] =	ssyncadd.s32 $0xFFFFEC00  }
0xa8: {  	[spmem:s3] =	stream.indirect.scatter.add.f32 [tilespmem:s22], [sflag:$0x1], $0x40, s5, s21, $0xb8;
	[tilespmem:$0x1A7C0] =	vst v63  }
0xa9: {  	_ =	swait.ge [sflag:s29], $0x1400  }
0xaa: {  	[sflag:s29] =	ssyncset.done $0x0  }
0xab: {  	[sflag:s29] =	ssyncadd.s32 $0xFFFFEC00  }
0xac: {  	_ =	swait.ge [sflag:s30], $0x1400  }
0xad: {  	[sflag:s30] =	ssyncset.done $0x0  }
0xae: {  	s26 =	simm.s32 $0x9BF0;
	[sflag:s30] =	ssyncadd.s32 $0xFFFFEC00  }
0xaf: {  	[spmem:s3] =	stream.indirect.scatter.add.f32 [tilespmem:s23], [sflag:$0x2], $0x40, s26, s21, $0xb8;
	[tilespmem:$0x1A7C0] =	vst v63  }
0xb0: {  	_ =	swait.ge [sflag:s30], $0x1400  }
0xb1: {  	[sflag:s30] =	ssyncset.done $0x0  }
0xb2: {  	[sflag:s30] =	ssyncadd.s32 $0xFFFFEC00  }
0xb3: {  	[bflag:$0x0] =	sbarrier.arrive $0xFFFF  }
0xb4: {  	[tilespmem:s20], [sflag:$0x5] =	stream.linear.gather [spmem:s7], $0x1F40, $0x38;
	[tilespmem:$0x1A7C0] =	vst v63  }
0xb5: {  	_ =	swait.ge [sflag:s18], $0x1F40  }
0xb6: {  	[sflag:s18] =	ssyncset.done $0x0  }
0xb7: {  	[sflag:s18] =	ssyncadd.s32 $0xFFFFE0C0  }
0xb8: {  	[hbm4b:s13+s0] =	stream.strided.scatter [tilespmem:s20], [sflag:$0x5], $0x1F40, s19, s0, $0x38;
	[tilespmem:$0x1A7C0] =	vst v63  }
0xb9: {  	_ =	swait.ge [sflag:s18], $0x1F40  }
0xba: {  	[sflag:s18] =	ssyncset.done $0x0  }
0xbb: {  	[sflag:s18] =	ssyncadd.s32 $0xFFFFE0C0  }
0xbc: {  	[tilespmem:s20], [sflag:$0x5] =	stream.linear.gather [spmem:s9], $0x1F40, $0x38;
	[tilespmem:$0x1A7C0] =	vst v63  }
0xbd: {  	_ =	swait.ge [sflag:s18], $0x1F40  }
0xbe: {  	[sflag:s18] =	ssyncset.done $0x0  }
0xbf: {  	[sflag:s18] =	ssyncadd.s32 $0xFFFFE0C0  }
0xc0: {  	[hbm4b:s14+s0] =	stream.strided.scatter [tilespmem:s20], [sflag:$0x5], $0x1F40, s19, s0, $0x38;
	[tilespmem:$0x1A7C0] =	vst v63  }
0xc1: {  	_ =	swait.ge [sflag:s18], $0x1F40  }
0xc2: {  	[sflag:s18] =	ssyncset.done $0x0  }
0xc3: {  	[sflag:s18] =	ssyncadd.s32 $0xFFFFE0C0  }
0xc4: {  	[tilespmem:s20], [sflag:$0x5] =	stream.linear.gather [spmem:s10], $0x1F40, $0x38;
	[tilespmem:$0x1A7C0] =	vst v63  }
0xc5: {  	_ =	swait.ge [sflag:s18], $0x1F40  }
0xc6: {  	[sflag:s18] =	ssyncset.done $0x0  }
0xc7: {  	[sflag:s18] =	ssyncadd.s32 $0xFFFFE0C0  }
0xc8: {  	[hbm4b:s15+s0] =	stream.strided.scatter [tilespmem:s20], [sflag:$0x5], $0x1F40, s19, s0, $0x38;
	[tilespmem:$0x1A7C0] =	vst v63  }
0xc9: {  	_ =	swait.ge [sflag:s18], $0x1F40  }
0xca: {  	[sflag:s18] =	ssyncset.done $0x0  }
0xcb: {  	[sflag:s18] =	ssyncadd.s32 $0xFFFFE0C0  }
0xcc: {  	[tilespmem:s20], [sflag:$0x5] =	stream.linear.gather [spmem:s11], $0x1F40, $0x38;
	[tilespmem:$0x1A7C0] =	vst v63  }
0xcd: {  	_ =	swait.ge [sflag:s18], $0x1F40  }
0xce: {  	[sflag:s18] =	ssyncset.done $0x0  }
0xcf: {  	[sflag:s18] =	ssyncadd.s32 $0xFFFFE0C0  }
0xd0: {  	[hbm4b:s16+s0] =	stream.strided.scatter [tilespmem:s20], [sflag:$0x5], $0x1F40, s19, s0, $0x38;
	[tilespmem:$0x1A7C0] =	vst v63  }
0xd1: {  	_ =	swait.ge [sflag:s18], $0x1F40  }
0xd2: {  	[sflag:s18] =	ssyncset.done $0x0  }
0xd3: {  	[sflag:s18] =	ssyncadd.s32 $0xFFFFE0C0  }
0xd4: {  	[tilespmem:s20], [sflag:$0x5] =	stream.linear.gather [spmem:s12], $0x1F40, $0x38;
	[tilespmem:$0x1A7C0] =	vst v63  }
0xd5: {  	s24 =	sadd.s32 $0x1, s24;
	_ =	swait.ge [sflag:s18], $0x1F40  }
0xd6: {  	p0 =	sne.s32 s24, s8;
	[sflag:s18] =	ssyncset.done $0x0  }
.Ltmp2:
0xd7: {  	[sflag:s18] =	ssyncadd.s32 $0xFFFFE0C0;
	(pc) =	sbr.rel @p0 .LBB2_1-.Ltmp2, $4  }
0xd8: {  	[hbm4b:s17+s0] =	stream.strided.scatter [tilespmem:s20], [sflag:$0x5], $0x1F40, s19, s0, $0x38;
	[tilespmem:$0x1A7C0] =	vst v63  }
0xd9: {  	_ =	swait.ge [sflag:s18], $0x1F40  }
0xda: {  	[sflag:s18] =	ssyncset.done $0x0  }
0xdb: {  	[sflag:s18] =	ssyncadd.s32 $0xFFFFE0C0  }
0xdc: {  	_ =	sfence.sel $0x180000  }
0xdd: {  	[bflag:$0x0] =	sbarrier.arrive $0xFFFF  }
0xde: {  	_ =	strace $0x9000004A  }
0xdf: {  	s0 =	stileid.u32;
	[bflag:$0x2] =	sbarrier.arrive $0xFFFF  }
0xe0: {  	p0 =	sne.s32 s0, $0x0;
	s0 =	rddreg [dreg:$0x3]  }
0xe1: {  	s0 =	sadd.s32 @!p0 $0x100000, s0  }
0xe2: {  	[sflag:s0] =	ssyncadd.tile.s32 @!p0 $0x1;
	_ =	shalt  }
.Lfunc_end2:
_tile_overlayer_lowered:
.L_overlay_start_2:
0xe3: {  	(tag) =	ssettag $0x2  }
0xe4: {  	s0 =	rddreg [dreg:$0x0];
	s2 =	stileid.u32  }
0xe5: {  	s1 =	rddreg [dreg:$0x1];
	p0 =	sne.s32 s2, $0x0  }
0xe6: {  	s3 =	rddreg [dreg:$0x2];
	[bflag:$0x3] =	sbarrier.arrive $0xFFFF;
	s2 =	simm.s32 @!p0 $0x1C05  }
0xe7: {  	[timem:s3], [sflag:s2] =	dma.local @!p0 [hbm:s0], s1  }
0xe8: {  	s0 =	simm.s32 @!p0 $0x5  }
0xe9: {  	_ =	swait.ge @!p0 [sflag:s0], s1  }
0xea: {  	s1 =	ssub.s32 @!p0 $0x0, s1;
	[sflag:s0] =	ssyncset.done @!p0 $0x0  }
0xeb: {  	[sflag:s0] =	ssyncadd.s32 @!p0 s1  }
0xec: {  	[bflag:$0x3] =	sbarrier.arrive $0xFFFF  }
0xed: {  	_ =	shalt  }

// kernel: kernel.8.cloned.1.call-start
scs
__scs_entry_jumppad:
0x0: {  	(pc) =	sbr.rel $0x88, $3  }
0x1: {  	(tag) =	ssettag $0x0;
	lr =	simm.s32 $0x1  }
0x2: {  	[smem:$0x3F99] =	sst lr;
	_ =	strace $0xD0000000  }
0x3: {  	_ = 	snop  }
0x4: {  	_ = 	snop  }
0x5: {  	_ = 	snop  }
0x6: {  	_ = 	snop  }
0x7: {  	_ = 	snop  }
__scs_overlays_trampoline_lowered:
0x8: {  	[smem:$0x3FA8] =	sst s0  }
0x9: {  	[smem:$0x3FA9] =	sst s1  }
0xa: {  	[smem:$0x3FAA] =	sst s2  }
0xb: {  	[smem:$0x3FAB] =	sst s3  }
0xc: {  	[smem:$0x3FAC] =	sst s4  }
0xd: {  	[smem:$0x3FAD] =	sst s5  }
0xe: {  	[smem:$0x3FAE] =	sst s6  }
0xf: {  	[smem:$0x3FAF] =	sst s7  }
0x10: {  	[smem:$0x3FB0] =	sst s8  }
0x11: {  	[smem:$0x3FB1] =	sst s9;
	s0 =	simm.s32 @!p0 $0x0  }
0x12: {  	s1 =	sld [smem:$0x3F97];
	s0 =	simm.s32 @p0 $0x1  }
0x13: {  	[smem:$0x3FB2] =	sst s0;
	s0 =	simm.s32 @!p1 $0x0  }
0x14: {  	s2 =	sld [smem:$0x3F96];
	s0 =	simm.s32 @p1 $0x1  }
0x15: {  	[smem:$0x3FB3] =	sst s0;
	s0 =	simm.s32 @!p2 $0x0  }
0x16: {  	s3 =	sld [smem:$0x3FDB];
	s0 =	simm.s32 @p2 $0x1  }
0x17: {  	s4 =	simm.s32 $0x1BF5;
	[smem:$0x3FB5] =	sst s0  }
0x18: {  	s0 =	sld [smem:$0x3F98];
	_ =	swait.ge [sflag:s4], $0x0  }
0x19: {  	s7 =	sld [smem:$0x3F99]  }
0x1a: {  	s8 =	sadd.s32 $0xFFFFE003, lr  }
0x1b: {  	s9 =	sadd.s32 $0xFFFFFEF7, lr;
	s5 =	simm.s32 $0xFFFFFFFF;
	p2 =	slt.u32 s8, $0xFFFFF086  }
0x1c: {  	p1 =	slt.u32 s9, $0xF7A;
	s5 =	simm.s32 @!p2 $0x0  }
0x1d: {  	s5 =	simm.s32 @p1 $0x1;
	p0 =	seq.s32 s7, s2  }
0x1e: {  	s7 =	smul.u32 @!p0 $0xF7A, s2;
	p2 =	seq.s32 @!p0 s5, $0x0  }
0x1f: {  	s9 =	smul.u32 $0xF7A, s1;
	s8 =	simm.s32 @!p0 $0x1BF5;
	p2 =	por !p2, p0  }
0x20: {  	[sflag:s8] =	ssyncset.s32 @!p0 $0xFFFFF086;
	s6 =	sadd.s32 @!p0 s3, s7;
	s7 =	simm.s32 @!p0 $0x108  }
0x21: {  	s3 =	sadd.s32 s3, s9;
	s6 =	sadd.s32 @!p0 $0x88, s6;
	s7 =	simm.s32 @p2 $0x1082  }
0x22: {  	[simem:s7], [sflag:s8] =	dma.local @!p0 [hbm:s6], $0xF7A  }
0x23: {  	s9 =	sor.u32 $0xD0000000, s2;
	s6 =	simm.s32 $0x108;
	_ =	swait.ge @!p0 [sflag:s8], $0x0  }
0x24: {  	s3 =	sadd.s32 $0x88, s3;
	s6 =	simm.s32 @!p1 $0x1082;
	[sflag:s4] =	ssyncset.s32 $0xFFFFF086  }
0x25: {  	[simem:s6], [sflag:s4] =	dma.local [hbm:s3], $0xF7A  }
0x26: {  	[smem:$0x3F99] =	sst s1;
	(tag) =	ssettag s2;
	_ =	strace s9  }
0x27: {  	s1 =	sld [smem:$0x3FA9]  }
0x28: {  	s2 =	sld [smem:$0x3FAA]  }
0x29: {  	s4 =	sld [smem:$0x3FAC]  }
0x2a: {  	p0 =	seq.s32 s5, $0x0;
	s5 =	sld [smem:$0x3FAD]  }
0x2b: {  	s6 =	sld [smem:$0x3FAE]  }
0x2c: {  	s7 =	sld [smem:$0x3FAF]  }
0x2d: {  	s3 =	simm.s32 $0x108;
	s8 =	sld [smem:$0x3FB0]  }
0x2e: {  	s3 =	simm.s32 @!p0 $0x1082;
	s9 =	sld [smem:$0x3FB1]  }
0x2f: {  	lr =	sadd.s32 s0, s3;
	s0 =	sld [smem:$0x3FA8]  }
0x30: {  	s3 =	sld [smem:$0x3FAB]  }
0x31: {  	[smem:$0x3FB4] =	sst s10  }
0x32: {  	s10 =	sld [smem:$0x3FB2];
	_ =	sdelay $0x3  }
0x33: {  	p0 =	seq.s32 s10, $0x1;
	s10 =	sld [smem:$0x3FB4];
	_ =	sdelay $0x3  }
0x34: {  	[smem:$0x3FB4] =	sst s10  }
0x35: {  	s10 =	sld [smem:$0x3FB3];
	_ =	sdelay $0x3  }
0x36: {  	p1 =	seq.s32 s10, $0x1;
	s10 =	sld [smem:$0x3FB4];
	_ =	sdelay $0x3  }
0x37: {  	[smem:$0x3FB4] =	sst s10  }
0x38: {  	s10 =	sld [smem:$0x3FB5]  }
0x39: {  	_ = 	snop;
	(pc) =	sbr.ind lr, $3  }
0x3a: {  	_ = 	snop  }
0x3b: {  	_ = 	snop  }
0x3c: {  	p2 =	seq.s32 s10, $0x1;
	s10 =	sld [smem:$0x3FB4]  }
0x3d: {  	_ =	shalt  }
0x3e: {  	_ =	shalt  }
0x3f: {  	_ =	shalt  }
0x40: {  	_ =	shalt  }
0x41: {  	_ =	shalt  }
0x42: {  	_ =	shalt  }
0x43: {  	_ =	shalt  }
0x44: {  	_ =	shalt  }
0x45: {  	_ =	shalt  }
0x46: {  	_ =	shalt  }
0x47: {  	_ =	shalt  }
0x48: {  	_ =	shalt  }
0x49: {  	_ =	shalt  }
0x4a: {  	_ =	shalt  }
0x4b: {  	_ =	shalt  }
0x4c: {  	_ =	shalt  }
0x4d: {  	_ =	shalt  }
0x4e: {  	_ =	shalt  }
0x4f: {  	_ =	shalt  }
0x50: {  	_ =	shalt  }
0x51: {  	_ =	shalt  }
0x52: {  	_ =	shalt  }
0x53: {  	_ =	shalt  }
0x54: {  	_ =	shalt  }
0x55: {  	_ =	shalt  }
0x56: {  	_ =	shalt  }
0x57: {  	_ =	shalt  }
0x58: {  	_ =	shalt  }
0x59: {  	_ =	shalt  }
0x5a: {  	_ =	shalt  }
0x5b: {  	_ =	shalt  }
0x5c: {  	_ =	shalt  }
0x5d: {  	_ =	shalt  }
0x5e: {  	_ =	shalt  }
0x5f: {  	_ =	shalt  }
0x60: {  	_ =	shalt  }
0x61: {  	_ =	shalt  }
0x62: {  	_ =	shalt  }
0x63: {  	_ =	shalt  }
0x64: {  	_ =	shalt  }
0x65: {  	_ =	shalt  }
0x66: {  	_ =	shalt  }
0x67: {  	_ =	shalt  }
0x68: {  	_ =	shalt  }
0x69: {  	_ =	shalt  }
0x6a: {  	_ =	shalt  }
0x6b: {  	_ =	shalt  }
0x6c: {  	_ =	shalt  }
0x6d: {  	_ =	shalt  }
0x6e: {  	_ =	shalt  }
0x6f: {  	_ =	shalt  }
0x70: {  	_ =	shalt  }
0x71: {  	_ =	shalt  }
0x72: {  	_ =	shalt  }
0x73: {  	_ =	shalt  }
0x74: {  	_ =	shalt  }
0x75: {  	_ =	shalt  }
0x76: {  	_ =	shalt  }
0x77: {  	_ =	shalt  }
0x78: {  	_ =	shalt  }
0x79: {  	_ =	shalt  }
0x7a: {  	_ =	shalt  }
0x7b: {  	_ =	shalt  }
0x7c: {  	_ =	shalt  }
0x7d: {  	_ =	shalt  }
0x7e: {  	_ =	shalt  }
0x7f: {  	_ =	shalt  }
0x80: {  	_ =	shalt  }
0x81: {  	_ =	shalt  }
0x82: {  	_ =	shalt  }
0x83: {  	_ =	shalt  }
0x84: {  	_ =	shalt  }
0x85: {  	_ =	shalt  }
0x86: {  	_ =	shalt  }
0x87: {  	_ =	shalt  }
.Lfunc_end0:
.L_simem_size_0:
called_computation_lowered:
.L_overlay_start_0:
0x88: {  	s2 =	sld [smem:$0x3FD9]  }
0x89: {  	s3 =	sld [smem:$0x3FFE];
	_ =	sdelay $0x1  }
0x8a: {  	s1 =	srdreg.scid  }
0x8b: {  	s0 =	sand.u32 $0x1, s1  }
0x8c: {  	s17 =	sshll.u32 s0, $0xA;
	s2 =	sadd.s32 s3, s2  }
0x8d: {  	s2 =	sadd.s32 s2, s17  }
0x8e: {  	[smem:$0x3FC0] =	sst s2  }
0x8f: {  	_ = 	snop  }
0x90: {  	s2 =	sld [smem:$0x3FD0];
	(tm) =	ssettm $0x1  }
0x91: {  	s18 =	sld [smem:$0x3FFB];
	_ =	sdelay $0x3  }
0x92: {  	_ =	strace s18  }
0x93: {  	s3 =	sld [smem:$0x3FFC];
	_ =	sdelay $0x3  }
0x94: {  	_ =	strace s3  }
0x95: {  	s3 =	sld [smem:$0x3FFD];
	_ =	sdelay $0x3  }
0x96: {  	_ =	strace s3  }
0x97: {  	_ =	strace $0x8FFFFFFF  }
0x98: {  	s19 =	sld [smem:$0x3FDB];
	_ =	sdelay $0x1  }
0x99: {  	s4 =	simm.s32 $_scs_section_size  }
0x9a: {  	s5 =	simm.s32 $_size__tile_overlayer_lowered;
	s6 =	simm.s32 $_tile_overlayer_lowered  }
0x9b: {  	s22 =	simm.s32 $0x1BFF;
	s21 =	sshll.u32 s6, $0x1;
	s3 =	sadd.s32 s4, s19  }
0x9c: {  	s7 =	simm.s32 $0x0;
	s20 =	sshll.u32 s5, $0x1;
	s5 =	sadd.s32 s21, s3  }
0x9d: {  	[timem:s7], [sflag:s22] =	dma.local [hbm:s5], s20  }
0x9e: {  	_ =	swait.ge [sflag:s22], s20  }
0x9f: {  	s4 =	ssub.s32 $0x0, s20;
	[sflag:s22] =	ssyncset.done $0x0  }
0xa0: {  	[sflag:s22] =	ssyncadd.s32 s4;
	_ =	sdelay $0x1  }
0xa1: {  	s23 =	simm.s32 $0x1B8B  }
0xa2: {  	_ =	swait.ge [sflag:s23], $0x1  }
0xa3: {  	[sflag:s23] =	ssyncset.done $0x0  }
0xa4: {  	s25 =	simm.s32 $0x1B8E;
	s24 =	sld [smem:$0x3FFE];
	[sflag:s23] =	ssyncadd.s32 $0xFFFFFFFF  }
0xa5: {  	s26 =	simm.s32 $execute0_lowered;
	[smem:$0x3FD2] =	sst s25  }
0xa6: {  	s5 =	sshll.u32 s26, $0x1;
	_ =	strace $0x80000046;
	[dreg:$0x1] =	wrdreg $0xFFFFFFFF  }
0xa7: {  	s28 =	simm.s32 $_size_execute0_lowered;
	s3 =	sadd.s32 s3, s5;
	[dreg:$0x0] =	wrdreg $0x0  }
0xa8: {  	s5 =	sshll.u32 s28, $0x1;
	[dreg:$0x2] =	wrdreg s3  }
0xa9: {  	[dreg:$0x3] =	wrdreg s5  }
0xaa: {  	[dreg:$0x4] =	wrdreg $0xC0  }
0xab: {  	_ =	task [dreg:s7], $0x5FFFF  }
0xac: {  	[dreg:$0x1] =	wrdreg $0xFFFFFFFF  }
0xad: {  	[dreg:$0x0] =	wrdreg $0x60  }
0xae: {  	[dreg:$0x2] =	wrdreg s2  }
0xaf: {  	[dreg:$0x3] =	wrdreg s24  }
0xb0: {  	[dreg:$0x4] =	wrdreg $0x10B800  }
0xb1: {  	[dreg:$0x5] =	wrdreg $0x1D2400  }
0xb2: {  	[dreg:$0x6] =	wrdreg $0x9  }
0xb3: {  	_ =	task.clear_ibuf [dreg:s7], $0x7FFFF;
	_ =	strace $0x90000046  }
0xb4: {  	s29 =	simm.s32 $0x9;
	_ =	strace $0x80000048  }
0xb5: {  	_ =	swait.ge [sflag:s29], $0x1  }
0xb6: {  	[sflag:s29] =	ssyncadd.s32 $0xFFFFFFFF  }
0xb7: {  	_ =	strace $0x90000048  }
0xb8: {  	_ =	sfence  }
0xb9: {  	s30 =	sld [smem:$0x0];
	_ =	sdelay $0x2  }
0xba: {  	s31 =	sshll.u32 s1, $0xD;
	s1 =	sshrl.u32 s1, $0x2  }
0xbb: {  	s3 =	sand.u32 $0x4000, s31;
	s1 =	sadd.s32 s1, s30  }
0xbc: {  	s0 =	sor.u32 s3, s0;
	s1 =	sshll.u32 s1, $0x11  }
0xbd: {  	s0 =	sor.u32 s1, s0  }
0xbe: {  	s0 =	sadd.s32 $0x8F2B, s0  }
0xbf: {  	[sflag:s0] =	ssyncadd.remote.s32 $0x1  }
0xc0: {  	_ =	sfence.sel $0xFFFF  }
0xc1: {  	[dreg:$0x0] =	wrdreg $0xFFFFFFFF;
	(pc) =	sbr.abs _section_cstart, $3  }
0xc2: {  	[dreg:$0x1] =	wrdreg $0xFFFFFFFF  }
0xc3: {  	_ =	task.clear_ibuf [dreg:s7], $0x2FFFF;
	_ =	strace $0x9FFFFFFF  }
0xc4: {  	(tm) =	ssettm $0x7FFFFFFF  }
0xc5: {  	_ =	shalt  }
tec
execute0_lowered:
.L_overlay_start_1:
0x0: {  	(tag) =	ssettag $0x1  }
0x1: {  	s15 =	stileid.u32  }
0x2: {  	s5 =	smul.u32 $0x4E20, s15  }
0x3: {  	s1 =	rddreg [dreg:$0x0];
	s9 =	smul.u32 $0x280, s15  }
0x4: {  	s0 =	rddreg [dreg:$0x1];
	s11 =	smul.u32 $0xA000, s15  }
0x5: {  	s2 =	srdreg.scid;
	s23 =	smul.u32 $0xA00, s15  }
0x6: {  	s3 =	rddreg [dreg:$0x2];
	s24 =	smul.u32 $0x271, s15  }
0x7: {  	s6 =	rddreg [dreg:$0x3];
	s4 =	simm.s32 $0x0;
	s26 =	smul.u32 $0x27100, s15  }
0x8: {  	s28 =	simm.s32 $0x9C40;
	s2 =	sand.u32 $0x1, s2;
	s17 =	smul.u32 $0x2710, s15  }
0x9: {  	s29 =	simm.s32 $0xB040;
	s31 =	simm.s32 $0xC440;
	s7 =	smul.u32 $0x4E200, s2  }
0xa: {  	s30 =	simm.s32 $0x1A7C0;
	[smem:$0x7FF] =	sst s4;
	s8 =	smul.u32 $0x2800, s2  }
0xb: {  	_ =	strace $0x80000047;
	s10 =	sshll.u32 s2, $0x3;
	s21 =	ssub.s32 $0x2, s2  }
0xc: {  	s2 =	smul.u32 $0x9C40, s2;
	s10 =	sadd.s32 s10, s0;
	s22 =	sshrl.u32 s21, $0x1  }
0xd: {  	s25 =	sshrl.u32 s11, $0x2;
	s19 =	sadd.s32 $0xFA, s24;
	s11 =	simm.s32 $0x0  }
0xe: {  	s7 =	sadd.s32 s5, s7;
	s5 =	sshrl.u32 s5, $0x3;
	s8 =	sadd.s32 s9, s8  }
0xf: {  	s9 =	sshrl.u32 s23, $0x2;
	s20 =	sshll.u32 s19, $0x6;
	s7 =	sshrl.u32 s7, $0x3  }
0x10: {  	s5 =	sadd.s32 s5, s0;
	s8 =	sshrl.u32 s8, $0x3;
	s9 =	sadd.s32 s9, s6  }
0x11: {  	s14 =	sadd.s32 s20, s3;
	s7 =	sadd.s32 s7, s0;
	s0 =	sadd.s32 s8, s0  }
0x12: {  	s8 =	ssub.s32 s21, s22;
	s5 =	sadd.s32 $0x2200, s5;
	s21 =	sadd.s32 $0x177, s24  }
0x13: {  	s7 =	sadd.s32 $0xC000, s7;
	[dreg:$0x6] =	wrdreg s5;
	s0 =	sadd.s32 $0x1FA00, s0  }
0x14: {  	s8 =	smax.u32 s8, $0x1;
	s5 =	sadd.s32 $0x1F4, s24;
	[dreg:$0x5] =	wrdreg s7  }
0x15: {  	s22 =	sshll.u32 s21, $0x6;
	s7 =	sshrl.u32 s2, $0x2;
	[dreg:$0x8] =	wrdreg s0  }
0x16: {  	s2 =	sadd.s32 $0x20400, s10;
	s10 =	sadd.s32 s25, s6;
	[dreg:$0x9] =	wrdreg s8  }
0x17: {  	s6 =	sshrl.u32 s26, $0x2;
	s23 =	sshll.u32 s5, $0x6;
	s15 =	sadd.s32 s22, s3  }
0x18: {  	s25 =	sshll.u32 s19, $0x4;
	s26 =	sshll.u32 s21, $0x4;
	s5 =	sshll.u32 s5, $0x4  }
0x19: {  	s8 =	simm.s32 $0x40;
	[dreg:$0x7] =	wrdreg s10;
	s10 =	sadd.s32 $0x7D, s24  }
0x1a: {  	s12 =	sadd.s32 s6, s3;
	s16 =	sadd.s32 s23, s3;
	s24 =	sadd.s32 s17, s2  }
0x1b: {  	s21 =	sadd.s32 s5, s2;
	s23 =	simm.s32 $0x5;
	s5 =	simm.s32 $0x3  }
0x1c: {  	s6 =	simm.s32 $0x4;
	s18 =	sshll.u32 s10, $0x6;
	s0 =	sshll.u32 s10, $0x4  }
0x1d: {  	[dreg:$0xa] =	wrdreg s24;
	s24 =	simm.s32 $0x1;
	s10 =	simm.s32 $0x80  }
0x1e: {  	s13 =	sadd.s32 s18, s3;
	s0 =	sadd.s32 s0, s2;
	s18 =	sadd.s32 $0x4E70, s7  }
0x1f: {  	[dreg:$0xb] =	wrdreg s0;
	s0 =	sadd.s32 s25, s2;
	s25 =	simm.s32 $0xEC40  }
0x20: {  	[dreg:$0xc] =	wrdreg s0;
	s0 =	sadd.s32 s26, s2;
	s26 =	simm.s32 $0x50  }
0x21: {  	v0 =	vimm.f32 $0.0e+00;
	v1 =	vimm.f32 $1.000000000e+00;
	s2 =	simm.s32 $0x2;
	[dreg:$0xd] =	wrdreg s0;
	s0 =	simm.s32 $0xD840  }
.LBB2_1:
0x22: {  	s17 =	rddreg [dreg:$0x5]  }
0x23: {  	[tilespmem:s4], [sflag:$0x5] =	stream.linear.gather [hbm4b:s17+s4], $0x4E20, $0x38;
	[tilespmem:$0x1FA40] =	vst v63  }
0x24: {  	_ =	swait.ge [sflag:s23], $0x4E20  }
0x25: {  	[sflag:s23] =	ssyncset.done $0x0  }
0x26: {  	s19 =	simm.s32 $0x4E20;
	s22 =	rddreg [dreg:$0x6];
	[sflag:s23] =	ssyncadd.s32 $0xFFFFB1E0  }
0x27: {  	[tilespmem:s19], [sflag:$0x5] =	stream.linear.gather [hbm4b:s22+s4], $0x4E20, $0x38;
	[tilespmem:$0x1FA40] =	vst v63  }
0x28: {  	_ =	swait.ge [sflag:s23], $0x4E20  }
0x29: {  	[sflag:s23] =	ssyncset.done $0x0  }
0x2a: {  	s17 =	simm.s32 $0x0;
	s22 =	simm.s32 $0x100;
	[sflag:s23] =	ssyncadd.s32 $0xFFFFB1E0  }
.LBB2_2:
0x2b: {  	p0 =	sne.s32 s22, $0x7C00;
	[tilespmem:s17+$0xEC70] =	vst v0;
	s19 =	smov.u32 s22;
	s22 =	sadd.s32 $0x100, s22  }
.Ltmp0:
0x2c: {  	[tilespmem:s17+$0xEC60] =	vst v0;
	(pc) =	sbr.rel @p0 .LBB2_2-.Ltmp0, $3  }
0x2d: {  	[tilespmem:s17+$0xEC40] =	vst v0  }
0x2e: {  	[tilespmem:s17+$0xEC50] =	vst v0;
	_ =	sdelay $0x1  }
0x2f: {  	s17 =	sshra.s32 s19, $0x2  }
0x30: {  	[tilespmem:s17+$0xEC70] =	vst v0  }
0x31: {  	[tilespmem:s17+$0xEC60] =	vst v0  }
0x32: {  	[tilespmem:s17+$0xEC40] =	vst v0  }
0x33: {  	[tilespmem:s17+$0xEC50] =	vst v0  }
0x34: {  	[spmem:s12] =	stream.linear.scatter [tilespmem:s25], [sflag:$0x5], $0x1F40, $0x38;
	[tilespmem:$0x1FA40] =	vst v63  }
0x35: {  	_ =	swait.ge [sflag:s23], $0x1F40  }
0x36: {  	[sflag:s23] =	ssyncset.done $0x0  }
0x37: {  	[sflag:s23] =	ssyncadd.s32 $0xFFFFE0C0  }
0x38: {  	[spmem:s13] =	stream.linear.scatter [tilespmem:s25], [sflag:$0x5], $0x1F40, $0x38;
	[tilespmem:$0x1FA40] =	vst v63  }
0x39: {  	_ =	swait.ge [sflag:s23], $0x1F40  }
0x3a: {  	[sflag:s23] =	ssyncset.done $0x0  }
0x3b: {  	[sflag:s23] =	ssyncadd.s32 $0xFFFFE0C0  }
0x3c: {  	[spmem:s14] =	stream.linear.scatter [tilespmem:s25], [sflag:$0x5], $0x1F40, $0x38;
	[tilespmem:$0x1FA40] =	vst v63  }
0x3d: {  	_ =	swait.ge [sflag:s23], $0x1F40  }
0x3e: {  	[sflag:s23] =	ssyncset.done $0x0  }
0x3f: {  	[sflag:s23] =	ssyncadd.s32 $0xFFFFE0C0  }
0x40: {  	[spmem:s15] =	stream.linear.scatter [tilespmem:s25], [sflag:$0x5], $0x1F40, $0x38;
	[tilespmem:$0x1FA40] =	vst v63  }
0x41: {  	_ =	swait.ge [sflag:s23], $0x1F40  }
0x42: {  	[sflag:s23] =	ssyncset.done $0x0  }
0x43: {  	[sflag:s23] =	ssyncadd.s32 $0xFFFFE0C0  }
0x44: {  	[spmem:s16] =	stream.linear.scatter [tilespmem:s25], [sflag:$0x5], $0x1F40, $0x38;
	[tilespmem:$0x1FA40] =	vst v63  }
0x45: {  	_ =	swait.ge [sflag:s23], $0x1F40  }
0x46: {  	[sflag:s23] =	ssyncset.done $0x0  }
0x47: {  	s17 =	simm.s32 $0x40;
	s22 =	simm.s32 $0x0;
	[sflag:s23] =	ssyncadd.s32 $0xFFFFE0C0  }
.LBB2_4:
0x48: {  	p0 =	sne.s32 s17, $0x9FC0;
	[tilespmem:s22+$0x1A7C0] =	vst v0;
	s19 =	smov.u32 s17;
	s17 =	sadd.s32 $0x40, s17  }
.Ltmp1:
0x49: {  	(pc) =	sbr.rel @p0 .LBB2_4-.Ltmp1, $2  }
0x4a: {  	_ =	sdelay $0x2  }
0x4b: {  	s22 =	sshra.s32 s19, $0x2  }
0x4c: {  	[tilespmem:s22+$0x1A7C0] =	vst v0  }
0x4d: {  	s17 =	simm.s32 $0x0;
	[bflag:$0x0] =	sbarrier.arrive $0xFFFF  }
0x4e: {  	[tilespmem:s28], [sflag:$0x1] =	stream.indirect.gather [hbm4b:s1+s26], $0x40, s17, s26, $0xb8;
	[tilespmem:$0x1FA40] =	vst v63  }
0x4f: {  	_ = 	snop  }
0x50: {  	[tilespmem:s29], [sflag:$0x2] =	stream.indirect.gather [hbm4b:s1+s26], $0x40, s26, s26, $0xb8;
	[tilespmem:$0x1FA40] =	vst v63  }
0x51: {  	s19 =	simm.s32 $0xA0  }
0x52: {  	[tilespmem:s31], [sflag:$0x3] =	stream.indirect.gather [hbm4b:s1+s26], $0x40, s19, s26, $0xb8;
	[tilespmem:$0x1FA40] =	vst v63  }
0x53: {  	s22 =	simm.s32 $0xF0  }
0x54: {  	[tilespmem:s0], [sflag:$0x4] =	stream.indirect.gather [hbm4b:s1+s26], $0x40, s22, s26, $0xb8;
	[tilespmem:$0x1FA40] =	vst v63  }
0x55: {  	s22 =	smov.u32 s18  }
.LBB2_6:
0x56: {  	_ =	swait.ge [sflag:s24], $0x1400  }
0x57: {  	s19 =	sshra.s32 s17, $0x2;
	[sflag:s24] =	ssyncset.done $0x0  }
0x58: {  	s20 =	sadd.s32 $0x4E20, s19;
	[sflag:s24] =	ssyncadd.s32 $0xFFFFEC00  }
0x59: {  	[spmem:s3] =	stream.indirect.scatter.add.f32 [tilespmem:s28], [sflag:$0x1], $0x40, s20, s26, $0xb8;
	[tilespmem:$0x1FA40] =	vst v63  }
0x5a: {  	v2 =	vld [tilespmem:s22+$0xFFFFFFB0];
	_ =	sdelay $0x7  }
0x5b: {  	[tilespmem:v2+s30+$0x0] =	vst.idx.add.f32.msk $0xffff, v1  }
0x5c: {  	v2 =	vld [tilespmem:s22+$0xFFFFFFC0];
	_ =	sdelay $0x7  }
0x5d: {  	[tilespmem:v2+s30+$0x0] =	vst.idx.add.f32.msk $0xffff, v1  }
0x5e: {  	v2 =	vld [tilespmem:s22+$0xFFFFFFD0];
	_ =	sdelay $0x7  }
0x5f: {  	[tilespmem:v2+s30+$0x0] =	vst.idx.add.f32.msk $0xffff, v1  }
0x60: {  	v2 =	vld [tilespmem:s22+$0xFFFFFFE0];
	_ =	sdelay $0x7  }
0x61: {  	[tilespmem:v2+s30+$0x0] =	vst.idx.add.f32.msk $0xffff, v1  }
0x62: {  	v2 =	vld [tilespmem:s22+$0xFFFFFFF0];
	_ =	sdelay $0x7  }
0x63: {  	[tilespmem:v2+s30+$0x0] =	vst.idx.add.f32.msk $0xffff, v1  }
0x64: {  	_ =	swait.ge [sflag:s24], $0x1400  }
0x65: {  	[sflag:s24] =	ssyncset.done $0x0  }
0x66: {  	s20 =	sadd.s32 $0x140, s19;
	[sflag:s24] =	ssyncadd.s32 $0xFFFFEC00  }
0x67: {  	[tilespmem:s28], [sflag:$0x1] =	stream.indirect.gather [hbm4b:s1+s26], $0x40, s20, s26, $0xb8;
	[tilespmem:$0x1FA40] =	vst v63  }
0x68: {  	_ =	swait.ge [sflag:s2], $0x1400  }
0x69: {  	[sflag:s2] =	ssyncset.done $0x0  }
0x6a: {  	s20 =	sadd.s32 $0x4E70, s19;
	[sflag:s2] =	ssyncadd.s32 $0xFFFFEC00  }
0x6b: {  	[spmem:s3] =	stream.indirect.scatter.add.f32 [tilespmem:s29], [sflag:$0x2], $0x40, s20, s26, $0xb8;
	[tilespmem:$0x1FA40] =	vst v63  }
0x6c: {  	_ =	swait.ge [sflag:s2], $0x1400  }
0x6d: {  	[sflag:s2] =	ssyncset.done $0x0  }
0x6e: {  	s20 =	sadd.s32 $0x190, s19;
	[sflag:s2] =	ssyncadd.s32 $0xFFFFEC00  }
0x6f: {  	[tilespmem:s29], [sflag:$0x2] =	stream.indirect.gather [hbm4b:s1+s26], $0x40, s20, s26, $0xb8;
	[tilespmem:$0x1FA40] =	vst v63  }
0x70: {  	_ =	swait.ge [sflag:s5], $0x1400  }
0x71: {  	[sflag:s5] =	ssyncset.done $0x0  }
0x72: {  	s20 =	sadd.s32 $0x4EC0, s19;
	[sflag:s5] =	ssyncadd.s32 $0xFFFFEC00  }
0x73: {  	[spmem:s3] =	stream.indirect.scatter.add.f32 [tilespmem:s31], [sflag:$0x3], $0x40, s20, s26, $0xb8;
	[tilespmem:$0x1FA40] =	vst v63  }
0x74: {  	v2 =	vld [tilespmem:s22+$0x0];
	_ =	sdelay $0x7  }
0x75: {  	[tilespmem:v2+s30+$0x0] =	vst.idx.add.f32.msk $0xffff, v1  }
0x76: {  	v2 =	vld [tilespmem:s22+$0x10];
	_ =	sdelay $0x7  }
0x77: {  	[tilespmem:v2+s30+$0x0] =	vst.idx.add.f32.msk $0xffff, v1  }
0x78: {  	v2 =	vld [tilespmem:s22+$0x20];
	_ =	sdelay $0x7  }
0x79: {  	[tilespmem:v2+s30+$0x0] =	vst.idx.add.f32.msk $0xffff, v1  }
0x7a: {  	v2 =	vld [tilespmem:s22+$0x30];
	_ =	sdelay $0x7  }
0x7b: {  	[tilespmem:v2+s30+$0x0] =	vst.idx.add.f32.msk $0xffff, v1  }
0x7c: {  	v2 =	vld [tilespmem:s22+$0x40];
	_ =	sdelay $0x7  }
0x7d: {  	[tilespmem:v2+s30+$0x0] =	vst.idx.add.f32.msk $0xffff, v1  }
0x7e: {  	_ =	swait.ge [sflag:s5], $0x1400  }
0x7f: {  	[sflag:s5] =	ssyncset.done $0x0  }
0x80: {  	s20 =	sadd.s32 $0x1E0, s19;
	[sflag:s5] =	ssyncadd.s32 $0xFFFFEC00  }
0x81: {  	[tilespmem:s31], [sflag:$0x3] =	stream.indirect.gather [hbm4b:s1+s26], $0x40, s20, s26, $0xb8;
	[tilespmem:$0x1FA40] =	vst v63  }
0x82: {  	_ =	swait.ge [sflag:s6], $0x1400  }
0x83: {  	[sflag:s6] =	ssyncset.done $0x0  }
0x84: {  	p0 =	sne.s32 s17, $0x12C00;
	s20 =	sadd.s32 $0x4F10, s19;
	[sflag:s6] =	ssyncadd.s32 $0xFFFFEC00  }
0x85: {  	[spmem:s3] =	stream.indirect.scatter.add.f32 [tilespmem:s0], [sflag:$0x4], $0x40, s20, s26, $0xb8;
	[tilespmem:$0x1FA40] =	vst v63  }
.Ltmp2:
0x86: {  	_ = 	snop;
	(pc) =	sbr.rel @p0 .LBB2_6-.Ltmp2, $4  }
0x87: {  	_ =	swait.ge [sflag:s6], $0x1400  }
0x88: {  	s17 =	sadd.s32 $0x500, s17;
	[sflag:s6] =	ssyncset.done $0x0  }
0x89: {  	s22 =	sadd.s32 $0xA0, s22;
	s19 =	sadd.s32 $0x230, s19;
	[sflag:s6] =	ssyncadd.s32 $0xFFFFEC00  }
0x8a: {  	[tilespmem:s0], [sflag:$0x4] =	stream.indirect.gather [hbm4b:s1+s26], $0x40, s19, s26, $0xb8;
	[tilespmem:$0x1FA40] =	vst v63  }
0x8b: {  	_ =	swait.ge [sflag:s24], $0x1400  }
0x8c: {  	[sflag:s24] =	ssyncset.done $0x0  }
0x8d: {  	s17 =	simm.s32 $0x9A60;
	[sflag:s24] =	ssyncadd.s32 $0xFFFFEC00  }
0x8e: {  	[spmem:s3] =	stream.indirect.scatter.add.f32 [tilespmem:s28], [sflag:$0x1], $0x40, s17, s26, $0xb8;
	[tilespmem:$0x1FA40] =	vst v63  }
0x8f: {  	_ =	swait.ge [sflag:s24], $0x1400  }
0x90: {  	[sflag:s24] =	ssyncset.done $0x0  }
0x91: {  	s19 =	simm.s32 $0x4D80;
	[sflag:s24] =	ssyncadd.s32 $0xFFFFEC00  }
0x92: {  	[tilespmem:s28], [sflag:$0x1] =	stream.indirect.gather [hbm4b:s1+s26], $0x40, s19, s26, $0xb8;
	[tilespmem:$0x1FA40] =	vst v63  }
0x93: {  	_ =	swait.ge [sflag:s2], $0x1400  }
0x94: {  	[sflag:s2] =	ssyncset.done $0x0  }
0x95: {  	s20 =	simm.s32 $0x9AB0;
	[sflag:s2] =	ssyncadd.s32 $0xFFFFEC00  }
0x96: {  	[spmem:s3] =	stream.indirect.scatter.add.f32 [tilespmem:s29], [sflag:$0x2], $0x40, s20, s26, $0xb8;
	[tilespmem:$0x1FA40] =	vst v63  }
0x97: {  	_ =	swait.ge [sflag:s2], $0x1400  }
0x98: {  	[sflag:s2] =	ssyncset.done $0x0  }
0x99: {  	s22 =	simm.s32 $0x4DD0;
	[sflag:s2] =	ssyncadd.s32 $0xFFFFEC00  }
0x9a: {  	[tilespmem:s29], [sflag:$0x2] =	stream.indirect.gather [hbm4b:s1+s26], $0x40, s22, s26, $0xb8;
	[tilespmem:$0x1FA40] =	vst v63  }
0x9b: {  	_ =	swait.ge [sflag:s5], $0x1400  }
0x9c: {  	[sflag:s5] =	ssyncset.done $0x0  }
0x9d: {  	s19 =	simm.s32 $0x9B00;
	[sflag:s5] =	ssyncadd.s32 $0xFFFFEC00  }
0x9e: {  	[spmem:s3] =	stream.indirect.scatter.add.f32 [tilespmem:s31], [sflag:$0x3], $0x40, s19, s26, $0xb8;
	[tilespmem:$0x1FA40] =	vst v63  }
0x9f: {  	_ =	swait.ge [sflag:s5], $0x1400  }
0xa0: {  	[sflag:s5] =	ssyncset.done $0x0  }
0xa1: {  	[sflag:s5] =	ssyncadd.s32 $0xFFFFEC00  }
0xa2: {  	_ =	swait.ge [sflag:s6], $0x1400  }
0xa3: {  	[sflag:s6] =	ssyncset.done $0x0  }
0xa4: {  	s20 =	simm.s32 $0x9B50;
	[sflag:s6] =	ssyncadd.s32 $0xFFFFEC00  }
0xa5: {  	[spmem:s3] =	stream.indirect.scatter.add.f32 [tilespmem:s0], [sflag:$0x4], $0x40, s20, s26, $0xb8;
	[tilespmem:$0x1FA40] =	vst v63  }
0xa6: {  	_ =	swait.ge [sflag:s6], $0x1400  }
0xa7: {  	[sflag:s6] =	ssyncset.done $0x0  }
0xa8: {  	[sflag:s6] =	ssyncadd.s32 $0xFFFFEC00  }
0xa9: {  	_ =	swait.ge [sflag:s24], $0x1400  }
0xaa: {  	[sflag:s24] =	ssyncset.done $0x0  }
0xab: {  	s22 =	simm.s32 $0x9BA0;
	[sflag:s24] =	ssyncadd.s32 $0xFFFFEC00  }
0xac: {  	[spmem:s3] =	stream.indirect.scatter.add.f32 [tilespmem:s28], [sflag:$0x1], $0x40, s22, s26, $0xb8;
	[tilespmem:$0x1FA40] =	vst v63  }
0xad: {  	_ =	swait.ge [sflag:s24], $0x1400  }
0xae: {  	[sflag:s24] =	ssyncset.done $0x0  }
0xaf: {  	[sflag:s24] =	ssyncadd.s32 $0xFFFFEC00  }
0xb0: {  	_ =	swait.ge [sflag:s2], $0x1400  }
0xb1: {  	[sflag:s2] =	ssyncset.done $0x0  }
0xb2: {  	s19 =	simm.s32 $0x9BF0;
	[sflag:s2] =	ssyncadd.s32 $0xFFFFEC00  }
0xb3: {  	[spmem:s3] =	stream.indirect.scatter.add.f32 [tilespmem:s29], [sflag:$0x2], $0x40, s19, s26, $0xb8;
	[tilespmem:$0x1FA40] =	vst v63  }
0xb4: {  	_ =	swait.ge [sflag:s2], $0x1400  }
0xb5: {  	[sflag:s2] =	ssyncset.done $0x0  }
0xb6: {  	[sflag:s2] =	ssyncadd.s32 $0xFFFFEC00  }
0xb7: {  	v2 =	vld [tilespmem:s7+$0x7440];
	_ =	sdelay $0x7  }
0xb8: {  	[tilespmem:v2+s30+$0x0] =	vst.idx.add.f32.msk $0xffff, v1  }
0xb9: {  	v2 =	vld [tilespmem:s7+$0x7450];
	_ =	sdelay $0x7  }
0xba: {  	[tilespmem:v2+s30+$0x0] =	vst.idx.add.f32.msk $0xffff, v1  }
0xbb: {  	v2 =	vld [tilespmem:s7+$0x7460];
	_ =	sdelay $0x7  }
0xbc: {  	[tilespmem:v2+s30+$0x0] =	vst.idx.add.f32.msk $0xffff, v1  }
0xbd: {  	v2 =	vld [tilespmem:s7+$0x7470];
	_ =	sdelay $0x7  }
0xbe: {  	[tilespmem:v2+s30+$0x0] =	vst.idx.add.f32.msk $0xffff, v1  }
0xbf: {  	v2 =	vld [tilespmem:s7+$0x7480];
	_ =	sdelay $0x7  }
0xc0: {  	[tilespmem:v2+s30+$0x0] =	vst.idx.add.f32.msk $0xffff, v1  }
0xc1: {  	v2 =	vld [tilespmem:s7+$0x7490];
	_ =	sdelay $0x7  }
0xc2: {  	[tilespmem:v2+s30+$0x0] =	vst.idx.add.f32.msk $0xffff, v1  }
0xc3: {  	v2 =	vld [tilespmem:s7+$0x74A0];
	_ =	sdelay $0x7  }
0xc4: {  	[tilespmem:v2+s30+$0x0] =	vst.idx.add.f32.msk $0xffff, v1  }
0xc5: {  	v2 =	vld [tilespmem:s7+$0x74B0];
	_ =	sdelay $0x7  }
0xc6: {  	[tilespmem:v2+s30+$0x0] =	vst.idx.add.f32.msk $0xffff, v1  }
0xc7: {  	v2 =	vld [tilespmem:s7+$0x74C0];
	_ =	sdelay $0x7  }
0xc8: {  	[tilespmem:v2+s30+$0x0] =	vst.idx.add.f32.msk $0xffff, v1  }
0xc9: {  	v2 =	vld [tilespmem:s7+$0x74D0];
	_ =	sdelay $0x7  }
0xca: {  	[tilespmem:v2+s30+$0x0] =	vst.idx.add.f32.msk $0xffff, v1  }
0xcb: {  	v2 =	vld [tilespmem:s7+$0x74E0];
	_ =	sdelay $0x7  }
0xcc: {  	[tilespmem:v2+s30+$0x0] =	vst.idx.add.f32.msk $0xffff, v1  }
0xcd: {  	v2 =	vld [tilespmem:s7+$0x74F0];
	_ =	sdelay $0x7  }
0xce: {  	[tilespmem:v2+s30+$0x0] =	vst.idx.add.f32.msk $0xffff, v1  }
0xcf: {  	v2 =	vld [tilespmem:s7+$0x7500];
	_ =	sdelay $0x7  }
0xd0: {  	[tilespmem:v2+s30+$0x0] =	vst.idx.add.f32.msk $0xffff, v1  }
0xd1: {  	v2 =	vld [tilespmem:s7+$0x7510];
	_ =	sdelay $0x7  }
0xd2: {  	[tilespmem:v2+s30+$0x0] =	vst.idx.add.f32.msk $0xffff, v1  }
0xd3: {  	v2 =	vld [tilespmem:s7+$0x7520];
	_ =	sdelay $0x7  }
0xd4: {  	[tilespmem:v2+s30+$0x0] =	vst.idx.add.f32.msk $0xffff, v1  }
0xd5: {  	[bflag:$0x0] =	sbarrier.arrive $0xFFFF  }
0xd6: {  	[tilespmem:s25], [sflag:$0x5] =	stream.linear.gather [spmem:s12], $0x1F40, $0x38;
	[tilespmem:$0x1FA40] =	vst v63  }
0xd7: {  	_ =	swait.ge [sflag:s23], $0x1F40  }
0xd8: {  	[sflag:s23] =	ssyncset.done $0x0  }
0xd9: {  	s20 =	rddreg [dreg:$0xa];
	[sflag:s23] =	ssyncadd.s32 $0xFFFFE0C0  }
0xda: {  	[hbm4b:s20+s8] =	stream.strided.scatter [tilespmem:s25], [sflag:$0x5], $0x1F40, s10, s8, $0x38;
	[tilespmem:$0x1FA40] =	vst v63  }
0xdb: {  	_ =	swait.ge [sflag:s23], $0x1F40  }
0xdc: {  	[sflag:s23] =	ssyncset.done $0x0  }
0xdd: {  	[sflag:s23] =	ssyncadd.s32 $0xFFFFE0C0  }
0xde: {  	[tilespmem:s25], [sflag:$0x5] =	stream.linear.gather [spmem:s13], $0x1F40, $0x38;
	[tilespmem:$0x1FA40] =	vst v63  }
0xdf: {  	_ =	swait.ge [sflag:s23], $0x1F40  }
0xe0: {  	[sflag:s23] =	ssyncset.done $0x0  }
0xe1: {  	s22 =	rddreg [dreg:$0xb];
	[sflag:s23] =	ssyncadd.s32 $0xFFFFE0C0  }
0xe2: {  	[hbm4b:s22+s8] =	stream.strided.scatter [tilespmem:s25], [sflag:$0x5], $0x1F40, s10, s8, $0x38;
	[tilespmem:$0x1FA40] =	vst v63  }
0xe3: {  	_ =	swait.ge [sflag:s23], $0x1F40  }
0xe4: {  	[sflag:s23] =	ssyncset.done $0x0  }
0xe5: {  	[sflag:s23] =	ssyncadd.s32 $0xFFFFE0C0  }
0xe6: {  	[tilespmem:s25], [sflag:$0x5] =	stream.linear.gather [spmem:s14], $0x1F40, $0x38;
	[tilespmem:$0x1FA40] =	vst v63  }
0xe7: {  	_ =	swait.ge [sflag:s23], $0x1F40  }
0xe8: {  	[sflag:s23] =	ssyncset.done $0x0  }
0xe9: {  	s19 =	rddreg [dreg:$0xc];
	[sflag:s23] =	ssyncadd.s32 $0xFFFFE0C0  }
0xea: {  	[hbm4b:s19+s8] =	stream.strided.scatter [tilespmem:s25], [sflag:$0x5], $0x1F40, s10, s8, $0x38;
	[tilespmem:$0x1FA40] =	vst v63  }
0xeb: {  	_ =	swait.ge [sflag:s23], $0x1F40  }
0xec: {  	[sflag:s23] =	ssyncset.done $0x0  }
0xed: {  	[sflag:s23] =	ssyncadd.s32 $0xFFFFE0C0  }
0xee: {  	[tilespmem:s25], [sflag:$0x5] =	stream.linear.gather [spmem:s15], $0x1F40, $0x38;
	[tilespmem:$0x1FA40] =	vst v63  }
0xef: {  	_ =	swait.ge [sflag:s23], $0x1F40  }
0xf0: {  	[sflag:s23] =	ssyncset.done $0x0  }
0xf1: {  	s20 =	rddreg [dreg:$0xd];
	[sflag:s23] =	ssyncadd.s32 $0xFFFFE0C0  }
0xf2: {  	[hbm4b:s20+s8] =	stream.strided.scatter [tilespmem:s25], [sflag:$0x5], $0x1F40, s10, s8, $0x38;
	[tilespmem:$0x1FA40] =	vst v63  }
0xf3: {  	_ =	swait.ge [sflag:s23], $0x1F40  }
0xf4: {  	[sflag:s23] =	ssyncset.done $0x0  }
0xf5: {  	[sflag:s23] =	ssyncadd.s32 $0xFFFFE0C0  }
0xf6: {  	[tilespmem:s25], [sflag:$0x5] =	stream.linear.gather [spmem:s16], $0x1F40, $0x38;
	[tilespmem:$0x1FA40] =	vst v63  }
0xf7: {  	_ =	swait.ge [sflag:s23], $0x1F40  }
0xf8: {  	[sflag:s23] =	ssyncset.done $0x0  }
0xf9: {  	[sflag:s23] =	ssyncadd.s32 $0xFFFFE0C0  }
0xfa: {  	[hbm4b:s21+s8] =	stream.strided.scatter [tilespmem:s25], [sflag:$0x5], $0x1F40, s10, s8, $0x38;
	[tilespmem:$0x1FA40] =	vst v63  }
0xfb: {  	_ =	swait.ge [sflag:s23], $0x1F40  }
0xfc: {  	[sflag:s23] =	ssyncset.done $0x0  }
0xfd: {  	s22 =	rddreg [dreg:$0x7];
	[sflag:s23] =	ssyncadd.s32 $0xFFFFE0C0  }
0xfe: {  	[spmem:s22] =	stream.linear.scatter [tilespmem:s30], [sflag:$0x5], $0x2800, $0x38;
	[tilespmem:$0x1FA40] =	vst v63  }
0xff: {  	_ =	swait.ge [sflag:s23], $0x2800  }
0x100: {  	[sflag:s23] =	ssyncset.done $0x0  }
0x101: {  	[sflag:s23] =	ssyncadd.s32 $0xFFFFD800  }
0x102: {  	[bflag:$0x0] =	sbarrier.arrive $0xFFFF  }
0x103: {  	[tilespmem:$0x1CFC0] =	vst v0  }
0x104: {  	[tilespmem:$0x1CFD0] =	vst v0  }
0x105: {  	[tilespmem:$0x1CFE0] =	vst v0  }
0x106: {  	[tilespmem:$0x1CFF0] =	vst v0  }
0x107: {  	[tilespmem:$0x1D000] =	vst v0  }
0x108: {  	[tilespmem:$0x1D010] =	vst v0  }
0x109: {  	[tilespmem:$0x1D020] =	vst v0  }
0x10a: {  	[tilespmem:$0x1D030] =	vst v0  }
0x10b: {  	[tilespmem:$0x1D040] =	vst v0  }
0x10c: {  	[tilespmem:$0x1D050] =	vst v0  }
0x10d: {  	[tilespmem:$0x1D060] =	vst v0  }
0x10e: {  	[tilespmem:$0x1D070] =	vst v0  }
0x10f: {  	[tilespmem:$0x1D080] =	vst v0  }
0x110: {  	[tilespmem:$0x1D090] =	vst v0  }
0x111: {  	[tilespmem:$0x1D0A0] =	vst v0  }
0x112: {  	[tilespmem:$0x1D0B0] =	vst v0  }
0x113: {  	[tilespmem:$0x1D0C0] =	vst v0  }
0x114: {  	[tilespmem:$0x1D0D0] =	vst v0  }
0x115: {  	[tilespmem:$0x1D0E0] =	vst v0  }
0x116: {  	[tilespmem:$0x1D0F0] =	vst v0  }
0x117: {  	[tilespmem:$0x1D100] =	vst v0  }
0x118: {  	[tilespmem:$0x1D110] =	vst v0  }
0x119: {  	[tilespmem:$0x1D120] =	vst v0  }
0x11a: {  	[tilespmem:$0x1D130] =	vst v0  }
0x11b: {  	[tilespmem:$0x1D140] =	vst v0  }
0x11c: {  	[tilespmem:$0x1D150] =	vst v0  }
0x11d: {  	[tilespmem:$0x1D160] =	vst v0  }
0x11e: {  	[tilespmem:$0x1D170] =	vst v0  }
0x11f: {  	[tilespmem:$0x1D180] =	vst v0  }
0x120: {  	[tilespmem:$0x1D190] =	vst v0  }
0x121: {  	[tilespmem:$0x1D1A0] =	vst v0  }
0x122: {  	[tilespmem:$0x1D1B0] =	vst v0  }
0x123: {  	[tilespmem:$0x1D1C0] =	vst v0  }
0x124: {  	[tilespmem:$0x1D1D0] =	vst v0  }
0x125: {  	[tilespmem:$0x1D1E0] =	vst v0  }
0x126: {  	[tilespmem:$0x1D1F0] =	vst v0  }
0x127: {  	[tilespmem:$0x1D200] =	vst v0  }
0x128: {  	[tilespmem:$0x1D210] =	vst v0  }
0x129: {  	[tilespmem:$0x1D220] =	vst v0  }
0x12a: {  	s17 =	simm.s32 $0x0;
	[tilespmem:$0x1D230] =	vst v0  }
.LBB2_8:
0x12b: {  	s19 =	sshra.s32 s17, $0x2  }
0x12c: {  	s19 =	sadd.s32 s19, s9  }
0x12d: {  	[tilespmem:s30], [sflag:$0x5] =	stream.linear.gather [spmem:s19], $0x280, $0x38;
	[tilespmem:$0x1FA40] =	vst v63  }
0x12e: {  	_ =	swait.ge [sflag:s23], $0x280  }
0x12f: {  	[sflag:s23] =	ssyncset.done $0x0  }
0x130: {  	[sflag:s23] =	ssyncadd.s32 $0xFFFFFD80  }
0x131: {  	v2 =	vld [tilespmem:$0x1CFC0]  }
0x132: {  	v3 =	vld [tilespmem:$0x1A7C0]  }
0x133: {  	v4 =	vld [tilespmem:$0x1CFD0]  }
0x134: {  	v5 =	vld [tilespmem:$0x1A7D0]  }
0x135: {  	v6 =	vld [tilespmem:$0x1CFE0]  }
0x136: {  	v7 =	vld [tilespmem:$0x1A7E0]  }
0x137: {  	v8 =	vld [tilespmem:$0x1CFF0]  }
0x138: {  	v9 =	vld [tilespmem:$0x1A7F0]  }
0x139: {  	v10 =	vld [tilespmem:$0x1D000]  }
0x13a: {  	v11 =	vld [tilespmem:$0x1A800]  }
0x13b: {  	v12 =	vld [tilespmem:$0x1D010]  }
0x13c: {  	v13 =	vld [tilespmem:$0x1A810]  }
0x13d: {  	v14 =	vld [tilespmem:$0x1D020]  }
0x13e: {  	v15 =	vld [tilespmem:$0x1A820]  }
0x13f: {  	v16 =	vld [tilespmem:$0x1D030]  }
0x140: {  	v17 =	vld [tilespmem:$0x1A830]  }
0x141: {  	v18 =	vld [tilespmem:$0x1D040]  }
0x142: {  	v19 =	vld [tilespmem:$0x1A840]  }
0x143: {  	v20 =	vld [tilespmem:$0x1D050]  }
0x144: {  	v21 =	vld [tilespmem:$0x1A850]  }
0x145: {  	v22 =	vld [tilespmem:$0x1D060]  }
0x146: {  	v23 =	vld [tilespmem:$0x1A860]  }
0x147: {  	v24 =	vld [tilespmem:$0x1D070]  }
0x148: {  	v25 =	vld [tilespmem:$0x1A870]  }
0x149: {  	v26 =	vld [tilespmem:$0x1D080]  }
0x14a: {  	v27 =	vld [tilespmem:$0x1A880]  }
0x14b: {  	v28 =	vld [tilespmem:$0x1D090]  }
0x14c: {  	v29 =	vld [tilespmem:$0x1A890]  }
0x14d: {  	v30 =	vld [tilespmem:$0x1D0A0]  }
0x14e: {  	v31 =	vld [tilespmem:$0x1A8A0]  }
0x14f: {  	v32 =	vld [tilespmem:$0x1D0B0]  }
0x150: {  	v33 =	vld [tilespmem:$0x1A8B0]  }
0x151: {  	v34 =	vld [tilespmem:$0x1D0C0]  }
0x152: {  	v35 =	vld [tilespmem:$0x1A8C0]  }
0x153: {  	v36 =	vld [tilespmem:$0x1D0D0]  }
0x154: {  	v37 =	vld [tilespmem:$0x1A8D0]  }
0x155: {  	v38 =	vld [tilespmem:$0x1D0E0]  }
0x156: {  	v39 =	vld [tilespmem:$0x1A8E0]  }
0x157: {  	v40 =	vld [tilespmem:$0x1D0F0]  }
0x158: {  	v41 =	vld [tilespmem:$0x1A8F0]  }
0x159: {  	v42 =	vld [tilespmem:$0x1D100]  }
0x15a: {  	v43 =	vld [tilespmem:$0x1A900]  }
0x15b: {  	v44 =	vld [tilespmem:$0x1D110]  }
0x15c: {  	v45 =	vld [tilespmem:$0x1A910]  }
0x15d: {  	v46 =	vld [tilespmem:$0x1D120]  }
0x15e: {  	v47 =	vld [tilespmem:$0x1D130];
	v2 =	vadd.f32 v3, v2  }
0x15f: {  	v48 =	vld [tilespmem:$0x1A930];
	v4 =	vadd.f32 v5, v4  }
0x160: {  	v50 =	vld [tilespmem:$0x1D140];
	[tilespmem:$0x1CFC0] =	vst v2;
	v2 =	vadd.f32 v7, v6  }
0x161: {  	v51 =	vld [tilespmem:$0x1A940];
	v49 =	vadd.f32 v9, v8;
	[tilespmem:$0x1CFD0] =	vst v4  }
0x162: {  	v53 =	vld [tilespmem:$0x1D150];
	[tilespmem:$0x1CFE0] =	vst v2;
	v2 =	vadd.f32 v11, v10  }
0x163: {  	v54 =	vld [tilespmem:$0x1A950];
	v52 =	vadd.f32 v13, v12;
	[tilespmem:$0x1CFF0] =	vst v49  }
0x164: {  	v56 =	vld [tilespmem:$0x1D160];
	[tilespmem:$0x1D000] =	vst v2;
	v2 =	vadd.f32 v15, v14  }
0x165: {  	v57 =	vld [tilespmem:$0x1A960];
	v55 =	vadd.f32 v17, v16;
	[tilespmem:$0x1D010] =	vst v52  }
0x166: {  	v59 =	vld [tilespmem:$0x1D170];
	[tilespmem:$0x1D020] =	vst v2;
	v2 =	vadd.f32 v19, v18  }
0x167: {  	v60 =	vld [tilespmem:$0x1A970];
	v58 =	vadd.f32 v21, v20;
	[tilespmem:$0x1D030] =	vst v55  }
0x168: {  	v62 =	vld [tilespmem:$0x1D180];
	[tilespmem:$0x1D040] =	vst v2;
	v2 =	vadd.f32 v23, v22  }
0x169: {  	v63 =	vld [tilespmem:$0x1A980];
	v61 =	vadd.f32 v25, v24;
	[tilespmem:$0x1D050] =	vst v58  }
0x16a: {  	v3 =	vld [tilespmem:$0x1A920];
	[tilespmem:$0x1D060] =	vst v2;
	v2 =	vadd.f32 v27, v26  }
0x16b: {  	v28 =	vadd.f32 v29, v28;
	v29 =	vld [tilespmem:$0x1D190];
	[tilespmem:$0x1D070] =	vst v61  }
0x16c: {  	v32 =	vadd.f32 v33, v32;
	v33 =	vld [tilespmem:$0x1D1A0];
	[tilespmem:$0x1D080] =	vst v2;
	v2 =	vadd.f32 v31, v30  }
0x16d: {  	v36 =	vadd.f32 v37, v36;
	v37 =	vld [tilespmem:$0x1D1B0];
	[tilespmem:$0x1D090] =	vst v28  }
0x16e: {  	v40 =	vadd.f32 v41, v40;
	v41 =	vld [tilespmem:$0x1D1C0];
	[tilespmem:$0x1D0A0] =	vst v2;
	v2 =	vadd.f32 v35, v34  }
0x16f: {  	v44 =	vadd.f32 v45, v44;
	v45 =	vld [tilespmem:$0x1D1D0];
	[tilespmem:$0x1D0B0] =	vst v32  }
0x170: {  	v47 =	vadd.f32 v48, v47;
	v48 =	vld [tilespmem:$0x1D1E0];
	[tilespmem:$0x1D0C0] =	vst v2;
	v2 =	vadd.f32 v39, v38  }
0x171: {  	[tilespmem:$0x1D0D0] =	vst v36;
	v49 =	vld [tilespmem:$0x1A9E0]  }
0x172: {  	v52 =	vld [tilespmem:$0x1A9F0];
	[tilespmem:$0x1D0E0] =	vst v2;
	v2 =	vadd.f32 v43, v42  }
0x173: {  	[tilespmem:$0x1D0F0] =	vst v40;
	v55 =	vld [tilespmem:$0x1AA00]  }
0x174: {  	v58 =	vld [tilespmem:$0x1AA10];
	[tilespmem:$0x1D100] =	vst v2;
	v2 =	vadd.f32 v3, v46  }
0x175: {  	[tilespmem:$0x1D110] =	vst v44;
	v39 =	vld [tilespmem:$0x1A9B0]  }
0x176: {  	v61 =	vld [tilespmem:$0x1AA20];
	[tilespmem:$0x1D120] =	vst v2;
	v2 =	vadd.f32 v51, v50  }
0x177: {  	[tilespmem:$0x1D130] =	vst v47;
	v31 =	vld [tilespmem:$0x1A990];
	v50 =	vadd.f32 v54, v53  }
0x178: {  	v35 =	vld [tilespmem:$0x1A9A0];
	v53 =	vadd.f32 v60, v59;
	[tilespmem:$0x1D140] =	vst v2  }
0x179: {  	v3 =	vld [tilespmem:$0x1A9D0];
	v2 =	vadd.f32 v57, v56;
	[tilespmem:$0x1D150] =	vst v50  }
0x17a: {  	v43 =	vld [tilespmem:$0x1A9C0];
	v59 =	vadd.f32 v39, v37;
	[tilespmem:$0x1D170] =	vst v53  }
0x17b: {  	v51 =	vld [tilespmem:$0x1D1F0];
	[tilespmem:$0x1D160] =	vst v2;
	v2 =	vadd.f32 v63, v62  }
0x17c: {  	v54 =	vld [tilespmem:$0x1D200];
	v56 =	vadd.f32 v31, v29;
	[tilespmem:$0x1D1B0] =	vst v59  }
0x17d: {  	v57 =	vld [tilespmem:$0x1D210];
	[tilespmem:$0x1D180] =	vst v2;
	v2 =	vadd.f32 v35, v33  }
0x17e: {  	v3 =	vadd.f32 v3, v45;
	[tilespmem:$0x1D190] =	vst v56;
	v62 =	vld [tilespmem:$0x1D230]  }
0x17f: {  	v63 =	vld [tilespmem:$0x1AA30];
	[tilespmem:$0x1D1A0] =	vst v2;
	v2 =	vadd.f32 v43, v41  }
0x180: {  	v60 =	vld [tilespmem:$0x1D220];
	[tilespmem:$0x1D1D0] =	vst v3;
	v3 =	vadd.f32 v52, v51  }
0x181: {  	[tilespmem:$0x1D1C0] =	vst v2;
	v2 =	vadd.f32 v49, v48  }
0x182: {  	p0 =	sne.s32 s17, $0x96000;
	[tilespmem:$0x1D1F0] =	vst v3;
	v3 =	vadd.f32 v58, v57  }
.Ltmp3:
0x183: {  	[tilespmem:$0x1D1E0] =	vst v2;
	v2 =	vadd.f32 v55, v54;
	(pc) =	sbr.rel @p0 .LBB2_8-.Ltmp3, $4  }
0x184: {  	[tilespmem:$0x1D210] =	vst v3;
	v3 =	vadd.f32 v63, v62  }
0x185: {  	[tilespmem:$0x1D200] =	vst v2;
	v2 =	vadd.f32 v61, v60  }
0x186: {  	[tilespmem:$0x1D230] =	vst v3  }
0x187: {  	s17 =	sadd.s32 $0xA000, s17;
	[tilespmem:$0x1D220] =	vst v2  }
0x188: {  	s17 =	rddreg [dreg:$0x8];
	s19 =	simm.s32 $0x1CFC0  }
0x189: {  	[hbm4b:s17+s4] =	stream.linear.scatter [tilespmem:s19], [sflag:$0x5], $0x280, $0x38;
	[tilespmem:$0x1FA40] =	vst v63  }
0x18a: {  	_ =	swait.ge [sflag:s23], $0x280  }
0x18b: {  	s11 =	sadd.s32 $0x1, s11;
	s22 =	rddreg [dreg:$0x9]  }
0x18c: {  	p0 =	sne.s32 s11, s22  }
.Ltmp4:
0x18d: {  	_ = 	snop;
	(pc) =	sbr.rel @p0 .LBB2_1-.Ltmp4, $3  }
0x18e: {  	_ =	sdelay $0x1  }
0x18f: {  	[sflag:s23] =	ssyncset.done $0x0  }
0x190: {  	[sflag:s23] =	ssyncadd.s32 $0xFFFFFD80  }
0x191: {  	_ =	sfence.sel $0x180000  }
0x192: {  	[bflag:$0x0] =	sbarrier.arrive $0xFFFF  }
0x193: {  	_ =	strace $0x90000047  }
0x194: {  	s0 =	stileid.u32;
	[bflag:$0x2] =	sbarrier.arrive $0xFFFF  }
0x195: {  	p0 =	sne.s32 s0, $0x0;
	s0 =	rddreg [dreg:$0x4]  }
0x196: {  	s0 =	sadd.s32 @!p0 $0x100000, s0  }
0x197: {  	[sflag:s0] =	ssyncadd.tile.s32 @!p0 $0x1;
	_ =	shalt  }
.Lfunc_end2:
_tile_overlayer_lowered:
.L_overlay_start_2:
0x198: {  	(tag) =	ssettag $0x2  }
0x199: {  	s0 =	rddreg [dreg:$0x0];
	s2 =	stileid.u32  }
0x19a: {  	s1 =	rddreg [dreg:$0x1];
	p0 =	sne.s32 s2, $0x0  }
0x19b: {  	s3 =	rddreg [dreg:$0x2];
	[bflag:$0x3] =	sbarrier.arrive $0xFFFF;
	s2 =	simm.s32 @!p0 $0x1C05  }
0x19c: {  	[timem:s3], [sflag:s2] =	dma.local @!p0 [hbm:s0], s1  }
0x19d: {  	s0 =	simm.s32 @!p0 $0x5  }
0x19e: {  	_ =	swait.ge @!p0 [sflag:s0], s1  }
0x19f: {  	s1 =	ssub.s32 @!p0 $0x0, s1;
	[sflag:s0] =	ssyncset.done @!p0 $0x0  }
0x1a0: {  	[sflag:s0] =	ssyncadd.s32 @!p0 s1  }
0x1a1: {  	[bflag:$0x3] =	sbarrier.arrive $0xFFFF  }
0x1a2: {  	_ =	shalt  }

</sc_bundles>
